<compile_context>
chip_gen: v7x
topology: tpu7x:2x2x1
jax: 0.10.2.dev20260603
libtpu: 0.0.44.dev20260713+nightly
codegen_flags: <defaults>
</compile_context>

<pallas_src>
import functools
import math

import jax
import jax.numpy as jnp
from jax import lax
from jax.experimental import pallas as pl
from jax.experimental.pallas import tpu as pltpu
from jax.experimental.pallas import tpu_sc as plsc

_CH = 8
_UNROLL = 2


def _make_sc_kernel(B, S, D):
    info = plsc.get_sparse_core_info()
    NC, NS = info.num_cores, info.num_subcores
    NW = NC * NS
    rows_w = S // NW
    n_chunks = rows_w // _CH
    scale = math.sqrt(D)
    mesh = plsc.VectorSubcoreMesh(core_axis_name="c", subcore_axis_name="s")

    n_buf_per_set = 1 + B
    scratch = [pltpu.VMEM((_CH, D), jnp.float32)] * (2 * n_buf_per_set) + [
        pltpu.SemaphoreType.DMA,
        pltpu.SemaphoreType.DMA,
        pltpu.SemaphoreType.DMA,
        pltpu.SemaphoreType.DMA,
    ]

    @functools.partial(
        pl.kernel, mesh=mesh,
        out_type=jax.ShapeDtypeStruct((B, S, D), jnp.float32),
        scratch_types=scratch,
    )
    def k(x_hbm, pos_hbm, out_hbm, *bufs):
        sets = []
        for r in range(2):
            base = r * n_buf_per_set
            sets.append({
                "pb": bufs[base],
                "xb": bufs[base + 1:base + 1 + B],
            })
        sem_in = bufs[2 * n_buf_per_set:2 * n_buf_per_set + 2]
        sem_out = bufs[2 * n_buf_per_set + 2:2 * n_buf_per_set + 4]

        wid = lax.axis_index("s") * NC + lax.axis_index("c")
        s0 = wid * rows_w

        def load_copies(c, r):
            row0 = s0 + c * _CH
            cps = [pltpu.make_async_copy(
                pos_hbm.at[pl.ds(row0, _CH), :], sets[r]["pb"], sem_in[r])]
            for b in range(B):
                cps.append(pltpu.make_async_copy(
                    x_hbm.at[b, pl.ds(row0, _CH), :],
                    sets[r]["xb"][b], sem_in[r]))
            return cps

        def store_copies(c, r):
            row0 = s0 + c * _CH
            return [pltpu.make_async_copy(
                sets[r]["xb"][b],
                out_hbm.at[b, pl.ds(row0, _CH), :],
                sem_out[r]) for b in range(B)]

        def compute(r):
            pb = sets[r]["pb"]
            xb = sets[r]["xb"]

            @plsc.parallel_loop(0, D, step=16, unroll=_UNROLL)
            def vec_body(i):
                for row in range(_CH):
                    p = pb[row, pl.ds(i, 16)]
                    for b in range(B):
                        xb[b][row, pl.ds(i, 16)] = (
                            xb[b][row, pl.ds(i, 16)] * scale + p)

        for cp in load_copies(0, 0) + load_copies(1, 1):
            cp.start()

        def slot_body(c, r):
            for cp in load_copies(c, r):
                cp.wait()
            compute(r)
            for cp in store_copies(c, r):
                cp.start()
            @pl.when(c + 2 < n_chunks)
            def _():
                for cp in store_copies(c, r):
                    cp.wait()
                for cp in load_copies(c + 2, r):
                    cp.start()

        def group(g, carry):
            for r in range(2):
                slot_body(2 * g + r, r)
            return carry

        lax.fori_loop(0, n_chunks // 2, group, 0)

        for r in range(2):
            for cp in store_copies(n_chunks - 2 + r, r):
                cp.wait()

    return k


def kernel(x, pos_table):
    B, S, D = x.shape
    k = _make_sc_kernel(B, S, D)
    return k(x, pos_table[:S])

# --- scband reference (transcript-rebuilt; emitter-appended) ---
"""Pipeline reference for scband-add-learned-positional-embedding-1030792151191 (READ-ONLY COPY).

The authoritative reference and input builder live on the scoring server;
editing this copy changes nothing except your own understanding.
"""

import jax, jax.numpy as jnp
import numpy as np
import math

EMBED_DIM = 1024
MAX_LEN = 4096
BATCH = 4
SEQ = 4096


def setup_inputs(seed: int = 0) -> dict:
    key = jax.random.key(seed)
    k_x, k_tab = jax.random.split(key)
    x = jax.random.normal(k_x, (BATCH, SEQ, EMBED_DIM), dtype=jnp.float32)
    # nn.Embedding default init: N(0, 1)
    pos_table = jax.random.normal(k_tab, (MAX_LEN, EMBED_DIM), dtype=jnp.float32)
    return {"x": x, "pos_table": pos_table}


def reference(x, pos_table):
    # scale = sqrt(embed_dim) since scale=True
    scale = math.sqrt(EMBED_DIM)
    # positions over x.size(1), matching the torch module exactly
    positions = jnp.arange(0, x.shape[1], dtype=jnp.int32)
    positional_embedding = jnp.take(pos_table, positions, axis=0)  # [SEQ, EMBED_DIM]
    out = scale * x + positional_embedding  # broadcast over leading dim
    # dropout p=0.0 (eval/identity)
    return out

if __name__ == "__main__":
    import jax
    _d = setup_inputs()
    print(jax.jit(kernel)(*tuple(_d.values())))

</pallas_src>

<mosaic_0001>
#map = affine_map<(d0, d1) -> (0, 0, 0)>
#map1 = affine_map<(d0, d1) -> (0, 0)>
module attributes {stable_mosaic.version = 14 : i64} {
  func.func @k(%arg0: i32, %arg1: i32, %arg2: memref<4x4096x1024xf32, #tpu.memory_space<hbm>>, %arg3: memref<4096x1024xf32, #tpu.memory_space<hbm>>, %arg4: memref<4x4096x1024xf32, #tpu.memory_space<hbm>>, %arg5: memref<8x1024xf32, #tpu.memory_space<vmem>>, %arg6: memref<8x1024xf32, #tpu.memory_space<vmem>>, %arg7: memref<8x1024xf32, #tpu.memory_space<vmem>>, %arg8: memref<8x1024xf32, #tpu.memory_space<vmem>>, %arg9: memref<8x1024xf32, #tpu.memory_space<vmem>>, %arg10: memref<8x1024xf32, #tpu.memory_space<vmem>>, %arg11: memref<8x1024xf32, #tpu.memory_space<vmem>>, %arg12: memref<8x1024xf32, #tpu.memory_space<vmem>>, %arg13: memref<8x1024xf32, #tpu.memory_space<vmem>>, %arg14: memref<8x1024xf32, #tpu.memory_space<vmem>>, %arg15: memref<!tpu.dma_semaphore, #tpu.memory_space<semaphore_mem>>, %arg16: memref<!tpu.dma_semaphore, #tpu.memory_space<semaphore_mem>>, %arg17: memref<!tpu.dma_semaphore, #tpu.memory_space<semaphore_mem>>, %arg18: memref<!tpu.dma_semaphore, #tpu.memory_space<semaphore_mem>>) attributes {dimension_semantics = [#tpu.dimension_semantics<core_parallel>, #tpu.dimension_semantics<subcore_parallel>], iteration_bounds = array<i64: 2, 16>, scalar_prefetch = 0 : i64, scratch_operands = 14 : i64, tpu.core_type = #tpu.core_type<sc_vector_subcore>, window_params = [{transform_indices = #map}, {transform_indices = #map1}, {transform_indices = #map}]} {
    %mul3A = arith.constant 2 : i32
    %mul3A_0 = arith.muli %arg1, %mul3A : i32
    %add3A = arith.addi %mul3A_0, %arg0 : i32
    %mul3A_1 = arith.constant 128 : i32
    %mul3A_2 = arith.muli %add3A, %mul3A_1 : i32
    %add3A_3 = arith.constant 0 : i32
    %add3A_4 = arith.addi %mul3A_2, %add3A_3 : i32
    %add3A_5 = arith.constant 8 : i32
    %add3A_6 = arith.addi %mul3A_2, %add3A_5 : i32
    %dma_start3A = arith.constant 0 : i32
    %dma_start3A_7 = tpu.memref_slice %arg3[%add3A_4, %dma_start3A] : memref<4096x1024xf32, #tpu.memory_space<hbm>> -> memref<8x1024xf32, #tpu.memory_space<hbm>>
    %dma_start3A_8 = arith.constant 0 : i32
    %dma_start3A_9 = tpu.memref_slice %arg3[%add3A_4, %dma_start3A_8] : memref<4096x1024xf32, #tpu.memory_space<hbm>> -> memref<8x1024xf32, #tpu.memory_space<hbm>>
    tpu.enqueue_dma source(%dma_start3A_9 : memref<8x1024xf32, #tpu.memory_space<hbm>>) target(%arg5 : memref<8x1024xf32, #tpu.memory_space<vmem>>) target_semaphore(%arg15 : memref<!tpu.dma_semaphore, #tpu.memory_space<semaphore_mem>>)
    %dma_start3A_10 = arith.constant 0 : i32
    %dma_start3A_11 = arith.constant 0 : i32
    %dma_start3A_12 = tpu.memref_slice %arg2[%dma_start3A_10, %add3A_4, %dma_start3A_11] : memref<4x4096x1024xf32, #tpu.memory_space<hbm>> -> memref<1x8x1024xf32, #tpu.memory_space<hbm>>
    %dma_start3A_13 = tpu.memref_squeeze %dma_start3A_12 : memref<1x8x1024xf32, #tpu.memory_space<hbm>> -> memref<8x1024xf32, #tpu.memory_space<hbm>>
    %dma_start3A_14 = arith.constant 0 : i32
    %dma_start3A_15 = tpu.memref_slice %arg2[%dma_start3A_10, %add3A_4, %dma_start3A_14] : memref<4x4096x1024xf32, #tpu.memory_space<hbm>> -> memref<1x8x1024xf32, #tpu.memory_space<hbm>>
    %dma_start3A_16 = tpu.memref_squeeze %dma_start3A_15 : memref<1x8x1024xf32, #tpu.memory_space<hbm>> -> memref<8x1024xf32, #tpu.memory_space<hbm>>
    tpu.enqueue_dma source(%dma_start3A_16 : memref<8x1024xf32, #tpu.memory_space<hbm>>) target(%arg6 : memref<8x1024xf32, #tpu.memory_space<vmem>>) target_semaphore(%arg15 : memref<!tpu.dma_semaphore, #tpu.memory_space<semaphore_mem>>)
    %dma_start3A_17 = arith.constant 1 : i32
    %dma_start3A_18 = arith.constant 0 : i32
    %dma_start3A_19 = tpu.memref_slice %arg2[%dma_start3A_17, %add3A_4, %dma_start3A_18] : memref<4x4096x1024xf32, #tpu.memory_space<hbm>> -> memref<1x8x1024xf32, #tpu.memory_space<hbm>>
    %dma_start3A_20 = tpu.memref_squeeze %dma_start3A_19 : memref<1x8x1024xf32, #tpu.memory_space<hbm>> -> memref<8x1024xf32, #tpu.memory_space<hbm>>
    %dma_start3A_21 = arith.constant 0 : i32
    %dma_start3A_22 = tpu.memref_slice %arg2[%dma_start3A_17, %add3A_4, %dma_start3A_21] : memref<4x4096x1024xf32, #tpu.memory_space<hbm>> -> memref<1x8x1024xf32, #tpu.memory_space<hbm>>
    %dma_start3A_23 = tpu.memref_squeeze %dma_start3A_22 : memref<1x8x1024xf32, #tpu.memory_space<hbm>> -> memref<8x1024xf32, #tpu.memory_space<hbm>>
    tpu.enqueue_dma source(%dma_start3A_23 : memref<8x1024xf32, #tpu.memory_space<hbm>>) target(%arg7 : memref<8x1024xf32, #tpu.memory_space<vmem>>) target_semaphore(%arg15 : memref<!tpu.dma_semaphore, #tpu.memory_space<semaphore_mem>>)
    %dma_start3A_24 = arith.constant 2 : i32
    %dma_start3A_25 = arith.constant 0 : i32
    %dma_start3A_26 = tpu.memref_slice %arg2[%dma_start3A_24, %add3A_4, %dma_start3A_25] : memref<4x4096x1024xf32, #tpu.memory_space<hbm>> -> memref<1x8x1024xf32, #tpu.memory_space<hbm>>
    %dma_start3A_27 = tpu.memref_squeeze %dma_start3A_26 : memref<1x8x1024xf32, #tpu.memory_space<hbm>> -> memref<8x1024xf32, #tpu.memory_space<hbm>>
    %dma_start3A_28 = arith.constant 0 : i32
    %dma_start3A_29 = tpu.memref_slice %arg2[%dma_start3A_24, %add3A_4, %dma_start3A_28] : memref<4x4096x1024xf32, #tpu.memory_space<hbm>> -> memref<1x8x1024xf32, #tpu.memory_space<hbm>>
    %dma_start3A_30 = tpu.memref_squeeze %dma_start3A_29 : memref<1x8x1024xf32, #tpu.memory_space<hbm>> -> memref<8x1024xf32, #tpu.memory_space<hbm>>
    tpu.enqueue_dma source(%dma_start3A_30 : memref<8x1024xf32, #tpu.memory_space<hbm>>) target(%arg8 : memref<8x1024xf32, #tpu.memory_space<vmem>>) target_semaphore(%arg15 : memref<!tpu.dma_semaphore, #tpu.memory_space<semaphore_mem>>)
    %dma_start3A_31 = arith.constant 3 : i32
    %dma_start3A_32 = arith.constant 0 : i32
    %dma_start3A_33 = tpu.memref_slice %arg2[%dma_start3A_31, %add3A_4, %dma_start3A_32] : memref<4x4096x1024xf32, #tpu.memory_space<hbm>> -> memref<1x8x1024xf32, #tpu.memory_space<hbm>>
    %dma_start3A_34 = tpu.memref_squeeze %dma_start3A_33 : memref<1x8x1024xf32, #tpu.memory_space<hbm>> -> memref<8x1024xf32, #tpu.memory_space<hbm>>
    %dma_start3A_35 = arith.constant 0 : i32
    %dma_start3A_36 = tpu.memref_slice %arg2[%dma_start3A_31, %add3A_4, %dma_start3A_35] : memref<4x4096x1024xf32, #tpu.memory_space<hbm>> -> memref<1x8x1024xf32, #tpu.memory_space<hbm>>
    %dma_start3A_37 = tpu.memref_squeeze %dma_start3A_36 : memref<1x8x1024xf32, #tpu.memory_space<hbm>> -> memref<8x1024xf32, #tpu.memory_space<hbm>>
    tpu.enqueue_dma source(%dma_start3A_37 : memref<8x1024xf32, #tpu.memory_space<hbm>>) target(%arg9 : memref<8x1024xf32, #tpu.memory_space<vmem>>) target_semaphore(%arg15 : memref<!tpu.dma_semaphore, #tpu.memory_space<semaphore_mem>>)
    %dma_start3A_38 = arith.constant 0 : i32
    %dma_start3A_39 = tpu.memref_slice %arg3[%add3A_6, %dma_start3A_38] : memref<4096x1024xf32, #tpu.memory_space<hbm>> -> memref<8x1024xf32, #tpu.memory_space<hbm>>
    %dma_start3A_40 = arith.constant 0 : i32
    %dma_start3A_41 = tpu.memref_slice %arg3[%add3A_6, %dma_start3A_40] : memref<4096x1024xf32, #tpu.memory_space<hbm>> -> memref<8x1024xf32, #tpu.memory_space<hbm>>
    tpu.enqueue_dma source(%dma_start3A_41 : memref<8x1024xf32, #tpu.memory_space<hbm>>) target(%arg10 : memref<8x1024xf32, #tpu.memory_space<vmem>>) target_semaphore(%arg16 : memref<!tpu.dma_semaphore, #tpu.memory_space<semaphore_mem>>)
    %dma_start3A_42 = arith.constant 0 : i32
    %dma_start3A_43 = arith.constant 0 : i32
    %dma_start3A_44 = tpu.memref_slice %arg2[%dma_start3A_42, %add3A_6, %dma_start3A_43] : memref<4x4096x1024xf32, #tpu.memory_space<hbm>> -> memref<1x8x1024xf32, #tpu.memory_space<hbm>>
    %dma_start3A_45 = tpu.memref_squeeze %dma_start3A_44 : memref<1x8x1024xf32, #tpu.memory_space<hbm>> -> memref<8x1024xf32, #tpu.memory_space<hbm>>
    %dma_start3A_46 = arith.constant 0 : i32
    %dma_start3A_47 = tpu.memref_slice %arg2[%dma_start3A_42, %add3A_6, %dma_start3A_46] : memref<4x4096x1024xf32, #tpu.memory_space<hbm>> -> memref<1x8x1024xf32, #tpu.memory_space<hbm>>
    %dma_start3A_48 = tpu.memref_squeeze %dma_start3A_47 : memref<1x8x1024xf32, #tpu.memory_space<hbm>> -> memref<8x1024xf32, #tpu.memory_space<hbm>>
    tpu.enqueue_dma source(%dma_start3A_48 : memref<8x1024xf32, #tpu.memory_space<hbm>>) target(%arg11 : memref<8x1024xf32, #tpu.memory_space<vmem>>) target_semaphore(%arg16 : memref<!tpu.dma_semaphore, #tpu.memory_space<semaphore_mem>>)
    %dma_start3A_49 = arith.constant 1 : i32
    %dma_start3A_50 = arith.constant 0 : i32
    %dma_start3A_51 = tpu.memref_slice %arg2[%dma_start3A_49, %add3A_6, %dma_start3A_50] : memref<4x4096x1024xf32, #tpu.memory_space<hbm>> -> memref<1x8x1024xf32, #tpu.memory_space<hbm>>
    %dma_start3A_52 = tpu.memref_squeeze %dma_start3A_51 : memref<1x8x1024xf32, #tpu.memory_space<hbm>> -> memref<8x1024xf32, #tpu.memory_space<hbm>>
    %dma_start3A_53 = arith.constant 0 : i32
    %dma_start3A_54 = tpu.memref_slice %arg2[%dma_start3A_49, %add3A_6, %dma_start3A_53] : memref<4x4096x1024xf32, #tpu.memory_space<hbm>> -> memref<1x8x1024xf32, #tpu.memory_space<hbm>>
    %dma_start3A_55 = tpu.memref_squeeze %dma_start3A_54 : memref<1x8x1024xf32, #tpu.memory_space<hbm>> -> memref<8x1024xf32, #tpu.memory_space<hbm>>
    tpu.enqueue_dma source(%dma_start3A_55 : memref<8x1024xf32, #tpu.memory_space<hbm>>) target(%arg12 : memref<8x1024xf32, #tpu.memory_space<vmem>>) target_semaphore(%arg16 : memref<!tpu.dma_semaphore, #tpu.memory_space<semaphore_mem>>)
    %dma_start3A_56 = arith.constant 2 : i32
    %dma_start3A_57 = arith.constant 0 : i32
    %dma_start3A_58 = tpu.memref_slice %arg2[%dma_start3A_56, %add3A_6, %dma_start3A_57] : memref<4x4096x1024xf32, #tpu.memory_space<hbm>> -> memref<1x8x1024xf32, #tpu.memory_space<hbm>>
    %dma_start3A_59 = tpu.memref_squeeze %dma_start3A_58 : memref<1x8x1024xf32, #tpu.memory_space<hbm>> -> memref<8x1024xf32, #tpu.memory_space<hbm>>
    %dma_start3A_60 = arith.constant 0 : i32
    %dma_start3A_61 = tpu.memref_slice %arg2[%dma_start3A_56, %add3A_6, %dma_start3A_60] : memref<4x4096x1024xf32, #tpu.memory_space<hbm>> -> memref<1x8x1024xf32, #tpu.memory_space<hbm>>
    %dma_start3A_62 = tpu.memref_squeeze %dma_start3A_61 : memref<1x8x1024xf32, #tpu.memory_space<hbm>> -> memref<8x1024xf32, #tpu.memory_space<hbm>>
    tpu.enqueue_dma source(%dma_start3A_62 : memref<8x1024xf32, #tpu.memory_space<hbm>>) target(%arg13 : memref<8x1024xf32, #tpu.memory_space<vmem>>) target_semaphore(%arg16 : memref<!tpu.dma_semaphore, #tpu.memory_space<semaphore_mem>>)
    %dma_start3A_63 = arith.constant 3 : i32
    %dma_start3A_64 = arith.constant 0 : i32
    %dma_start3A_65 = tpu.memref_slice %arg2[%dma_start3A_63, %add3A_6, %dma_start3A_64] : memref<4x4096x1024xf32, #tpu.memory_space<hbm>> -> memref<1x8x1024xf32, #tpu.memory_space<hbm>>
    %dma_start3A_66 = tpu.memref_squeeze %dma_start3A_65 : memref<1x8x1024xf32, #tpu.memory_space<hbm>> -> memref<8x1024xf32, #tpu.memory_space<hbm>>
    %dma_start3A_67 = arith.constant 0 : i32
    %dma_start3A_68 = tpu.memref_slice %arg2[%dma_start3A_63, %add3A_6, %dma_start3A_67] : memref<4x4096x1024xf32, #tpu.memory_space<hbm>> -> memref<1x8x1024xf32, #tpu.memory_space<hbm>>
    %dma_start3A_69 = tpu.memref_squeeze %dma_start3A_68 : memref<1x8x1024xf32, #tpu.memory_space<hbm>> -> memref<8x1024xf32, #tpu.memory_space<hbm>>
    tpu.enqueue_dma source(%dma_start3A_69 : memref<8x1024xf32, #tpu.memory_space<hbm>>) target(%arg14 : memref<8x1024xf32, #tpu.memory_space<vmem>>) target_semaphore(%arg16 : memref<!tpu.dma_semaphore, #tpu.memory_space<semaphore_mem>>)
    %scan3A = arith.constant 0 : i32
    %scan3A_70 = arith.constant 0 : i32
    %scan3A_71 = arith.constant 8 : i32
    %scan3A_72 = arith.addi %scan3A_70, %scan3A_71 : i32
    %scan3A_73 = arith.constant 1 : i32
    scf.for %scan3A_134 = %scan3A_70 to %scan3A_72 step %scan3A_73  : i32 {
      %mul3A_135 = arith.constant 2 : i32
      %mul3A_136 = arith.muli %mul3A_135, %scan3A_134 : i32
      %add3A_137 = arith.constant 0 : i32
      %add3A_138 = arith.addi %mul3A_136, %add3A_137 : i32
      %mul3A_139 = arith.constant 8 : i32
      %mul3A_140 = arith.muli %add3A_138, %mul3A_139 : i32
      %add3A_141 = arith.addi %mul3A_2, %mul3A_140 : i32
      %dma_wait3A_142 = arith.constant 0 : i32
      %dma_wait3A_143 = tpu.memref_slice %arg3[%add3A_141, %dma_wait3A_142] : memref<4096x1024xf32, #tpu.memory_space<hbm>> -> memref<8x1024xf32, #tpu.memory_space<hbm>>
      %dma_wait3A_144 = arith.constant 0 : i32
      %dma_wait3A_145 = tpu.memref_slice %arg3[%add3A_141, %dma_wait3A_144] : memref<4096x1024xf32, #tpu.memory_space<hbm>> -> memref<8x1024xf32, #tpu.memory_space<hbm>>
      tpu.wait_dma2 semaphore(%arg15 : memref<!tpu.dma_semaphore, #tpu.memory_space<semaphore_mem>>) src(%dma_wait3A_145 : memref<8x1024xf32, #tpu.memory_space<hbm>>) dst(%arg5 : memref<8x1024xf32, #tpu.memory_space<vmem>>)
      %dma_wait3A_146 = arith.constant 0 : i32
      %dma_wait3A_147 = arith.constant 0 : i32
      %dma_wait3A_148 = tpu.memref_slice %arg2[%dma_wait3A_146, %add3A_141, %dma_wait3A_147] : memref<4x4096x1024xf32, #tpu.memory_space<hbm>> -> memref<1x8x1024xf32, #tpu.memory_space<hbm>>
      %dma_wait3A_149 = tpu.memref_squeeze %dma_wait3A_148 : memref<1x8x1024xf32, #tpu.memory_space<hbm>> -> memref<8x1024xf32, #tpu.memory_space<hbm>>
      %dma_wait3A_150 = arith.constant 0 : i32
      %dma_wait3A_151 = tpu.memref_slice %arg2[%dma_wait3A_146, %add3A_141, %dma_wait3A_150] : memref<4x4096x1024xf32, #tpu.memory_space<hbm>> -> memref<1x8x1024xf32, #tpu.memory_space<hbm>>
      %dma_wait3A_152 = tpu.memref_squeeze %dma_wait3A_151 : memref<1x8x1024xf32, #tpu.memory_space<hbm>> -> memref<8x1024xf32, #tpu.memory_space<hbm>>
      tpu.wait_dma2 semaphore(%arg15 : memref<!tpu.dma_semaphore, #tpu.memory_space<semaphore_mem>>) src(%dma_wait3A_152 : memref<8x1024xf32, #tpu.memory_space<hbm>>) dst(%arg6 : memref<8x1024xf32, #tpu.memory_space<vmem>>)
      %dma_wait3A_153 = arith.constant 1 : i32
      %dma_wait3A_154 = arith.constant 0 : i32
      %dma_wait3A_155 = tpu.memref_slice %arg2[%dma_wait3A_153, %add3A_141, %dma_wait3A_154] : memref<4x4096x1024xf32, #tpu.memory_space<hbm>> -> memref<1x8x1024xf32, #tpu.memory_space<hbm>>
      %dma_wait3A_156 = tpu.memref_squeeze %dma_wait3A_155 : memref<1x8x1024xf32, #tpu.memory_space<hbm>> -> memref<8x1024xf32, #tpu.memory_space<hbm>>
      %dma_wait3A_157 = arith.constant 0 : i32
      %dma_wait3A_158 = tpu.memref_slice %arg2[%dma_wait3A_153, %add3A_141, %dma_wait3A_157] : memref<4x4096x1024xf32, #tpu.memory_space<hbm>> -> memref<1x8x1024xf32, #tpu.memory_space<hbm>>
      %dma_wait3A_159 = tpu.memref_squeeze %dma_wait3A_158 : memref<1x8x1024xf32, #tpu.memory_space<hbm>> -> memref<8x1024xf32, #tpu.memory_space<hbm>>
      tpu.wait_dma2 semaphore(%arg15 : memref<!tpu.dma_semaphore, #tpu.memory_space<semaphore_mem>>) src(%dma_wait3A_159 : memref<8x1024xf32, #tpu.memory_space<hbm>>) dst(%arg7 : memref<8x1024xf32, #tpu.memory_space<vmem>>)
      %dma_wait3A_160 = arith.constant 2 : i32
      %dma_wait3A_161 = arith.constant 0 : i32
      %dma_wait3A_162 = tpu.memref_slice %arg2[%dma_wait3A_160, %add3A_141, %dma_wait3A_161] : memref<4x4096x1024xf32, #tpu.memory_space<hbm>> -> memref<1x8x1024xf32, #tpu.memory_space<hbm>>
      %dma_wait3A_163 = tpu.memref_squeeze %dma_wait3A_162 : memref<1x8x1024xf32, #tpu.memory_space<hbm>> -> memref<8x1024xf32, #tpu.memory_space<hbm>>
      %dma_wait3A_164 = arith.constant 0 : i32
      %dma_wait3A_165 = tpu.memref_slice %arg2[%dma_wait3A_160, %add3A_141, %dma_wait3A_164] : memref<4x4096x1024xf32, #tpu.memory_space<hbm>> -> memref<1x8x1024xf32, #tpu.memory_space<hbm>>
      %dma_wait3A_166 = tpu.memref_squeeze %dma_wait3A_165 : memref<1x8x1024xf32, #tpu.memory_space<hbm>> -> memref<8x1024xf32, #tpu.memory_space<hbm>>
      tpu.wait_dma2 semaphore(%arg15 : memref<!tpu.dma_semaphore, #tpu.memory_space<semaphore_mem>>) src(%dma_wait3A_166 : memref<8x1024xf32, #tpu.memory_space<hbm>>) dst(%arg8 : memref<8x1024xf32, #tpu.memory_space<vmem>>)
      %dma_wait3A_167 = arith.constant 3 : i32
      %dma_wait3A_168 = arith.constant 0 : i32
      %dma_wait3A_169 = tpu.memref_slice %arg2[%dma_wait3A_167, %add3A_141, %dma_wait3A_168] : memref<4x4096x1024xf32, #tpu.memory_space<hbm>> -> memref<1x8x1024xf32, #tpu.memory_space<hbm>>
      %dma_wait3A_170 = tpu.memref_squeeze %dma_wait3A_169 : memref<1x8x1024xf32, #tpu.memory_space<hbm>> -> memref<8x1024xf32, #tpu.memory_space<hbm>>
      %dma_wait3A_171 = arith.constant 0 : i32
      %dma_wait3A_172 = tpu.memref_slice %arg2[%dma_wait3A_167, %add3A_141, %dma_wait3A_171] : memref<4x4096x1024xf32, #tpu.memory_space<hbm>> -> memref<1x8x1024xf32, #tpu.memory_space<hbm>>
      %dma_wait3A_173 = tpu.memref_squeeze %dma_wait3A_172 : memref<1x8x1024xf32, #tpu.memory_space<hbm>> -> memref<8x1024xf32, #tpu.memory_space<hbm>>
      tpu.wait_dma2 semaphore(%arg15 : memref<!tpu.dma_semaphore, #tpu.memory_space<semaphore_mem>>) src(%dma_wait3A_173 : memref<8x1024xf32, #tpu.memory_space<hbm>>) dst(%arg9 : memref<8x1024xf32, #tpu.memory_space<vmem>>)
      %parallel_loop3A = arith.constant 0 : i32
      %parallel_loop3A_174 = arith.constant 1024 : i32
      %parallel_loop3A_175 = arith.constant 16 : i32
      scf.for %parallel_loop3A_291 = %parallel_loop3A to %parallel_loop3A_174 step %parallel_loop3A_175  : i32 {
        %parallel_loop3A_292 = arith.constant 0 : i32
        %parallel_loop3A_293 = arith.index_cast %parallel_loop3A_292 : i32 to index
        %parallel_loop3A_294 = arith.index_cast %parallel_loop3A_291 : i32 to index
        %parallel_loop3A_295 = tpu.vector_load %arg5[%parallel_loop3A_293, %parallel_loop3A_294] {strides = array<i32>} : memref<8x1024xf32, #tpu.memory_space<vmem>>, vector<1x16xf32>,
        %parallel_loop3A_296 = vector.shape_cast %parallel_loop3A_295 : vector<1x16xf32> to vector<16xf32>
        %parallel_loop3A_297 = arith.constant 0 : i32
        %parallel_loop3A_298 = arith.index_cast %parallel_loop3A_297 : i32 to index
        %parallel_loop3A_299 = arith.index_cast %parallel_loop3A_291 : i32 to index
        %parallel_loop3A_300 = tpu.vector_load %arg6[%parallel_loop3A_298, %parallel_loop3A_299] {strides = array<i32>} : memref<8x1024xf32, #tpu.memory_space<vmem>>, vector<1x16xf32>,
        %parallel_loop3A_301 = vector.shape_cast %parallel_loop3A_300 : vector<1x16xf32> to vector<16xf32>
        %parallel_loop3A_302 = arith.constant 3.200000e+01 : f32
        %parallel_loop3A_303 = vector.broadcast %parallel_loop3A_302 : f32 to vector<16xf32>
        %parallel_loop3A_304 = arith.mulf %parallel_loop3A_301, %parallel_loop3A_303 : vector<16xf32>
        %parallel_loop3A_305 = arith.addf %parallel_loop3A_304, %parallel_loop3A_296 : vector<16xf32>
        %parallel_loop3A_306 = arith.constant 0 : i32
        %parallel_loop3A_307 = arith.index_cast %parallel_loop3A_306 : i32 to index
        %parallel_loop3A_308 = arith.index_cast %parallel_loop3A_291 : i32 to index
        %parallel_loop3A_309 = tpu.vector_load %arg6[%parallel_loop3A_307, %parallel_loop3A_308] {strides = array<i32>} : memref<8x1024xf32, #tpu.memory_space<vmem>>, vector<1x16xf32>,
        %parallel_loop3A_310 = vector.shape_cast %parallel_loop3A_309 : vector<1x16xf32> to vector<16xf32>
        %parallel_loop3A_311 = vector.shape_cast %parallel_loop3A_305 : vector<16xf32> to vector<1x16xf32>
        tpu.vector_store %arg6[%parallel_loop3A_307, %parallel_loop3A_308], %parallel_loop3A_311 {strides = array<i32>} : memref<8x1024xf32, #tpu.memory_space<vmem>>, vector<1x16xf32>,
        %parallel_loop3A_312 = arith.constant 0 : i32
        %parallel_loop3A_313 = arith.index_cast %parallel_loop3A_312 : i32 to index
        %parallel_loop3A_314 = arith.index_cast %parallel_loop3A_291 : i32 to index
        %parallel_loop3A_315 = tpu.vector_load %arg7[%parallel_loop3A_313, %parallel_loop3A_314] {strides = array<i32>} : memref<8x1024xf32, #tpu.memory_space<vmem>>, vector<1x16xf32>,
        %parallel_loop3A_316 = vector.shape_cast %parallel_loop3A_315 : vector<1x16xf32> to vector<16xf32>
        %parallel_loop3A_317 = arith.constant 3.200000e+01 : f32
        %parallel_loop3A_318 = vector.broadcast %parallel_loop3A_317 : f32 to vector<16xf32>
        %parallel_loop3A_319 = arith.mulf %parallel_loop3A_316, %parallel_loop3A_318 : vector<16xf32>
        %parallel_loop3A_320 = arith.addf %parallel_loop3A_319, %parallel_loop3A_296 : vector<16xf32>
        %parallel_loop3A_321 = arith.constant 0 : i32
        %parallel_loop3A_322 = arith.index_cast %parallel_loop3A_321 : i32 to index
        %parallel_loop3A_323 = arith.index_cast %parallel_loop3A_291 : i32 to index
        %parallel_loop3A_324 = tpu.vector_load %arg7[%parallel_loop3A_322, %parallel_loop3A_323] {strides = array<i32>} : memref<8x1024xf32, #tpu.memory_space<vmem>>, vector<1x16xf32>,
        %parallel_loop3A_325 = vector.shape_cast %parallel_loop3A_324 : vector<1x16xf32> to vector<16xf32>
        %parallel_loop3A_326 = vector.shape_cast %parallel_loop3A_320 : vector<16xf32> to vector<1x16xf32>
        tpu.vector_store %arg7[%parallel_loop3A_322, %parallel_loop3A_323], %parallel_loop3A_326 {strides = array<i32>} : memref<8x1024xf32, #tpu.memory_space<vmem>>, vector<1x16xf32>,
        %parallel_loop3A_327 = arith.constant 0 : i32
        %parallel_loop3A_328 = arith.index_cast %parallel_loop3A_327 : i32 to index
        %parallel_loop3A_329 = arith.index_cast %parallel_loop3A_291 : i32 to index
        %parallel_loop3A_330 = tpu.vector_load %arg8[%parallel_loop3A_328, %parallel_loop3A_329] {strides = array<i32>} : memref<8x1024xf32, #tpu.memory_space<vmem>>, vector<1x16xf32>,
        %parallel_loop3A_331 = vector.shape_cast %parallel_loop3A_330 : vector<1x16xf32> to vector<16xf32>
        %parallel_loop3A_332 = arith.constant 3.200000e+01 : f32
        %parallel_loop3A_333 = vector.broadcast %parallel_loop3A_332 : f32 to vector<16xf32>
        %parallel_loop3A_334 = arith.mulf %parallel_loop3A_331, %parallel_loop3A_333 : vector<16xf32>
        %parallel_loop3A_335 = arith.addf %parallel_loop3A_334, %parallel_loop3A_296 : vector<16xf32>
        %parallel_loop3A_336 = arith.constant 0 : i32
        %parallel_loop3A_337 = arith.index_cast %parallel_loop3A_336 : i32 to index
        %parallel_loop3A_338 = arith.index_cast %parallel_loop3A_291 : i32 to index
        %parallel_loop3A_339 = tpu.vector_load %arg8[%parallel_loop3A_337, %parallel_loop3A_338] {strides = array<i32>} : memref<8x1024xf32, #tpu.memory_space<vmem>>, vector<1x16xf32>,
        %parallel_loop3A_340 = vector.shape_cast %parallel_loop3A_339 : vector<1x16xf32> to vector<16xf32>
        %parallel_loop3A_341 = vector.shape_cast %parallel_loop3A_335 : vector<16xf32> to vector<1x16xf32>
        tpu.vector_store %arg8[%parallel_loop3A_337, %parallel_loop3A_338], %parallel_loop3A_341 {strides = array<i32>} : memref<8x1024xf32, #tpu.memory_space<vmem>>, vector<1x16xf32>,
        %parallel_loop3A_342 = arith.constant 0 : i32
        %parallel_loop3A_343 = arith.index_cast %parallel_loop3A_342 : i32 to index
        %parallel_loop3A_344 = arith.index_cast %parallel_loop3A_291 : i32 to index
        %parallel_loop3A_345 = tpu.vector_load %arg9[%parallel_loop3A_343, %parallel_loop3A_344] {strides = array<i32>} : memref<8x1024xf32, #tpu.memory_space<vmem>>, vector<1x16xf32>,
        %parallel_loop3A_346 = vector.shape_cast %parallel_loop3A_345 : vector<1x16xf32> to vector<16xf32>
        %parallel_loop3A_347 = arith.constant 3.200000e+01 : f32
        %parallel_loop3A_348 = vector.broadcast %parallel_loop3A_347 : f32 to vector<16xf32>
        %parallel_loop3A_349 = arith.mulf %parallel_loop3A_346, %parallel_loop3A_348 : vector<16xf32>
        %parallel_loop3A_350 = arith.addf %parallel_loop3A_349, %parallel_loop3A_296 : vector<16xf32>
        %parallel_loop3A_351 = arith.constant 0 : i32
        %parallel_loop3A_352 = arith.index_cast %parallel_loop3A_351 : i32 to index
        %parallel_loop3A_353 = arith.index_cast %parallel_loop3A_291 : i32 to index
        %parallel_loop3A_354 = tpu.vector_load %arg9[%parallel_loop3A_352, %parallel_loop3A_353] {strides = array<i32>} : memref<8x1024xf32, #tpu.memory_space<vmem>>, vector<1x16xf32>,
        %parallel_loop3A_355 = vector.shape_cast %parallel_loop3A_354 : vector<1x16xf32> to vector<16xf32>
        %parallel_loop3A_356 = vector.shape_cast %parallel_loop3A_350 : vector<16xf32> to vector<1x16xf32>
        tpu.vector_store %arg9[%parallel_loop3A_352, %parallel_loop3A_353], %parallel_loop3A_356 {strides = array<i32>} : memref<8x1024xf32, #tpu.memory_space<vmem>>, vector<1x16xf32>,
        %parallel_loop3A_357 = arith.constant 1 : i32
        %parallel_loop3A_358 = arith.index_cast %parallel_loop3A_357 : i32 to index
        %parallel_loop3A_359 = arith.index_cast %parallel_loop3A_291 : i32 to index
        %parallel_loop3A_360 = tpu.vector_load %arg5[%parallel_loop3A_358, %parallel_loop3A_359] {strides = array<i32>} : memref<8x1024xf32, #tpu.memory_space<vmem>>, vector<1x16xf32>,
        %parallel_loop3A_361 = vector.shape_cast %parallel_loop3A_360 : vector<1x16xf32> to vector<16xf32>
        %parallel_loop3A_362 = arith.constant 1 : i32
        %parallel_loop3A_363 = arith.index_cast %parallel_loop3A_362 : i32 to index
        %parallel_loop3A_364 = arith.index_cast %parallel_loop3A_291 : i32 to index
        %parallel_loop3A_365 = tpu.vector_load %arg6[%parallel_loop3A_363, %parallel_loop3A_364] {strides = array<i32>} : memref<8x1024xf32, #tpu.memory_space<vmem>>, vector<1x16xf32>,
        %parallel_loop3A_366 = vector.shape_cast %parallel_loop3A_365 : vector<1x16xf32> to vector<16xf32>
        %parallel_loop3A_367 = arith.constant 3.200000e+01 : f32
        %parallel_loop3A_368 = vector.broadcast %parallel_loop3A_367 : f32 to vector<16xf32>
        %parallel_loop3A_369 = arith.mulf %parallel_loop3A_366, %parallel_loop3A_368 : vector<16xf32>
        %parallel_loop3A_370 = arith.addf %parallel_loop3A_369, %parallel_loop3A_361 : vector<16xf32>
        %parallel_loop3A_371 = arith.constant 1 : i32
        %parallel_loop3A_372 = arith.index_cast %parallel_loop3A_371 : i32 to index
        %parallel_loop3A_373 = arith.index_cast %parallel_loop3A_291 : i32 to index
        %parallel_loop3A_374 = tpu.vector_load %arg6[%parallel_loop3A_372, %parallel_loop3A_373] {strides = array<i32>} : memref<8x1024xf32, #tpu.memory_space<vmem>>, vector<1x16xf32>,
        %parallel_loop3A_375 = vector.shape_cast %parallel_loop3A_374 : vector<1x16xf32> to vector<16xf32>
        %parallel_loop3A_376 = vector.shape_cast %parallel_loop3A_370 : vector<16xf32> to vector<1x16xf32>
        tpu.vector_store %arg6[%parallel_loop3A_372, %parallel_loop3A_373], %parallel_loop3A_376 {strides = array<i32>} : memref<8x1024xf32, #tpu.memory_space<vmem>>, vector<1x16xf32>,
        %parallel_loop3A_377 = arith.constant 1 : i32
        %parallel_loop3A_378 = arith.index_cast %parallel_loop3A_377 : i32 to index
        %parallel_loop3A_379 = arith.index_cast %parallel_loop3A_291 : i32 to index
        %parallel_loop3A_380 = tpu.vector_load %arg7[%parallel_loop3A_378, %parallel_loop3A_379] {strides = array<i32>} : memref<8x1024xf32, #tpu.memory_space<vmem>>, vector<1x16xf32>,
        %parallel_loop3A_381 = vector.shape_cast %parallel_loop3A_380 : vector<1x16xf32> to vector<16xf32>
        %parallel_loop3A_382 = arith.constant 3.200000e+01 : f32
        %parallel_loop3A_383 = vector.broadcast %parallel_loop3A_382 : f32 to vector<16xf32>
        %parallel_loop3A_384 = arith.mulf %parallel_loop3A_381, %parallel_loop3A_383 : vector<16xf32>
        %parallel_loop3A_385 = arith.addf %parallel_loop3A_384, %parallel_loop3A_361 : vector<16xf32>
        %parallel_loop3A_386 = arith.constant 1 : i32
        %parallel_loop3A_387 = arith.index_cast %parallel_loop3A_386 : i32 to index
        %parallel_loop3A_388 = arith.index_cast %parallel_loop3A_291 : i32 to index
        %parallel_loop3A_389 = tpu.vector_load %arg7[%parallel_loop3A_387, %parallel_loop3A_388] {strides = array<i32>} : memref<8x1024xf32, #tpu.memory_space<vmem>>, vector<1x16xf32>,
        %parallel_loop3A_390 = vector.shape_cast %parallel_loop3A_389 : vector<1x16xf32> to vector<16xf32>
        %parallel_loop3A_391 = vector.shape_cast %parallel_loop3A_385 : vector<16xf32> to vector<1x16xf32>
        tpu.vector_store %arg7[%parallel_loop3A_387, %parallel_loop3A_388], %parallel_loop3A_391 {strides = array<i32>} : memref<8x1024xf32, #tpu.memory_space<vmem>>, vector<1x16xf32>,
        %parallel_loop3A_392 = arith.constant 1 : i32
        %parallel_loop3A_393 = arith.index_cast %parallel_loop3A_392 : i32 to index
        %parallel_loop3A_394 = arith.index_cast %parallel_loop3A_291 : i32 to index
        %parallel_loop3A_395 = tpu.vector_load %arg8[%parallel_loop3A_393, %parallel_loop3A_394] {strides = array<i32>} : memref<8x1024xf32, #tpu.memory_space<vmem>>, vector<1x16xf32>,
        %parallel_loop3A_396 = vector.shape_cast %parallel_loop3A_395 : vector<1x16xf32> to vector<16xf32>
        %parallel_loop3A_397 = arith.constant 3.200000e+01 : f32
        %parallel_loop3A_398 = vector.broadcast %parallel_loop3A_397 : f32 to vector<16xf32>
        %parallel_loop3A_399 = arith.mulf %parallel_loop3A_396, %parallel_loop3A_398 : vector<16xf32>
        %parallel_loop3A_400 = arith.addf %parallel_loop3A_399, %parallel_loop3A_361 : vector<16xf32>
        %parallel_loop3A_401 = arith.constant 1 : i32
        %parallel_loop3A_402 = arith.index_cast %parallel_loop3A_401 : i32 to index
        %parallel_loop3A_403 = arith.index_cast %parallel_loop3A_291 : i32 to index
        %parallel_loop3A_404 = tpu.vector_load %arg8[%parallel_loop3A_402, %parallel_loop3A_403] {strides = array<i32>} : memref<8x1024xf32, #tpu.memory_space<vmem>>, vector<1x16xf32>,
        %parallel_loop3A_405 = vector.shape_cast %parallel_loop3A_404 : vector<1x16xf32> to vector<16xf32>
        %parallel_loop3A_406 = vector.shape_cast %parallel_loop3A_400 : vector<16xf32> to vector<1x16xf32>
        tpu.vector_store %arg8[%parallel_loop3A_402, %parallel_loop3A_403], %parallel_loop3A_406 {strides = array<i32>} : memref<8x1024xf32, #tpu.memory_space<vmem>>, vector<1x16xf32>,
        %parallel_loop3A_407 = arith.constant 1 : i32
        %parallel_loop3A_408 = arith.index_cast %parallel_loop3A_407 : i32 to index
        %parallel_loop3A_409 = arith.index_cast %parallel_loop3A_291 : i32 to index
        %parallel_loop3A_410 = tpu.vector_load %arg9[%parallel_loop3A_408, %parallel_loop3A_409] {strides = array<i32>} : memref<8x1024xf32, #tpu.memory_space<vmem>>, vector<1x16xf32>,
        %parallel_loop3A_411 = vector.shape_cast %parallel_loop3A_410 : vector<1x16xf32> to vector<16xf32>
        %parallel_loop3A_412 = arith.constant 3.200000e+01 : f32
        %parallel_loop3A_413 = vector.broadcast %parallel_loop3A_412 : f32 to vector<16xf32>
        %parallel_loop3A_414 = arith.mulf %parallel_loop3A_411, %parallel_loop3A_413 : vector<16xf32>
        %parallel_loop3A_415 = arith.addf %parallel_loop3A_414, %parallel_loop3A_361 : vector<16xf32>
        %parallel_loop3A_416 = arith.constant 1 : i32
        %parallel_loop3A_417 = arith.index_cast %parallel_loop3A_416 : i32 to index
        %parallel_loop3A_418 = arith.index_cast %parallel_loop3A_291 : i32 to index
        %parallel_loop3A_419 = tpu.vector_load %arg9[%parallel_loop3A_417, %parallel_loop3A_418] {strides = array<i32>} : memref<8x1024xf32, #tpu.memory_space<vmem>>, vector<1x16xf32>,
        %parallel_loop3A_420 = vector.shape_cast %parallel_loop3A_419 : vector<1x16xf32> to vector<16xf32>
        %parallel_loop3A_421 = vector.shape_cast %parallel_loop3A_415 : vector<16xf32> to vector<1x16xf32>
        tpu.vector_store %arg9[%parallel_loop3A_417, %parallel_loop3A_418], %parallel_loop3A_421 {strides = array<i32>} : memref<8x1024xf32, #tpu.memory_space<vmem>>, vector<1x16xf32>,
        %parallel_loop3A_422 = arith.constant 2 : i32
        %parallel_loop3A_423 = arith.index_cast %parallel_loop3A_422 : i32 to index
        %parallel_loop3A_424 = arith.index_cast %parallel_loop3A_291 : i32 to index
        %parallel_loop3A_425 = tpu.vector_load %arg5[%parallel_loop3A_423, %parallel_loop3A_424] {strides = array<i32>} : memref<8x1024xf32, #tpu.memory_space<vmem>>, vector<1x16xf32>,
        %parallel_loop3A_426 = vector.shape_cast %parallel_loop3A_425 : vector<1x16xf32> to vector<16xf32>
        %parallel_loop3A_427 = arith.constant 2 : i32
        %parallel_loop3A_428 = arith.index_cast %parallel_loop3A_427 : i32 to index
        %parallel_loop3A_429 = arith.index_cast %parallel_loop3A_291 : i32 to index
        %parallel_loop3A_430 = tpu.vector_load %arg6[%parallel_loop3A_428, %parallel_loop3A_429] {strides = array<i32>} : memref<8x1024xf32, #tpu.memory_space<vmem>>, vector<1x16xf32>,
        %parallel_loop3A_431 = vector.shape_cast %parallel_loop3A_430 : vector<1x16xf32> to vector<16xf32>
        %parallel_loop3A_432 = arith.constant 3.200000e+01 : f32
        %parallel_loop3A_433 = vector.broadcast %parallel_loop3A_432 : f32 to vector<16xf32>
        %parallel_loop3A_434 = arith.mulf %parallel_loop3A_431, %parallel_loop3A_433 : vector<16xf32>
        %parallel_loop3A_435 = arith.addf %parallel_loop3A_434, %parallel_loop3A_426 : vector<16xf32>
        %parallel_loop3A_436 = arith.constant 2 : i32
        %parallel_loop3A_437 = arith.index_cast %parallel_loop3A_436 : i32 to index
        %parallel_loop3A_438 = arith.index_cast %parallel_loop3A_291 : i32 to index
        %parallel_loop3A_439 = tpu.vector_load %arg6[%parallel_loop3A_437, %parallel_loop3A_438] {strides = array<i32>} : memref<8x1024xf32, #tpu.memory_space<vmem>>, vector<1x16xf32>,
        %parallel_loop3A_440 = vector.shape_cast %parallel_loop3A_439 : vector<1x16xf32> to vector<16xf32>
        %parallel_loop3A_441 = vector.shape_cast %parallel_loop3A_435 : vector<16xf32> to vector<1x16xf32>
        tpu.vector_store %arg6[%parallel_loop3A_437, %parallel_loop3A_438], %parallel_loop3A_441 {strides = array<i32>} : memref<8x1024xf32, #tpu.memory_space<vmem>>, vector<1x16xf32>,
        %parallel_loop3A_442 = arith.constant 2 : i32
        %parallel_loop3A_443 = arith.index_cast %parallel_loop3A_442 : i32 to index
        %parallel_loop3A_444 = arith.index_cast %parallel_loop3A_291 : i32 to index
        %parallel_loop3A_445 = tpu.vector_load %arg7[%parallel_loop3A_443, %parallel_loop3A_444] {strides = array<i32>} : memref<8x1024xf32, #tpu.memory_space<vmem>>, vector<1x16xf32>,
        %parallel_loop3A_446 = vector.shape_cast %parallel_loop3A_445 : vector<1x16xf32> to vector<16xf32>
        %parallel_loop3A_447 = arith.constant 3.200000e+01 : f32
        %parallel_loop3A_448 = vector.broadcast %parallel_loop3A_447 : f32 to vector<16xf32>
        %parallel_loop3A_449 = arith.mulf %parallel_loop3A_446, %parallel_loop3A_448 : vector<16xf32>
        %parallel_loop3A_450 = arith.addf %parallel_loop3A_449, %parallel_loop3A_426 : vector<16xf32>
        %parallel_loop3A_451 = arith.constant 2 : i32
        %parallel_loop3A_452 = arith.index_cast %parallel_loop3A_451 : i32 to index
        %parallel_loop3A_453 = arith.index_cast %parallel_loop3A_291 : i32 to index
        %parallel_loop3A_454 = tpu.vector_load %arg7[%parallel_loop3A_452, %parallel_loop3A_453] {strides = array<i32>} : memref<8x1024xf32, #tpu.memory_space<vmem>>, vector<1x16xf32>,
        %parallel_loop3A_455 = vector.shape_cast %parallel_loop3A_454 : vector<1x16xf32> to vector<16xf32>
        %parallel_loop3A_456 = vector.shape_cast %parallel_loop3A_450 : vector<16xf32> to vector<1x16xf32>
        tpu.vector_store %arg7[%parallel_loop3A_452, %parallel_loop3A_453], %parallel_loop3A_456 {strides = array<i32>} : memref<8x1024xf32, #tpu.memory_space<vmem>>, vector<1x16xf32>,
        %parallel_loop3A_457 = arith.constant 2 : i32
        %parallel_loop3A_458 = arith.index_cast %parallel_loop3A_457 : i32 to index
        %parallel_loop3A_459 = arith.index_cast %parallel_loop3A_291 : i32 to index
        %parallel_loop3A_460 = tpu.vector_load %arg8[%parallel_loop3A_458, %parallel_loop3A_459] {strides = array<i32>} : memref<8x1024xf32, #tpu.memory_space<vmem>>, vector<1x16xf32>,
        %parallel_loop3A_461 = vector.shape_cast %parallel_loop3A_460 : vector<1x16xf32> to vector<16xf32>
        %parallel_loop3A_462 = arith.constant 3.200000e+01 : f32
        %parallel_loop3A_463 = vector.broadcast %parallel_loop3A_462 : f32 to vector<16xf32>
        %parallel_loop3A_464 = arith.mulf %parallel_loop3A_461, %parallel_loop3A_463 : vector<16xf32>
        %parallel_loop3A_465 = arith.addf %parallel_loop3A_464, %parallel_loop3A_426 : vector<16xf32>
        %parallel_loop3A_466 = arith.constant 2 : i32
        %parallel_loop3A_467 = arith.index_cast %parallel_loop3A_466 : i32 to index
        %parallel_loop3A_468 = arith.index_cast %parallel_loop3A_291 : i32 to index
        %parallel_loop3A_469 = tpu.vector_load %arg8[%parallel_loop3A_467, %parallel_loop3A_468] {strides = array<i32>} : memref<8x1024xf32, #tpu.memory_space<vmem>>, vector<1x16xf32>,
        %parallel_loop3A_470 = vector.shape_cast %parallel_loop3A_469 : vector<1x16xf32> to vector<16xf32>
        %parallel_loop3A_471 = vector.shape_cast %parallel_loop3A_465 : vector<16xf32> to vector<1x16xf32>
        tpu.vector_store %arg8[%parallel_loop3A_467, %parallel_loop3A_468], %parallel_loop3A_471 {strides = array<i32>} : memref<8x1024xf32, #tpu.memory_space<vmem>>, vector<1x16xf32>,
        %parallel_loop3A_472 = arith.constant 2 : i32
        %parallel_loop3A_473 = arith.index_cast %parallel_loop3A_472 : i32 to index
        %parallel_loop3A_474 = arith.index_cast %parallel_loop3A_291 : i32 to index
        %parallel_loop3A_475 = tpu.vector_load %arg9[%parallel_loop3A_473, %parallel_loop3A_474] {strides = array<i32>} : memref<8x1024xf32, #tpu.memory_space<vmem>>, vector<1x16xf32>,
        %parallel_loop3A_476 = vector.shape_cast %parallel_loop3A_475 : vector<1x16xf32> to vector<16xf32>
        %parallel_loop3A_477 = arith.constant 3.200000e+01 : f32
        %parallel_loop3A_478 = vector.broadcast %parallel_loop3A_477 : f32 to vector<16xf32>
        %parallel_loop3A_479 = arith.mulf %parallel_loop3A_476, %parallel_loop3A_478 : vector<16xf32>
        %parallel_loop3A_480 = arith.addf %parallel_loop3A_479, %parallel_loop3A_426 : vector<16xf32>
        %parallel_loop3A_481 = arith.constant 2 : i32
        %parallel_loop3A_482 = arith.index_cast %parallel_loop3A_481 : i32 to index
        %parallel_loop3A_483 = arith.index_cast %parallel_loop3A_291 : i32 to index
        %parallel_loop3A_484 = tpu.vector_load %arg9[%parallel_loop3A_482, %parallel_loop3A_483] {strides = array<i32>} : memref<8x1024xf32, #tpu.memory_space<vmem>>, vector<1x16xf32>,
        %parallel_loop3A_485 = vector.shape_cast %parallel_loop3A_484 : vector<1x16xf32> to vector<16xf32>
        %parallel_loop3A_486 = vector.shape_cast %parallel_loop3A_480 : vector<16xf32> to vector<1x16xf32>
        tpu.vector_store %arg9[%parallel_loop3A_482, %parallel_loop3A_483], %parallel_loop3A_486 {strides = array<i32>} : memref<8x1024xf32, #tpu.memory_space<vmem>>, vector<1x16xf32>,
        %parallel_loop3A_487 = arith.constant 3 : i32
        %parallel_loop3A_488 = arith.index_cast %parallel_loop3A_487 : i32 to index
        %parallel_loop3A_489 = arith.index_cast %parallel_loop3A_291 : i32 to index
        %parallel_loop3A_490 = tpu.vector_load %arg5[%parallel_loop3A_488, %parallel_loop3A_489] {strides = array<i32>} : memref<8x1024xf32, #tpu.memory_space<vmem>>, vector<1x16xf32>,
        %parallel_loop3A_491 = vector.shape_cast %parallel_loop3A_490 : vector<1x16xf32> to vector<16xf32>
        %parallel_loop3A_492 = arith.constant 3 : i32
        %parallel_loop3A_493 = arith.index_cast %parallel_loop3A_492 : i32 to index
        %parallel_loop3A_494 = arith.index_cast %parallel_loop3A_291 : i32 to index
        %parallel_loop3A_495 = tpu.vector_load %arg6[%parallel_loop3A_493, %parallel_loop3A_494] {strides = array<i32>} : memref<8x1024xf32, #tpu.memory_space<vmem>>, vector<1x16xf32>,
        %parallel_loop3A_496 = vector.shape_cast %parallel_loop3A_495 : vector<1x16xf32> to vector<16xf32>
        %parallel_loop3A_497 = arith.constant 3.200000e+01 : f32
        %parallel_loop3A_498 = vector.broadcast %parallel_loop3A_497 : f32 to vector<16xf32>
        %parallel_loop3A_499 = arith.mulf %parallel_loop3A_496, %parallel_loop3A_498 : vector<16xf32>
        %parallel_loop3A_500 = arith.addf %parallel_loop3A_499, %parallel_loop3A_491 : vector<16xf32>
        %parallel_loop3A_501 = arith.constant 3 : i32
        %parallel_loop3A_502 = arith.index_cast %parallel_loop3A_501 : i32 to index
        %parallel_loop3A_503 = arith.index_cast %parallel_loop3A_291 : i32 to index
        %parallel_loop3A_504 = tpu.vector_load %arg6[%parallel_loop3A_502, %parallel_loop3A_503] {strides = array<i32>} : memref<8x1024xf32, #tpu.memory_space<vmem>>, vector<1x16xf32>,
        %parallel_loop3A_505 = vector.shape_cast %parallel_loop3A_504 : vector<1x16xf32> to vector<16xf32>
        %parallel_loop3A_506 = vector.shape_cast %parallel_loop3A_500 : vector<16xf32> to vector<1x16xf32>
        tpu.vector_store %arg6[%parallel_loop3A_502, %parallel_loop3A_503], %parallel_loop3A_506 {strides = array<i32>} : memref<8x1024xf32, #tpu.memory_space<vmem>>, vector<1x16xf32>,
        %parallel_loop3A_507 = arith.constant 3 : i32
        %parallel_loop3A_508 = arith.index_cast %parallel_loop3A_507 : i32 to index
        %parallel_loop3A_509 = arith.index_cast %parallel_loop3A_291 : i32 to index
        %parallel_loop3A_510 = tpu.vector_load %arg7[%parallel_loop3A_508, %parallel_loop3A_509] {strides = array<i32>} : memref<8x1024xf32, #tpu.memory_space<vmem>>, vector<1x16xf32>,
        %parallel_loop3A_511 = vector.shape_cast %parallel_loop3A_510 : vector<1x16xf32> to vector<16xf32>
        %parallel_loop3A_512 = arith.constant 3.200000e+01 : f32
        %parallel_loop3A_513 = vector.broadcast %parallel_loop3A_512 : f32 to vector<16xf32>
        %parallel_loop3A_514 = arith.mulf %parallel_loop3A_511, %parallel_loop3A_513 : vector<16xf32>
        %parallel_loop3A_515 = arith.addf %parallel_loop3A_514, %parallel_loop3A_491 : vector<16xf32>
        %parallel_loop3A_516 = arith.constant 3 : i32
        %parallel_loop3A_517 = arith.index_cast %parallel_loop3A_516 : i32 to index
        %parallel_loop3A_518 = arith.index_cast %parallel_loop3A_291 : i32 to index
        %parallel_loop3A_519 = tpu.vector_load %arg7[%parallel_loop3A_517, %parallel_loop3A_518] {strides = array<i32>} : memref<8x1024xf32, #tpu.memory_space<vmem>>, vector<1x16xf32>,
        %parallel_loop3A_520 = vector.shape_cast %parallel_loop3A_519 : vector<1x16xf32> to vector<16xf32>
        %parallel_loop3A_521 = vector.shape_cast %parallel_loop3A_515 : vector<16xf32> to vector<1x16xf32>
        tpu.vector_store %arg7[%parallel_loop3A_517, %parallel_loop3A_518], %parallel_loop3A_521 {strides = array<i32>} : memref<8x1024xf32, #tpu.memory_space<vmem>>, vector<1x16xf32>,
        %parallel_loop3A_522 = arith.constant 3 : i32
        %parallel_loop3A_523 = arith.index_cast %parallel_loop3A_522 : i32 to index
        %parallel_loop3A_524 = arith.index_cast %parallel_loop3A_291 : i32 to index
        %parallel_loop3A_525 = tpu.vector_load %arg8[%parallel_loop3A_523, %parallel_loop3A_524] {strides = array<i32>} : memref<8x1024xf32, #tpu.memory_space<vmem>>, vector<1x16xf32>,
        %parallel_loop3A_526 = vector.shape_cast %parallel_loop3A_525 : vector<1x16xf32> to vector<16xf32>
        %parallel_loop3A_527 = arith.constant 3.200000e+01 : f32
        %parallel_loop3A_528 = vector.broadcast %parallel_loop3A_527 : f32 to vector<16xf32>
        %parallel_loop3A_529 = arith.mulf %parallel_loop3A_526, %parallel_loop3A_528 : vector<16xf32>
        %parallel_loop3A_530 = arith.addf %parallel_loop3A_529, %parallel_loop3A_491 : vector<16xf32>
        %parallel_loop3A_531 = arith.constant 3 : i32
        %parallel_loop3A_532 = arith.index_cast %parallel_loop3A_531 : i32 to index
        %parallel_loop3A_533 = arith.index_cast %parallel_loop3A_291 : i32 to index
        %parallel_loop3A_534 = tpu.vector_load %arg8[%parallel_loop3A_532, %parallel_loop3A_533] {strides = array<i32>} : memref<8x1024xf32, #tpu.memory_space<vmem>>, vector<1x16xf32>,
        %parallel_loop3A_535 = vector.shape_cast %parallel_loop3A_534 : vector<1x16xf32> to vector<16xf32>
        %parallel_loop3A_536 = vector.shape_cast %parallel_loop3A_530 : vector<16xf32> to vector<1x16xf32>
        tpu.vector_store %arg8[%parallel_loop3A_532, %parallel_loop3A_533], %parallel_loop3A_536 {strides = array<i32>} : memref<8x1024xf32, #tpu.memory_space<vmem>>, vector<1x16xf32>,
        %parallel_loop3A_537 = arith.constant 3 : i32
        %parallel_loop3A_538 = arith.index_cast %parallel_loop3A_537 : i32 to index
        %parallel_loop3A_539 = arith.index_cast %parallel_loop3A_291 : i32 to index
        %parallel_loop3A_540 = tpu.vector_load %arg9[%parallel_loop3A_538, %parallel_loop3A_539] {strides = array<i32>} : memref<8x1024xf32, #tpu.memory_space<vmem>>, vector<1x16xf32>,
        %parallel_loop3A_541 = vector.shape_cast %parallel_loop3A_540 : vector<1x16xf32> to vector<16xf32>
        %parallel_loop3A_542 = arith.constant 3.200000e+01 : f32
        %parallel_loop3A_543 = vector.broadcast %parallel_loop3A_542 : f32 to vector<16xf32>
        %parallel_loop3A_544 = arith.mulf %parallel_loop3A_541, %parallel_loop3A_543 : vector<16xf32>
        %parallel_loop3A_545 = arith.addf %parallel_loop3A_544, %parallel_loop3A_491 : vector<16xf32>
        %parallel_loop3A_546 = arith.constant 3 : i32
        %parallel_loop3A_547 = arith.index_cast %parallel_loop3A_546 : i32 to index
        %parallel_loop3A_548 = arith.index_cast %parallel_loop3A_291 : i32 to index
        %parallel_loop3A_549 = tpu.vector_load %arg9[%parallel_loop3A_547, %parallel_loop3A_548] {strides = array<i32>} : memref<8x1024xf32, #tpu.memory_space<vmem>>, vector<1x16xf32>,
        %parallel_loop3A_550 = vector.shape_cast %parallel_loop3A_549 : vector<1x16xf32> to vector<16xf32>
        %parallel_loop3A_551 = vector.shape_cast %parallel_loop3A_545 : vector<16xf32> to vector<1x16xf32>
        tpu.vector_store %arg9[%parallel_loop3A_547, %parallel_loop3A_548], %parallel_loop3A_551 {strides = array<i32>} : memref<8x1024xf32, #tpu.memory_space<vmem>>, vector<1x16xf32>,
        %parallel_loop3A_552 = arith.constant 4 : i32
        %parallel_loop3A_553 = arith.index_cast %parallel_loop3A_552 : i32 to index
        %parallel_loop3A_554 = arith.index_cast %parallel_loop3A_291 : i32 to index
        %parallel_loop3A_555 = tpu.vector_load %arg5[%parallel_loop3A_553, %parallel_loop3A_554] {strides = array<i32>} : memref<8x1024xf32, #tpu.memory_space<vmem>>, vector<1x16xf32>,
        %parallel_loop3A_556 = vector.shape_cast %parallel_loop3A_555 : vector<1x16xf32> to vector<16xf32>
        %parallel_loop3A_557 = arith.constant 4 : i32
        %parallel_loop3A_558 = arith.index_cast %parallel_loop3A_557 : i32 to index
        %parallel_loop3A_559 = arith.index_cast %parallel_loop3A_291 : i32 to index
        %parallel_loop3A_560 = tpu.vector_load %arg6[%parallel_loop3A_558, %parallel_loop3A_559] {strides = array<i32>} : memref<8x1024xf32, #tpu.memory_space<vmem>>, vector<1x16xf32>,
        %parallel_loop3A_561 = vector.shape_cast %parallel_loop3A_560 : vector<1x16xf32> to vector<16xf32>
        %parallel_loop3A_562 = arith.constant 3.200000e+01 : f32
        %parallel_loop3A_563 = vector.broadcast %parallel_loop3A_562 : f32 to vector<16xf32>
        %parallel_loop3A_564 = arith.mulf %parallel_loop3A_561, %parallel_loop3A_563 : vector<16xf32>
        %parallel_loop3A_565 = arith.addf %parallel_loop3A_564, %parallel_loop3A_556 : vector<16xf32>
        %parallel_loop3A_566 = arith.constant 4 : i32
        %parallel_loop3A_567 = arith.index_cast %parallel_loop3A_566 : i32 to index
        %parallel_loop3A_568 = arith.index_cast %parallel_loop3A_291 : i32 to index
        %parallel_loop3A_569 = tpu.vector_load %arg6[%parallel_loop3A_567, %parallel_loop3A_568] {strides = array<i32>} : memref<8x1024xf32, #tpu.memory_space<vmem>>, vector<1x16xf32>,
        %parallel_loop3A_570 = vector.shape_cast %parallel_loop3A_569 : vector<1x16xf32> to vector<16xf32>
        %parallel_loop3A_571 = vector.shape_cast %parallel_loop3A_565 : vector<16xf32> to vector<1x16xf32>
        tpu.vector_store %arg6[%parallel_loop3A_567, %parallel_loop3A_568], %parallel_loop3A_571 {strides = array<i32>} : memref<8x1024xf32, #tpu.memory_space<vmem>>, vector<1x16xf32>,
        %parallel_loop3A_572 = arith.constant 4 : i32
        %parallel_loop3A_573 = arith.index_cast %parallel_loop3A_572 : i32 to index
        %parallel_loop3A_574 = arith.index_cast %parallel_loop3A_291 : i32 to index
        %parallel_loop3A_575 = tpu.vector_load %arg7[%parallel_loop3A_573, %parallel_loop3A_574] {strides = array<i32>} : memref<8x1024xf32, #tpu.memory_space<vmem>>, vector<1x16xf32>,
        %parallel_loop3A_576 = vector.shape_cast %parallel_loop3A_575 : vector<1x16xf32> to vector<16xf32>
        %parallel_loop3A_577 = arith.constant 3.200000e+01 : f32
        %parallel_loop3A_578 = vector.broadcast %parallel_loop3A_577 : f32 to vector<16xf32>
        %parallel_loop3A_579 = arith.mulf %parallel_loop3A_576, %parallel_loop3A_578 : vector<16xf32>
        %parallel_loop3A_580 = arith.addf %parallel_loop3A_579, %parallel_loop3A_556 : vector<16xf32>
        %parallel_loop3A_581 = arith.constant 4 : i32
        %parallel_loop3A_582 = arith.index_cast %parallel_loop3A_581 : i32 to index
        %parallel_loop3A_583 = arith.index_cast %parallel_loop3A_291 : i32 to index
        %parallel_loop3A_584 = tpu.vector_load %arg7[%parallel_loop3A_582, %parallel_loop3A_583] {strides = array<i32>} : memref<8x1024xf32, #tpu.memory_space<vmem>>, vector<1x16xf32>,
        %parallel_loop3A_585 = vector.shape_cast %parallel_loop3A_584 : vector<1x16xf32> to vector<16xf32>
        %parallel_loop3A_586 = vector.shape_cast %parallel_loop3A_580 : vector<16xf32> to vector<1x16xf32>
        tpu.vector_store %arg7[%parallel_loop3A_582, %parallel_loop3A_583], %parallel_loop3A_586 {strides = array<i32>} : memref<8x1024xf32, #tpu.memory_space<vmem>>, vector<1x16xf32>,
        %parallel_loop3A_587 = arith.constant 4 : i32
        %parallel_loop3A_588 = arith.index_cast %parallel_loop3A_587 : i32 to index
        %parallel_loop3A_589 = arith.index_cast %parallel_loop3A_291 : i32 to index
        %parallel_loop3A_590 = tpu.vector_load %arg8[%parallel_loop3A_588, %parallel_loop3A_589] {strides = array<i32>} : memref<8x1024xf32, #tpu.memory_space<vmem>>, vector<1x16xf32>,
        %parallel_loop3A_591 = vector.shape_cast %parallel_loop3A_590 : vector<1x16xf32> to vector<16xf32>
        %parallel_loop3A_592 = arith.constant 3.200000e+01 : f32
        %parallel_loop3A_593 = vector.broadcast %parallel_loop3A_592 : f32 to vector<16xf32>
        %parallel_loop3A_594 = arith.mulf %parallel_loop3A_591, %parallel_loop3A_593 : vector<16xf32>
        %parallel_loop3A_595 = arith.addf %parallel_loop3A_594, %parallel_loop3A_556 : vector<16xf32>
        %parallel_loop3A_596 = arith.constant 4 : i32
        %parallel_loop3A_597 = arith.index_cast %parallel_loop3A_596 : i32 to index
        %parallel_loop3A_598 = arith.index_cast %parallel_loop3A_291 : i32 to index
        %parallel_loop3A_599 = tpu.vector_load %arg8[%parallel_loop3A_597, %parallel_loop3A_598] {strides = array<i32>} : memref<8x1024xf32, #tpu.memory_space<vmem>>, vector<1x16xf32>,
        %parallel_loop3A_600 = vector.shape_cast %parallel_loop3A_599 : vector<1x16xf32> to vector<16xf32>
        %parallel_loop3A_601 = vector.shape_cast %parallel_loop3A_595 : vector<16xf32> to vector<1x16xf32>
        tpu.vector_store %arg8[%parallel_loop3A_597, %parallel_loop3A_598], %parallel_loop3A_601 {strides = array<i32>} : memref<8x1024xf32, #tpu.memory_space<vmem>>, vector<1x16xf32>,
        %parallel_loop3A_602 = arith.constant 4 : i32
        %parallel_loop3A_603 = arith.index_cast %parallel_loop3A_602 : i32 to index
        %parallel_loop3A_604 = arith.index_cast %parallel_loop3A_291 : i32 to index
        %parallel_loop3A_605 = tpu.vector_load %arg9[%parallel_loop3A_603, %parallel_loop3A_604] {strides = array<i32>} : memref<8x1024xf32, #tpu.memory_space<vmem>>, vector<1x16xf32>,
        %parallel_loop3A_606 = vector.shape_cast %parallel_loop3A_605 : vector<1x16xf32> to vector<16xf32>
        %parallel_loop3A_607 = arith.constant 3.200000e+01 : f32
        %parallel_loop3A_608 = vector.broadcast %parallel_loop3A_607 : f32 to vector<16xf32>
        %parallel_loop3A_609 = arith.mulf %parallel_loop3A_606, %parallel_loop3A_608 : vector<16xf32>
        %parallel_loop3A_610 = arith.addf %parallel_loop3A_609, %parallel_loop3A_556 : vector<16xf32>
        %parallel_loop3A_611 = arith.constant 4 : i32
        %parallel_loop3A_612 = arith.index_cast %parallel_loop3A_611 : i32 to index
        %parallel_loop3A_613 = arith.index_cast %parallel_loop3A_291 : i32 to index
        %parallel_loop3A_614 = tpu.vector_load %arg9[%parallel_loop3A_612, %parallel_loop3A_613] {strides = array<i32>} : memref<8x1024xf32, #tpu.memory_space<vmem>>, vector<1x16xf32>,
        %parallel_loop3A_615 = vector.shape_cast %parallel_loop3A_614 : vector<1x16xf32> to vector<16xf32>
        %parallel_loop3A_616 = vector.shape_cast %parallel_loop3A_610 : vector<16xf32> to vector<1x16xf32>
        tpu.vector_store %arg9[%parallel_loop3A_612, %parallel_loop3A_613], %parallel_loop3A_616 {strides = array<i32>} : memref<8x1024xf32, #tpu.memory_space<vmem>>, vector<1x16xf32>,
        %parallel_loop3A_617 = arith.constant 5 : i32
        %parallel_loop3A_618 = arith.index_cast %parallel_loop3A_617 : i32 to index
        %parallel_loop3A_619 = arith.index_cast %parallel_loop3A_291 : i32 to index
        %parallel_loop3A_620 = tpu.vector_load %arg5[%parallel_loop3A_618, %parallel_loop3A_619] {strides = array<i32>} : memref<8x1024xf32, #tpu.memory_space<vmem>>, vector<1x16xf32>,
        %parallel_loop3A_621 = vector.shape_cast %parallel_loop3A_620 : vector<1x16xf32> to vector<16xf32>
        %parallel_loop3A_622 = arith.constant 5 : i32
        %parallel_loop3A_623 = arith.index_cast %parallel_loop3A_622 : i32 to index
        %parallel_loop3A_624 = arith.index_cast %parallel_loop3A_291 : i32 to index
        %parallel_loop3A_625 = tpu.vector_load %arg6[%parallel_loop3A_623, %parallel_loop3A_624] {strides = array<i32>} : memref<8x1024xf32, #tpu.memory_space<vmem>>, vector<1x16xf32>,
        %parallel_loop3A_626 = vector.shape_cast %parallel_loop3A_625 : vector<1x16xf32> to vector<16xf32>
        %parallel_loop3A_627 = arith.constant 3.200000e+01 : f32
        %parallel_loop3A_628 = vector.broadcast %parallel_loop3A_627 : f32 to vector<16xf32>
        %parallel_loop3A_629 = arith.mulf %parallel_loop3A_626, %parallel_loop3A_628 : vector<16xf32>
        %parallel_loop3A_630 = arith.addf %parallel_loop3A_629, %parallel_loop3A_621 : vector<16xf32>
        %parallel_loop3A_631 = arith.constant 5 : i32
        %parallel_loop3A_632 = arith.index_cast %parallel_loop3A_631 : i32 to index
        %parallel_loop3A_633 = arith.index_cast %parallel_loop3A_291 : i32 to index
        %parallel_loop3A_634 = tpu.vector_load %arg6[%parallel_loop3A_632, %parallel_loop3A_633] {strides = array<i32>} : memref<8x1024xf32, #tpu.memory_space<vmem>>, vector<1x16xf32>,
        %parallel_loop3A_635 = vector.shape_cast %parallel_loop3A_634 : vector<1x16xf32> to vector<16xf32>
        %parallel_loop3A_636 = vector.shape_cast %parallel_loop3A_630 : vector<16xf32> to vector<1x16xf32>
        tpu.vector_store %arg6[%parallel_loop3A_632, %parallel_loop3A_633], %parallel_loop3A_636 {strides = array<i32>} : memref<8x1024xf32, #tpu.memory_space<vmem>>, vector<1x16xf32>,
        %parallel_loop3A_637 = arith.constant 5 : i32
        %parallel_loop3A_638 = arith.index_cast %parallel_loop3A_637 : i32 to index
        %parallel_loop3A_639 = arith.index_cast %parallel_loop3A_291 : i32 to index
        %parallel_loop3A_640 = tpu.vector_load %arg7[%parallel_loop3A_638, %parallel_loop3A_639] {strides = array<i32>} : memref<8x1024xf32, #tpu.memory_space<vmem>>, vector<1x16xf32>,
        %parallel_loop3A_641 = vector.shape_cast %parallel_loop3A_640 : vector<1x16xf32> to vector<16xf32>
        %parallel_loop3A_642 = arith.constant 3.200000e+01 : f32
        %parallel_loop3A_643 = vector.broadcast %parallel_loop3A_642 : f32 to vector<16xf32>
        %parallel_loop3A_644 = arith.mulf %parallel_loop3A_641, %parallel_loop3A_643 : vector<16xf32>
        %parallel_loop3A_645 = arith.addf %parallel_loop3A_644, %parallel_loop3A_621 : vector<16xf32>
        %parallel_loop3A_646 = arith.constant 5 : i32
        %parallel_loop3A_647 = arith.index_cast %parallel_loop3A_646 : i32 to index
        %parallel_loop3A_648 = arith.index_cast %parallel_loop3A_291 : i32 to index
        %parallel_loop3A_649 = tpu.vector_load %arg7[%parallel_loop3A_647, %parallel_loop3A_648] {strides = array<i32>} : memref<8x1024xf32, #tpu.memory_space<vmem>>, vector<1x16xf32>,
        %parallel_loop3A_650 = vector.shape_cast %parallel_loop3A_649 : vector<1x16xf32> to vector<16xf32>
        %parallel_loop3A_651 = vector.shape_cast %parallel_loop3A_645 : vector<16xf32> to vector<1x16xf32>
        tpu.vector_store %arg7[%parallel_loop3A_647, %parallel_loop3A_648], %parallel_loop3A_651 {strides = array<i32>} : memref<8x1024xf32, #tpu.memory_space<vmem>>, vector<1x16xf32>,
        %parallel_loop3A_652 = arith.constant 5 : i32
        %parallel_loop3A_653 = arith.index_cast %parallel_loop3A_652 : i32 to index
        %parallel_loop3A_654 = arith.index_cast %parallel_loop3A_291 : i32 to index
        %parallel_loop3A_655 = tpu.vector_load %arg8[%parallel_loop3A_653, %parallel_loop3A_654] {strides = array<i32>} : memref<8x1024xf32, #tpu.memory_space<vmem>>, vector<1x16xf32>,
        %parallel_loop3A_656 = vector.shape_cast %parallel_loop3A_655 : vector<1x16xf32> to vector<16xf32>
        %parallel_loop3A_657 = arith.constant 3.200000e+01 : f32
        %parallel_loop3A_658 = vector.broadcast %parallel_loop3A_657 : f32 to vector<16xf32>
        %parallel_loop3A_659 = arith.mulf %parallel_loop3A_656, %parallel_loop3A_658 : vector<16xf32>
        %parallel_loop3A_660 = arith.addf %parallel_loop3A_659, %parallel_loop3A_621 : vector<16xf32>
        %parallel_loop3A_661 = arith.constant 5 : i32
        %parallel_loop3A_662 = arith.index_cast %parallel_loop3A_661 : i32 to index
        %parallel_loop3A_663 = arith.index_cast %parallel_loop3A_291 : i32 to index
        %parallel_loop3A_664 = tpu.vector_load %arg8[%parallel_loop3A_662, %parallel_loop3A_663] {strides = array<i32>} : memref<8x1024xf32, #tpu.memory_space<vmem>>, vector<1x16xf32>,
        %parallel_loop3A_665 = vector.shape_cast %parallel_loop3A_664 : vector<1x16xf32> to vector<16xf32>
        %parallel_loop3A_666 = vector.shape_cast %parallel_loop3A_660 : vector<16xf32> to vector<1x16xf32>
        tpu.vector_store %arg8[%parallel_loop3A_662, %parallel_loop3A_663], %parallel_loop3A_666 {strides = array<i32>} : memref<8x1024xf32, #tpu.memory_space<vmem>>, vector<1x16xf32>,
        %parallel_loop3A_667 = arith.constant 5 : i32
        %parallel_loop3A_668 = arith.index_cast %parallel_loop3A_667 : i32 to index
        %parallel_loop3A_669 = arith.index_cast %parallel_loop3A_291 : i32 to index
        %parallel_loop3A_670 = tpu.vector_load %arg9[%parallel_loop3A_668, %parallel_loop3A_669] {strides = array<i32>} : memref<8x1024xf32, #tpu.memory_space<vmem>>, vector<1x16xf32>,
        %parallel_loop3A_671 = vector.shape_cast %parallel_loop3A_670 : vector<1x16xf32> to vector<16xf32>
        %parallel_loop3A_672 = arith.constant 3.200000e+01 : f32
        %parallel_loop3A_673 = vector.broadcast %parallel_loop3A_672 : f32 to vector<16xf32>
        %parallel_loop3A_674 = arith.mulf %parallel_loop3A_671, %parallel_loop3A_673 : vector<16xf32>
        %parallel_loop3A_675 = arith.addf %parallel_loop3A_674, %parallel_loop3A_621 : vector<16xf32>
        %parallel_loop3A_676 = arith.constant 5 : i32
        %parallel_loop3A_677 = arith.index_cast %parallel_loop3A_676 : i32 to index
        %parallel_loop3A_678 = arith.index_cast %parallel_loop3A_291 : i32 to index
        %parallel_loop3A_679 = tpu.vector_load %arg9[%parallel_loop3A_677, %parallel_loop3A_678] {strides = array<i32>} : memref<8x1024xf32, #tpu.memory_space<vmem>>, vector<1x16xf32>,
        %parallel_loop3A_680 = vector.shape_cast %parallel_loop3A_679 : vector<1x16xf32> to vector<16xf32>
        %parallel_loop3A_681 = vector.shape_cast %parallel_loop3A_675 : vector<16xf32> to vector<1x16xf32>
        tpu.vector_store %arg9[%parallel_loop3A_677, %parallel_loop3A_678], %parallel_loop3A_681 {strides = array<i32>} : memref<8x1024xf32, #tpu.memory_space<vmem>>, vector<1x16xf32>,
        %parallel_loop3A_682 = arith.constant 6 : i32
        %parallel_loop3A_683 = arith.index_cast %parallel_loop3A_682 : i32 to index
        %parallel_loop3A_684 = arith.index_cast %parallel_loop3A_291 : i32 to index
        %parallel_loop3A_685 = tpu.vector_load %arg5[%parallel_loop3A_683, %parallel_loop3A_684] {strides = array<i32>} : memref<8x1024xf32, #tpu.memory_space<vmem>>, vector<1x16xf32>,
        %parallel_loop3A_686 = vector.shape_cast %parallel_loop3A_685 : vector<1x16xf32> to vector<16xf32>
        %parallel_loop3A_687 = arith.constant 6 : i32
        %parallel_loop3A_688 = arith.index_cast %parallel_loop3A_687 : i32 to index
        %parallel_loop3A_689 = arith.index_cast %parallel_loop3A_291 : i32 to index
        %parallel_loop3A_690 = tpu.vector_load %arg6[%parallel_loop3A_688, %parallel_loop3A_689] {strides = array<i32>} : memref<8x1024xf32, #tpu.memory_space<vmem>>, vector<1x16xf32>,
        %parallel_loop3A_691 = vector.shape_cast %parallel_loop3A_690 : vector<1x16xf32> to vector<16xf32>
        %parallel_loop3A_692 = arith.constant 3.200000e+01 : f32
        %parallel_loop3A_693 = vector.broadcast %parallel_loop3A_692 : f32 to vector<16xf32>
        %parallel_loop3A_694 = arith.mulf %parallel_loop3A_691, %parallel_loop3A_693 : vector<16xf32>
        %parallel_loop3A_695 = arith.addf %parallel_loop3A_694, %parallel_loop3A_686 : vector<16xf32>
        %parallel_loop3A_696 = arith.constant 6 : i32
        %parallel_loop3A_697 = arith.index_cast %parallel_loop3A_696 : i32 to index
        %parallel_loop3A_698 = arith.index_cast %parallel_loop3A_291 : i32 to index
        %parallel_loop3A_699 = tpu.vector_load %arg6[%parallel_loop3A_697, %parallel_loop3A_698] {strides = array<i32>} : memref<8x1024xf32, #tpu.memory_space<vmem>>, vector<1x16xf32>,
        %parallel_loop3A_700 = vector.shape_cast %parallel_loop3A_699 : vector<1x16xf32> to vector<16xf32>
        %parallel_loop3A_701 = vector.shape_cast %parallel_loop3A_695 : vector<16xf32> to vector<1x16xf32>
        tpu.vector_store %arg6[%parallel_loop3A_697, %parallel_loop3A_698], %parallel_loop3A_701 {strides = array<i32>} : memref<8x1024xf32, #tpu.memory_space<vmem>>, vector<1x16xf32>,
        %parallel_loop3A_702 = arith.constant 6 : i32
        %parallel_loop3A_703 = arith.index_cast %parallel_loop3A_702 : i32 to index
        %parallel_loop3A_704 = arith.index_cast %parallel_loop3A_291 : i32 to index
        %parallel_loop3A_705 = tpu.vector_load %arg7[%parallel_loop3A_703, %parallel_loop3A_704] {strides = array<i32>} : memref<8x1024xf32, #tpu.memory_space<vmem>>, vector<1x16xf32>,
        %parallel_loop3A_706 = vector.shape_cast %parallel_loop3A_705 : vector<1x16xf32> to vector<16xf32>
        %parallel_loop3A_707 = arith.constant 3.200000e+01 : f32
        %parallel_loop3A_708 = vector.broadcast %parallel_loop3A_707 : f32 to vector<16xf32>
        %parallel_loop3A_709 = arith.mulf %parallel_loop3A_706, %parallel_loop3A_708 : vector<16xf32>
        %parallel_loop3A_710 = arith.addf %parallel_loop3A_709, %parallel_loop3A_686 : vector<16xf32>
        %parallel_loop3A_711 = arith.constant 6 : i32
        %parallel_loop3A_712 = arith.index_cast %parallel_loop3A_711 : i32 to index
        %parallel_loop3A_713 = arith.index_cast %parallel_loop3A_291 : i32 to index
        %parallel_loop3A_714 = tpu.vector_load %arg7[%parallel_loop3A_712, %parallel_loop3A_713] {strides = array<i32>} : memref<8x1024xf32, #tpu.memory_space<vmem>>, vector<1x16xf32>,
        %parallel_loop3A_715 = vector.shape_cast %parallel_loop3A_714 : vector<1x16xf32> to vector<16xf32>
        %parallel_loop3A_716 = vector.shape_cast %parallel_loop3A_710 : vector<16xf32> to vector<1x16xf32>
        tpu.vector_store %arg7[%parallel_loop3A_712, %parallel_loop3A_713], %parallel_loop3A_716 {strides = array<i32>} : memref<8x1024xf32, #tpu.memory_space<vmem>>, vector<1x16xf32>,
        %parallel_loop3A_717 = arith.constant 6 : i32
        %parallel_loop3A_718 = arith.index_cast %parallel_loop3A_717 : i32 to index
        %parallel_loop3A_719 = arith.index_cast %parallel_loop3A_291 : i32 to index
        %parallel_loop3A_720 = tpu.vector_load %arg8[%parallel_loop3A_718, %parallel_loop3A_719] {strides = array<i32>} : memref<8x1024xf32, #tpu.memory_space<vmem>>, vector<1x16xf32>,
        %parallel_loop3A_721 = vector.shape_cast %parallel_loop3A_720 : vector<1x16xf32> to vector<16xf32>
        %parallel_loop3A_722 = arith.constant 3.200000e+01 : f32
        %parallel_loop3A_723 = vector.broadcast %parallel_loop3A_722 : f32 to vector<16xf32>
        %parallel_loop3A_724 = arith.mulf %parallel_loop3A_721, %parallel_loop3A_723 : vector<16xf32>
        %parallel_loop3A_725 = arith.addf %parallel_loop3A_724, %parallel_loop3A_686 : vector<16xf32>
        %parallel_loop3A_726 = arith.constant 6 : i32
        %parallel_loop3A_727 = arith.index_cast %parallel_loop3A_726 : i32 to index
        %parallel_loop3A_728 = arith.index_cast %parallel_loop3A_291 : i32 to index
        %parallel_loop3A_729 = tpu.vector_load %arg8[%parallel_loop3A_727, %parallel_loop3A_728] {strides = array<i32>} : memref<8x1024xf32, #tpu.memory_space<vmem>>, vector<1x16xf32>,
        %parallel_loop3A_730 = vector.shape_cast %parallel_loop3A_729 : vector<1x16xf32> to vector<16xf32>
        %parallel_loop3A_731 = vector.shape_cast %parallel_loop3A_725 : vector<16xf32> to vector<1x16xf32>
        tpu.vector_store %arg8[%parallel_loop3A_727, %parallel_loop3A_728], %parallel_loop3A_731 {strides = array<i32>} : memref<8x1024xf32, #tpu.memory_space<vmem>>, vector<1x16xf32>,
        %parallel_loop3A_732 = arith.constant 6 : i32
        %parallel_loop3A_733 = arith.index_cast %parallel_loop3A_732 : i32 to index
        %parallel_loop3A_734 = arith.index_cast %parallel_loop3A_291 : i32 to index
        %parallel_loop3A_735 = tpu.vector_load %arg9[%parallel_loop3A_733, %parallel_loop3A_734] {strides = array<i32>} : memref<8x1024xf32, #tpu.memory_space<vmem>>, vector<1x16xf32>,
        %parallel_loop3A_736 = vector.shape_cast %parallel_loop3A_735 : vector<1x16xf32> to vector<16xf32>
        %parallel_loop3A_737 = arith.constant 3.200000e+01 : f32
        %parallel_loop3A_738 = vector.broadcast %parallel_loop3A_737 : f32 to vector<16xf32>
        %parallel_loop3A_739 = arith.mulf %parallel_loop3A_736, %parallel_loop3A_738 : vector<16xf32>
        %parallel_loop3A_740 = arith.addf %parallel_loop3A_739, %parallel_loop3A_686 : vector<16xf32>
        %parallel_loop3A_741 = arith.constant 6 : i32
        %parallel_loop3A_742 = arith.index_cast %parallel_loop3A_741 : i32 to index
        %parallel_loop3A_743 = arith.index_cast %parallel_loop3A_291 : i32 to index
        %parallel_loop3A_744 = tpu.vector_load %arg9[%parallel_loop3A_742, %parallel_loop3A_743] {strides = array<i32>} : memref<8x1024xf32, #tpu.memory_space<vmem>>, vector<1x16xf32>,
        %parallel_loop3A_745 = vector.shape_cast %parallel_loop3A_744 : vector<1x16xf32> to vector<16xf32>
        %parallel_loop3A_746 = vector.shape_cast %parallel_loop3A_740 : vector<16xf32> to vector<1x16xf32>
        tpu.vector_store %arg9[%parallel_loop3A_742, %parallel_loop3A_743], %parallel_loop3A_746 {strides = array<i32>} : memref<8x1024xf32, #tpu.memory_space<vmem>>, vector<1x16xf32>,
        %parallel_loop3A_747 = arith.constant 7 : i32
        %parallel_loop3A_748 = arith.index_cast %parallel_loop3A_747 : i32 to index
        %parallel_loop3A_749 = arith.index_cast %parallel_loop3A_291 : i32 to index
        %parallel_loop3A_750 = tpu.vector_load %arg5[%parallel_loop3A_748, %parallel_loop3A_749] {strides = array<i32>} : memref<8x1024xf32, #tpu.memory_space<vmem>>, vector<1x16xf32>,
        %parallel_loop3A_751 = vector.shape_cast %parallel_loop3A_750 : vector<1x16xf32> to vector<16xf32>
        %parallel_loop3A_752 = arith.constant 7 : i32
        %parallel_loop3A_753 = arith.index_cast %parallel_loop3A_752 : i32 to index
        %parallel_loop3A_754 = arith.index_cast %parallel_loop3A_291 : i32 to index
        %parallel_loop3A_755 = tpu.vector_load %arg6[%parallel_loop3A_753, %parallel_loop3A_754] {strides = array<i32>} : memref<8x1024xf32, #tpu.memory_space<vmem>>, vector<1x16xf32>,
        %parallel_loop3A_756 = vector.shape_cast %parallel_loop3A_755 : vector<1x16xf32> to vector<16xf32>
        %parallel_loop3A_757 = arith.constant 3.200000e+01 : f32
        %parallel_loop3A_758 = vector.broadcast %parallel_loop3A_757 : f32 to vector<16xf32>
        %parallel_loop3A_759 = arith.mulf %parallel_loop3A_756, %parallel_loop3A_758 : vector<16xf32>
        %parallel_loop3A_760 = arith.addf %parallel_loop3A_759, %parallel_loop3A_751 : vector<16xf32>
        %parallel_loop3A_761 = arith.constant 7 : i32
        %parallel_loop3A_762 = arith.index_cast %parallel_loop3A_761 : i32 to index
        %parallel_loop3A_763 = arith.index_cast %parallel_loop3A_291 : i32 to index
        %parallel_loop3A_764 = tpu.vector_load %arg6[%parallel_loop3A_762, %parallel_loop3A_763] {strides = array<i32>} : memref<8x1024xf32, #tpu.memory_space<vmem>>, vector<1x16xf32>,
        %parallel_loop3A_765 = vector.shape_cast %parallel_loop3A_764 : vector<1x16xf32> to vector<16xf32>
        %parallel_loop3A_766 = vector.shape_cast %parallel_loop3A_760 : vector<16xf32> to vector<1x16xf32>
        tpu.vector_store %arg6[%parallel_loop3A_762, %parallel_loop3A_763], %parallel_loop3A_766 {strides = array<i32>} : memref<8x1024xf32, #tpu.memory_space<vmem>>, vector<1x16xf32>,
        %parallel_loop3A_767 = arith.constant 7 : i32
        %parallel_loop3A_768 = arith.index_cast %parallel_loop3A_767 : i32 to index
        %parallel_loop3A_769 = arith.index_cast %parallel_loop3A_291 : i32 to index
        %parallel_loop3A_770 = tpu.vector_load %arg7[%parallel_loop3A_768, %parallel_loop3A_769] {strides = array<i32>} : memref<8x1024xf32, #tpu.memory_space<vmem>>, vector<1x16xf32>,
        %parallel_loop3A_771 = vector.shape_cast %parallel_loop3A_770 : vector<1x16xf32> to vector<16xf32>
        %parallel_loop3A_772 = arith.constant 3.200000e+01 : f32
        %parallel_loop3A_773 = vector.broadcast %parallel_loop3A_772 : f32 to vector<16xf32>
        %parallel_loop3A_774 = arith.mulf %parallel_loop3A_771, %parallel_loop3A_773 : vector<16xf32>
        %parallel_loop3A_775 = arith.addf %parallel_loop3A_774, %parallel_loop3A_751 : vector<16xf32>
        %parallel_loop3A_776 = arith.constant 7 : i32
        %parallel_loop3A_777 = arith.index_cast %parallel_loop3A_776 : i32 to index
        %parallel_loop3A_778 = arith.index_cast %parallel_loop3A_291 : i32 to index
        %parallel_loop3A_779 = tpu.vector_load %arg7[%parallel_loop3A_777, %parallel_loop3A_778] {strides = array<i32>} : memref<8x1024xf32, #tpu.memory_space<vmem>>, vector<1x16xf32>,
        %parallel_loop3A_780 = vector.shape_cast %parallel_loop3A_779 : vector<1x16xf32> to vector<16xf32>
        %parallel_loop3A_781 = vector.shape_cast %parallel_loop3A_775 : vector<16xf32> to vector<1x16xf32>
        tpu.vector_store %arg7[%parallel_loop3A_777, %parallel_loop3A_778], %parallel_loop3A_781 {strides = array<i32>} : memref<8x1024xf32, #tpu.memory_space<vmem>>, vector<1x16xf32>,
        %parallel_loop3A_782 = arith.constant 7 : i32
        %parallel_loop3A_783 = arith.index_cast %parallel_loop3A_782 : i32 to index
        %parallel_loop3A_784 = arith.index_cast %parallel_loop3A_291 : i32 to index
        %parallel_loop3A_785 = tpu.vector_load %arg8[%parallel_loop3A_783, %parallel_loop3A_784] {strides = array<i32>} : memref<8x1024xf32, #tpu.memory_space<vmem>>, vector<1x16xf32>,
        %parallel_loop3A_786 = vector.shape_cast %parallel_loop3A_785 : vector<1x16xf32> to vector<16xf32>
        %parallel_loop3A_787 = arith.constant 3.200000e+01 : f32
        %parallel_loop3A_788 = vector.broadcast %parallel_loop3A_787 : f32 to vector<16xf32>
        %parallel_loop3A_789 = arith.mulf %parallel_loop3A_786, %parallel_loop3A_788 : vector<16xf32>
        %parallel_loop3A_790 = arith.addf %parallel_loop3A_789, %parallel_loop3A_751 : vector<16xf32>
        %parallel_loop3A_791 = arith.constant 7 : i32
        %parallel_loop3A_792 = arith.index_cast %parallel_loop3A_791 : i32 to index
        %parallel_loop3A_793 = arith.index_cast %parallel_loop3A_291 : i32 to index
        %parallel_loop3A_794 = tpu.vector_load %arg8[%parallel_loop3A_792, %parallel_loop3A_793] {strides = array<i32>} : memref<8x1024xf32, #tpu.memory_space<vmem>>, vector<1x16xf32>,
        %parallel_loop3A_795 = vector.shape_cast %parallel_loop3A_794 : vector<1x16xf32> to vector<16xf32>
        %parallel_loop3A_796 = vector.shape_cast %parallel_loop3A_790 : vector<16xf32> to vector<1x16xf32>
        tpu.vector_store %arg8[%parallel_loop3A_792, %parallel_loop3A_793], %parallel_loop3A_796 {strides = array<i32>} : memref<8x1024xf32, #tpu.memory_space<vmem>>, vector<1x16xf32>,
        %parallel_loop3A_797 = arith.constant 7 : i32
        %parallel_loop3A_798 = arith.index_cast %parallel_loop3A_797 : i32 to index
        %parallel_loop3A_799 = arith.index_cast %parallel_loop3A_291 : i32 to index
        %parallel_loop3A_800 = tpu.vector_load %arg9[%parallel_loop3A_798, %parallel_loop3A_799] {strides = array<i32>} : memref<8x1024xf32, #tpu.memory_space<vmem>>, vector<1x16xf32>,
        %parallel_loop3A_801 = vector.shape_cast %parallel_loop3A_800 : vector<1x16xf32> to vector<16xf32>
        %parallel_loop3A_802 = arith.constant 3.200000e+01 : f32
        %parallel_loop3A_803 = vector.broadcast %parallel_loop3A_802 : f32 to vector<16xf32>
        %parallel_loop3A_804 = arith.mulf %parallel_loop3A_801, %parallel_loop3A_803 : vector<16xf32>
        %parallel_loop3A_805 = arith.addf %parallel_loop3A_804, %parallel_loop3A_751 : vector<16xf32>
        %parallel_loop3A_806 = arith.constant 7 : i32
        %parallel_loop3A_807 = arith.index_cast %parallel_loop3A_806 : i32 to index
        %parallel_loop3A_808 = arith.index_cast %parallel_loop3A_291 : i32 to index
        %parallel_loop3A_809 = tpu.vector_load %arg9[%parallel_loop3A_807, %parallel_loop3A_808] {strides = array<i32>} : memref<8x1024xf32, #tpu.memory_space<vmem>>, vector<1x16xf32>,
        %parallel_loop3A_810 = vector.shape_cast %parallel_loop3A_809 : vector<1x16xf32> to vector<16xf32>
        %parallel_loop3A_811 = vector.shape_cast %parallel_loop3A_805 : vector<16xf32> to vector<1x16xf32>
        tpu.vector_store %arg9[%parallel_loop3A_807, %parallel_loop3A_808], %parallel_loop3A_811 {strides = array<i32>} : memref<8x1024xf32, #tpu.memory_space<vmem>>, vector<1x16xf32>,
      } {sc.loop_unroll_factor = 2 : i64, sc.parallel_access}
      %mul3A_176 = arith.constant 8 : i32
      %mul3A_177 = arith.muli %add3A_138, %mul3A_176 : i32
      %add3A_178 = arith.addi %mul3A_2, %mul3A_177 : i32
      %dma_start3A_179 = arith.constant 0 : i32
      %dma_start3A_180 = arith.constant 0 : i32
      %dma_start3A_181 = tpu.memref_slice %arg4[%dma_start3A_179, %add3A_178, %dma_start3A_180] : memref<4x4096x1024xf32, #tpu.memory_space<hbm>> -> memref<1x8x1024xf32, #tpu.memory_space<hbm>>
      %dma_start3A_182 = tpu.memref_squeeze %dma_start3A_181 : memref<1x8x1024xf32, #tpu.memory_space<hbm>> -> memref<8x1024xf32, #tpu.memory_space<hbm>>
      %dma_start3A_183 = arith.constant 0 : i32
      %dma_start3A_184 = tpu.memref_slice %arg4[%dma_start3A_179, %add3A_178, %dma_start3A_183] : memref<4x4096x1024xf32, #tpu.memory_space<hbm>> -> memref<1x8x1024xf32, #tpu.memory_space<hbm>>
      %dma_start3A_185 = tpu.memref_squeeze %dma_start3A_184 : memref<1x8x1024xf32, #tpu.memory_space<hbm>> -> memref<8x1024xf32, #tpu.memory_space<hbm>>
      tpu.enqueue_dma source(%arg6 : memref<8x1024xf32, #tpu.memory_space<vmem>>) target(%dma_start3A_185 : memref<8x1024xf32, #tpu.memory_space<hbm>>) target_semaphore(%arg17 : memref<!tpu.dma_semaphore, #tpu.memory_space<semaphore_mem>>)
      %dma_start3A_186 = arith.constant 1 : i32
      %dma_start3A_187 = arith.constant 0 : i32
      %dma_start3A_188 = tpu.memref_slice %arg4[%dma_start3A_186, %add3A_178, %dma_start3A_187] : memref<4x4096x1024xf32, #tpu.memory_space<hbm>> -> memref<1x8x1024xf32, #tpu.memory_space<hbm>>
      %dma_start3A_189 = tpu.memref_squeeze %dma_start3A_188 : memref<1x8x1024xf32, #tpu.memory_space<hbm>> -> memref<8x1024xf32, #tpu.memory_space<hbm>>
      %dma_start3A_190 = arith.constant 0 : i32
      %dma_start3A_191 = tpu.memref_slice %arg4[%dma_start3A_186, %add3A_178, %dma_start3A_190] : memref<4x4096x1024xf32, #tpu.memory_space<hbm>> -> memref<1x8x1024xf32, #tpu.memory_space<hbm>>
      %dma_start3A_192 = tpu.memref_squeeze %dma_start3A_191 : memref<1x8x1024xf32, #tpu.memory_space<hbm>> -> memref<8x1024xf32, #tpu.memory_space<hbm>>
      tpu.enqueue_dma source(%arg7 : memref<8x1024xf32, #tpu.memory_space<vmem>>) target(%dma_start3A_192 : memref<8x1024xf32, #tpu.memory_space<hbm>>) target_semaphore(%arg17 : memref<!tpu.dma_semaphore, #tpu.memory_space<semaphore_mem>>)
      %dma_start3A_193 = arith.constant 2 : i32
      %dma_start3A_194 = arith.constant 0 : i32
      %dma_start3A_195 = tpu.memref_slice %arg4[%dma_start3A_193, %add3A_178, %dma_start3A_194] : memref<4x4096x1024xf32, #tpu.memory_space<hbm>> -> memref<1x8x1024xf32, #tpu.memory_space<hbm>>
      %dma_start3A_196 = tpu.memref_squeeze %dma_start3A_195 : memref<1x8x1024xf32, #tpu.memory_space<hbm>> -> memref<8x1024xf32, #tpu.memory_space<hbm>>
      %dma_start3A_197 = arith.constant 0 : i32
      %dma_start3A_198 = tpu.memref_slice %arg4[%dma_start3A_193, %add3A_178, %dma_start3A_197] : memref<4x4096x1024xf32, #tpu.memory_space<hbm>> -> memref<1x8x1024xf32, #tpu.memory_space<hbm>>
      %dma_start3A_199 = tpu.memref_squeeze %dma_start3A_198 : memref<1x8x1024xf32, #tpu.memory_space<hbm>> -> memref<8x1024xf32, #tpu.memory_space<hbm>>
      tpu.enqueue_dma source(%arg8 : memref<8x1024xf32, #tpu.memory_space<vmem>>) target(%dma_start3A_199 : memref<8x1024xf32, #tpu.memory_space<hbm>>) target_semaphore(%arg17 : memref<!tpu.dma_semaphore, #tpu.memory_space<semaphore_mem>>)
      %dma_start3A_200 = arith.constant 3 : i32
      %dma_start3A_201 = arith.constant 0 : i32
      %dma_start3A_202 = tpu.memref_slice %arg4[%dma_start3A_200, %add3A_178, %dma_start3A_201] : memref<4x4096x1024xf32, #tpu.memory_space<hbm>> -> memref<1x8x1024xf32, #tpu.memory_space<hbm>>
      %dma_start3A_203 = tpu.memref_squeeze %dma_start3A_202 : memref<1x8x1024xf32, #tpu.memory_space<hbm>> -> memref<8x1024xf32, #tpu.memory_space<hbm>>
      %dma_start3A_204 = arith.constant 0 : i32
      %dma_start3A_205 = tpu.memref_slice %arg4[%dma_start3A_200, %add3A_178, %dma_start3A_204] : memref<4x4096x1024xf32, #tpu.memory_space<hbm>> -> memref<1x8x1024xf32, #tpu.memory_space<hbm>>
      %dma_start3A_206 = tpu.memref_squeeze %dma_start3A_205 : memref<1x8x1024xf32, #tpu.memory_space<hbm>> -> memref<8x1024xf32, #tpu.memory_space<hbm>>
      tpu.enqueue_dma source(%arg9 : memref<8x1024xf32, #tpu.memory_space<vmem>>) target(%dma_start3A_206 : memref<8x1024xf32, #tpu.memory_space<hbm>>) target_semaphore(%arg17 : memref<!tpu.dma_semaphore, #tpu.memory_space<semaphore_mem>>)
      %add3A_207 = arith.constant 2 : i32
      %add3A_208 = arith.addi %add3A_138, %add3A_207 : i32
      %lt3A = arith.constant 16 : i32
      %lt3A_209 = arith.cmpi slt, %add3A_208, %lt3A : i32
      %convert_element_type3A = arith.extui %lt3A_209 : i1 to i32
      %cond3A = arith.constant 0 : i32
      %cond3A_210 = arith.cmpi ne, %convert_element_type3A, %cond3A : i32
      scf.if %cond3A_210 {
        %mul3A_291 = arith.constant 8 : i32
        %mul3A_292 = arith.muli %add3A_138, %mul3A_291 : i32
        %add3A_293 = arith.addi %mul3A_2, %mul3A_292 : i32
        %dma_wait3A_294 = arith.constant 0 : i32
        %dma_wait3A_295 = arith.constant 0 : i32
        %dma_wait3A_296 = tpu.memref_slice %arg4[%dma_wait3A_294, %add3A_293, %dma_wait3A_295] : memref<4x4096x1024xf32, #tpu.memory_space<hbm>> -> memref<1x8x1024xf32, #tpu.memory_space<hbm>>
        %dma_wait3A_297 = tpu.memref_squeeze %dma_wait3A_296 : memref<1x8x1024xf32, #tpu.memory_space<hbm>> -> memref<8x1024xf32, #tpu.memory_space<hbm>>
        %dma_wait3A_298 = arith.constant 0 : i32
        %dma_wait3A_299 = tpu.memref_slice %arg4[%dma_wait3A_294, %add3A_293, %dma_wait3A_298] : memref<4x4096x1024xf32, #tpu.memory_space<hbm>> -> memref<1x8x1024xf32, #tpu.memory_space<hbm>>
        %dma_wait3A_300 = tpu.memref_squeeze %dma_wait3A_299 : memref<1x8x1024xf32, #tpu.memory_space<hbm>> -> memref<8x1024xf32, #tpu.memory_space<hbm>>
        tpu.wait_dma2 semaphore(%arg17 : memref<!tpu.dma_semaphore, #tpu.memory_space<semaphore_mem>>) src(%arg6 : memref<8x1024xf32, #tpu.memory_space<vmem>>) dst(%dma_wait3A_300 : memref<8x1024xf32, #tpu.memory_space<hbm>>)
        %dma_wait3A_301 = arith.constant 1 : i32
        %dma_wait3A_302 = arith.constant 0 : i32
        %dma_wait3A_303 = tpu.memref_slice %arg4[%dma_wait3A_301, %add3A_293, %dma_wait3A_302] : memref<4x4096x1024xf32, #tpu.memory_space<hbm>> -> memref<1x8x1024xf32, #tpu.memory_space<hbm>>
        %dma_wait3A_304 = tpu.memref_squeeze %dma_wait3A_303 : memref<1x8x1024xf32, #tpu.memory_space<hbm>> -> memref<8x1024xf32, #tpu.memory_space<hbm>>
        %dma_wait3A_305 = arith.constant 0 : i32
        %dma_wait3A_306 = tpu.memref_slice %arg4[%dma_wait3A_301, %add3A_293, %dma_wait3A_305] : memref<4x4096x1024xf32, #tpu.memory_space<hbm>> -> memref<1x8x1024xf32, #tpu.memory_space<hbm>>
        %dma_wait3A_307 = tpu.memref_squeeze %dma_wait3A_306 : memref<1x8x1024xf32, #tpu.memory_space<hbm>> -> memref<8x1024xf32, #tpu.memory_space<hbm>>
        tpu.wait_dma2 semaphore(%arg17 : memref<!tpu.dma_semaphore, #tpu.memory_space<semaphore_mem>>) src(%arg7 : memref<8x1024xf32, #tpu.memory_space<vmem>>) dst(%dma_wait3A_307 : memref<8x1024xf32, #tpu.memory_space<hbm>>)
        %dma_wait3A_308 = arith.constant 2 : i32
        %dma_wait3A_309 = arith.constant 0 : i32
        %dma_wait3A_310 = tpu.memref_slice %arg4[%dma_wait3A_308, %add3A_293, %dma_wait3A_309] : memref<4x4096x1024xf32, #tpu.memory_space<hbm>> -> memref<1x8x1024xf32, #tpu.memory_space<hbm>>
        %dma_wait3A_311 = tpu.memref_squeeze %dma_wait3A_310 : memref<1x8x1024xf32, #tpu.memory_space<hbm>> -> memref<8x1024xf32, #tpu.memory_space<hbm>>
        %dma_wait3A_312 = arith.constant 0 : i32
        %dma_wait3A_313 = tpu.memref_slice %arg4[%dma_wait3A_308, %add3A_293, %dma_wait3A_312] : memref<4x4096x1024xf32, #tpu.memory_space<hbm>> -> memref<1x8x1024xf32, #tpu.memory_space<hbm>>
        %dma_wait3A_314 = tpu.memref_squeeze %dma_wait3A_313 : memref<1x8x1024xf32, #tpu.memory_space<hbm>> -> memref<8x1024xf32, #tpu.memory_space<hbm>>
        tpu.wait_dma2 semaphore(%arg17 : memref<!tpu.dma_semaphore, #tpu.memory_space<semaphore_mem>>) src(%arg8 : memref<8x1024xf32, #tpu.memory_space<vmem>>) dst(%dma_wait3A_314 : memref<8x1024xf32, #tpu.memory_space<hbm>>)
        %dma_wait3A_315 = arith.constant 3 : i32
        %dma_wait3A_316 = arith.constant 0 : i32
        %dma_wait3A_317 = tpu.memref_slice %arg4[%dma_wait3A_315, %add3A_293, %dma_wait3A_316] : memref<4x4096x1024xf32, #tpu.memory_space<hbm>> -> memref<1x8x1024xf32, #tpu.memory_space<hbm>>
        %dma_wait3A_318 = tpu.memref_squeeze %dma_wait3A_317 : memref<1x8x1024xf32, #tpu.memory_space<hbm>> -> memref<8x1024xf32, #tpu.memory_space<hbm>>
        %dma_wait3A_319 = arith.constant 0 : i32
        %dma_wait3A_320 = tpu.memref_slice %arg4[%dma_wait3A_315, %add3A_293, %dma_wait3A_319] : memref<4x4096x1024xf32, #tpu.memory_space<hbm>> -> memref<1x8x1024xf32, #tpu.memory_space<hbm>>
        %dma_wait3A_321 = tpu.memref_squeeze %dma_wait3A_320 : memref<1x8x1024xf32, #tpu.memory_space<hbm>> -> memref<8x1024xf32, #tpu.memory_space<hbm>>
        tpu.wait_dma2 semaphore(%arg17 : memref<!tpu.dma_semaphore, #tpu.memory_space<semaphore_mem>>) src(%arg9 : memref<8x1024xf32, #tpu.memory_space<vmem>>) dst(%dma_wait3A_321 : memref<8x1024xf32, #tpu.memory_space<hbm>>)
        %add3A_322 = arith.constant 2 : i32
        %add3A_323 = arith.addi %add3A_138, %add3A_322 : i32
        %mul3A_324 = arith.constant 8 : i32
        %mul3A_325 = arith.muli %add3A_323, %mul3A_324 : i32
        %add3A_326 = arith.addi %mul3A_2, %mul3A_325 : i32
        %dma_start3A_327 = arith.constant 0 : i32
        %dma_start3A_328 = tpu.memref_slice %arg3[%add3A_326, %dma_start3A_327] : memref<4096x1024xf32, #tpu.memory_space<hbm>> -> memref<8x1024xf32, #tpu.memory_space<hbm>>
        %dma_start3A_329 = arith.constant 0 : i32
        %dma_start3A_330 = tpu.memref_slice %arg3[%add3A_326, %dma_start3A_329] : memref<4096x1024xf32, #tpu.memory_space<hbm>> -> memref<8x1024xf32, #tpu.memory_space<hbm>>
        tpu.enqueue_dma source(%dma_start3A_330 : memref<8x1024xf32, #tpu.memory_space<hbm>>) target(%arg5 : memref<8x1024xf32, #tpu.memory_space<vmem>>) target_semaphore(%arg15 : memref<!tpu.dma_semaphore, #tpu.memory_space<semaphore_mem>>)
        %dma_start3A_331 = arith.constant 0 : i32
        %dma_start3A_332 = arith.constant 0 : i32
        %dma_start3A_333 = tpu.memref_slice %arg2[%dma_start3A_331, %add3A_326, %dma_start3A_332] : memref<4x4096x1024xf32, #tpu.memory_space<hbm>> -> memref<1x8x1024xf32, #tpu.memory_space<hbm>>
        %dma_start3A_334 = tpu.memref_squeeze %dma_start3A_333 : memref<1x8x1024xf32, #tpu.memory_space<hbm>> -> memref<8x1024xf32, #tpu.memory_space<hbm>>
        %dma_start3A_335 = arith.constant 0 : i32
        %dma_start3A_336 = tpu.memref_slice %arg2[%dma_start3A_331, %add3A_326, %dma_start3A_335] : memref<4x4096x1024xf32, #tpu.memory_space<hbm>> -> memref<1x8x1024xf32, #tpu.memory_space<hbm>>
        %dma_start3A_337 = tpu.memref_squeeze %dma_start3A_336 : memref<1x8x1024xf32, #tpu.memory_space<hbm>> -> memref<8x1024xf32, #tpu.memory_space<hbm>>
        tpu.enqueue_dma source(%dma_start3A_337 : memref<8x1024xf32, #tpu.memory_space<hbm>>) target(%arg6 : memref<8x1024xf32, #tpu.memory_space<vmem>>) target_semaphore(%arg15 : memref<!tpu.dma_semaphore, #tpu.memory_space<semaphore_mem>>)
        %dma_start3A_338 = arith.constant 1 : i32
        %dma_start3A_339 = arith.constant 0 : i32
        %dma_start3A_340 = tpu.memref_slice %arg2[%dma_start3A_338, %add3A_326, %dma_start3A_339] : memref<4x4096x1024xf32, #tpu.memory_space<hbm>> -> memref<1x8x1024xf32, #tpu.memory_space<hbm>>
        %dma_start3A_341 = tpu.memref_squeeze %dma_start3A_340 : memref<1x8x1024xf32, #tpu.memory_space<hbm>> -> memref<8x1024xf32, #tpu.memory_space<hbm>>
        %dma_start3A_342 = arith.constant 0 : i32
        %dma_start3A_343 = tpu.memref_slice %arg2[%dma_start3A_338, %add3A_326, %dma_start3A_342] : memref<4x4096x1024xf32, #tpu.memory_space<hbm>> -> memref<1x8x1024xf32, #tpu.memory_space<hbm>>
        %dma_start3A_344 = tpu.memref_squeeze %dma_start3A_343 : memref<1x8x1024xf32, #tpu.memory_space<hbm>> -> memref<8x1024xf32, #tpu.memory_space<hbm>>
        tpu.enqueue_dma source(%dma_start3A_344 : memref<8x1024xf32, #tpu.memory_space<hbm>>) target(%arg7 : memref<8x1024xf32, #tpu.memory_space<vmem>>) target_semaphore(%arg15 : memref<!tpu.dma_semaphore, #tpu.memory_space<semaphore_mem>>)
        %dma_start3A_345 = arith.constant 2 : i32
        %dma_start3A_346 = arith.constant 0 : i32
        %dma_start3A_347 = tpu.memref_slice %arg2[%dma_start3A_345, %add3A_326, %dma_start3A_346] : memref<4x4096x1024xf32, #tpu.memory_space<hbm>> -> memref<1x8x1024xf32, #tpu.memory_space<hbm>>
        %dma_start3A_348 = tpu.memref_squeeze %dma_start3A_347 : memref<1x8x1024xf32, #tpu.memory_space<hbm>> -> memref<8x1024xf32, #tpu.memory_space<hbm>>
        %dma_start3A_349 = arith.constant 0 : i32
        %dma_start3A_350 = tpu.memref_slice %arg2[%dma_start3A_345, %add3A_326, %dma_start3A_349] : memref<4x4096x1024xf32, #tpu.memory_space<hbm>> -> memref<1x8x1024xf32, #tpu.memory_space<hbm>>
        %dma_start3A_351 = tpu.memref_squeeze %dma_start3A_350 : memref<1x8x1024xf32, #tpu.memory_space<hbm>> -> memref<8x1024xf32, #tpu.memory_space<hbm>>
        tpu.enqueue_dma source(%dma_start3A_351 : memref<8x1024xf32, #tpu.memory_space<hbm>>) target(%arg8 : memref<8x1024xf32, #tpu.memory_space<vmem>>) target_semaphore(%arg15 : memref<!tpu.dma_semaphore, #tpu.memory_space<semaphore_mem>>)
        %dma_start3A_352 = arith.constant 3 : i32
        %dma_start3A_353 = arith.constant 0 : i32
        %dma_start3A_354 = tpu.memref_slice %arg2[%dma_start3A_352, %add3A_326, %dma_start3A_353] : memref<4x4096x1024xf32, #tpu.memory_space<hbm>> -> memref<1x8x1024xf32, #tpu.memory_space<hbm>>
        %dma_start3A_355 = tpu.memref_squeeze %dma_start3A_354 : memref<1x8x1024xf32, #tpu.memory_space<hbm>> -> memref<8x1024xf32, #tpu.memory_space<hbm>>
        %dma_start3A_356 = arith.constant 0 : i32
        %dma_start3A_357 = tpu.memref_slice %arg2[%dma_start3A_352, %add3A_326, %dma_start3A_356] : memref<4x4096x1024xf32, #tpu.memory_space<hbm>> -> memref<1x8x1024xf32, #tpu.memory_space<hbm>>
        %dma_start3A_358 = tpu.memref_squeeze %dma_start3A_357 : memref<1x8x1024xf32, #tpu.memory_space<hbm>> -> memref<8x1024xf32, #tpu.memory_space<hbm>>
        tpu.enqueue_dma source(%dma_start3A_358 : memref<8x1024xf32, #tpu.memory_space<hbm>>) target(%arg9 : memref<8x1024xf32, #tpu.memory_space<vmem>>) target_semaphore(%arg15 : memref<!tpu.dma_semaphore, #tpu.memory_space<semaphore_mem>>)
      } else {
      }
      %mul3A_211 = arith.constant 2 : i32
      %mul3A_212 = arith.muli %mul3A_211, %scan3A_134 : i32
      %add3A_213 = arith.constant 1 : i32
      %add3A_214 = arith.addi %mul3A_212, %add3A_213 : i32
      %mul3A_215 = arith.constant 8 : i32
      %mul3A_216 = arith.muli %add3A_214, %mul3A_215 : i32
      %add3A_217 = arith.addi %mul3A_2, %mul3A_216 : i32
      %dma_wait3A_218 = arith.constant 0 : i32
      %dma_wait3A_219 = tpu.memref_slice %arg3[%add3A_217, %dma_wait3A_218] : memref<4096x1024xf32, #tpu.memory_space<hbm>> -> memref<8x1024xf32, #tpu.memory_space<hbm>>
      %dma_wait3A_220 = arith.constant 0 : i32
      %dma_wait3A_221 = tpu.memref_slice %arg3[%add3A_217, %dma_wait3A_220] : memref<4096x1024xf32, #tpu.memory_space<hbm>> -> memref<8x1024xf32, #tpu.memory_space<hbm>>
      tpu.wait_dma2 semaphore(%arg16 : memref<!tpu.dma_semaphore, #tpu.memory_space<semaphore_mem>>) src(%dma_wait3A_221 : memref<8x1024xf32, #tpu.memory_space<hbm>>) dst(%arg10 : memref<8x1024xf32, #tpu.memory_space<vmem>>)
      %dma_wait3A_222 = arith.constant 0 : i32
      %dma_wait3A_223 = arith.constant 0 : i32
      %dma_wait3A_224 = tpu.memref_slice %arg2[%dma_wait3A_222, %add3A_217, %dma_wait3A_223] : memref<4x4096x1024xf32, #tpu.memory_space<hbm>> -> memref<1x8x1024xf32, #tpu.memory_space<hbm>>
      %dma_wait3A_225 = tpu.memref_squeeze %dma_wait3A_224 : memref<1x8x1024xf32, #tpu.memory_space<hbm>> -> memref<8x1024xf32, #tpu.memory_space<hbm>>
      %dma_wait3A_226 = arith.constant 0 : i32
      %dma_wait3A_227 = tpu.memref_slice %arg2[%dma_wait3A_222, %add3A_217, %dma_wait3A_226] : memref<4x4096x1024xf32, #tpu.memory_space<hbm>> -> memref<1x8x1024xf32, #tpu.memory_space<hbm>>
      %dma_wait3A_228 = tpu.memref_squeeze %dma_wait3A_227 : memref<1x8x1024xf32, #tpu.memory_space<hbm>> -> memref<8x1024xf32, #tpu.memory_space<hbm>>
      tpu.wait_dma2 semaphore(%arg16 : memref<!tpu.dma_semaphore, #tpu.memory_space<semaphore_mem>>) src(%dma_wait3A_228 : memref<8x1024xf32, #tpu.memory_space<hbm>>) dst(%arg11 : memref<8x1024xf32, #tpu.memory_space<vmem>>)
      %dma_wait3A_229 = arith.constant 1 : i32
      %dma_wait3A_230 = arith.constant 0 : i32
      %dma_wait3A_231 = tpu.memref_slice %arg2[%dma_wait3A_229, %add3A_217, %dma_wait3A_230] : memref<4x4096x1024xf32, #tpu.memory_space<hbm>> -> memref<1x8x1024xf32, #tpu.memory_space<hbm>>
      %dma_wait3A_232 = tpu.memref_squeeze %dma_wait3A_231 : memref<1x8x1024xf32, #tpu.memory_space<hbm>> -> memref<8x1024xf32, #tpu.memory_space<hbm>>
      %dma_wait3A_233 = arith.constant 0 : i32
      %dma_wait3A_234 = tpu.memref_slice %arg2[%dma_wait3A_229, %add3A_217, %dma_wait3A_233] : memref<4x4096x1024xf32, #tpu.memory_space<hbm>> -> memref<1x8x1024xf32, #tpu.memory_space<hbm>>
      %dma_wait3A_235 = tpu.memref_squeeze %dma_wait3A_234 : memref<1x8x1024xf32, #tpu.memory_space<hbm>> -> memref<8x1024xf32, #tpu.memory_space<hbm>>
      tpu.wait_dma2 semaphore(%arg16 : memref<!tpu.dma_semaphore, #tpu.memory_space<semaphore_mem>>) src(%dma_wait3A_235 : memref<8x1024xf32, #tpu.memory_space<hbm>>) dst(%arg12 : memref<8x1024xf32, #tpu.memory_space<vmem>>)
      %dma_wait3A_236 = arith.constant 2 : i32
      %dma_wait3A_237 = arith.constant 0 : i32
      %dma_wait3A_238 = tpu.memref_slice %arg2[%dma_wait3A_236, %add3A_217, %dma_wait3A_237] : memref<4x4096x1024xf32, #tpu.memory_space<hbm>> -> memref<1x8x1024xf32, #tpu.memory_space<hbm>>
      %dma_wait3A_239 = tpu.memref_squeeze %dma_wait3A_238 : memref<1x8x1024xf32, #tpu.memory_space<hbm>> -> memref<8x1024xf32, #tpu.memory_space<hbm>>
      %dma_wait3A_240 = arith.constant 0 : i32
      %dma_wait3A_241 = tpu.memref_slice %arg2[%dma_wait3A_236, %add3A_217, %dma_wait3A_240] : memref<4x4096x1024xf32, #tpu.memory_space<hbm>> -> memref<1x8x1024xf32, #tpu.memory_space<hbm>>
      %dma_wait3A_242 = tpu.memref_squeeze %dma_wait3A_241 : memref<1x8x1024xf32, #tpu.memory_space<hbm>> -> memref<8x1024xf32, #tpu.memory_space<hbm>>
      tpu.wait_dma2 semaphore(%arg16 : memref<!tpu.dma_semaphore, #tpu.memory_space<semaphore_mem>>) src(%dma_wait3A_242 : memref<8x1024xf32, #tpu.memory_space<hbm>>) dst(%arg13 : memref<8x1024xf32, #tpu.memory_space<vmem>>)
      %dma_wait3A_243 = arith.constant 3 : i32
      %dma_wait3A_244 = arith.constant 0 : i32
      %dma_wait3A_245 = tpu.memref_slice %arg2[%dma_wait3A_243, %add3A_217, %dma_wait3A_244] : memref<4x4096x1024xf32, #tpu.memory_space<hbm>> -> memref<1x8x1024xf32, #tpu.memory_space<hbm>>
      %dma_wait3A_246 = tpu.memref_squeeze %dma_wait3A_245 : memref<1x8x1024xf32, #tpu.memory_space<hbm>> -> memref<8x1024xf32, #tpu.memory_space<hbm>>
      %dma_wait3A_247 = arith.constant 0 : i32
      %dma_wait3A_248 = tpu.memref_slice %arg2[%dma_wait3A_243, %add3A_217, %dma_wait3A_247] : memref<4x4096x1024xf32, #tpu.memory_space<hbm>> -> memref<1x8x1024xf32, #tpu.memory_space<hbm>>
      %dma_wait3A_249 = tpu.memref_squeeze %dma_wait3A_248 : memref<1x8x1024xf32, #tpu.memory_space<hbm>> -> memref<8x1024xf32, #tpu.memory_space<hbm>>
      tpu.wait_dma2 semaphore(%arg16 : memref<!tpu.dma_semaphore, #tpu.memory_space<semaphore_mem>>) src(%dma_wait3A_249 : memref<8x1024xf32, #tpu.memory_space<hbm>>) dst(%arg14 : memref<8x1024xf32, #tpu.memory_space<vmem>>)
      %parallel_loop3A_250 = arith.constant 0 : i32
      %parallel_loop3A_251 = arith.constant 1024 : i32
      %parallel_loop3A_252 = arith.constant 16 : i32
      scf.for %parallel_loop3A_291 = %parallel_loop3A_250 to %parallel_loop3A_251 step %parallel_loop3A_252  : i32 {
        %parallel_loop3A_292 = arith.constant 0 : i32
        %parallel_loop3A_293 = arith.index_cast %parallel_loop3A_292 : i32 to index
        %parallel_loop3A_294 = arith.index_cast %parallel_loop3A_291 : i32 to index
        %parallel_loop3A_295 = tpu.vector_load %arg10[%parallel_loop3A_293, %parallel_loop3A_294] {strides = array<i32>} : memref<8x1024xf32, #tpu.memory_space<vmem>>, vector<1x16xf32>,
        %parallel_loop3A_296 = vector.shape_cast %parallel_loop3A_295 : vector<1x16xf32> to vector<16xf32>
        %parallel_loop3A_297 = arith.constant 0 : i32
        %parallel_loop3A_298 = arith.index_cast %parallel_loop3A_297 : i32 to index
        %parallel_loop3A_299 = arith.index_cast %parallel_loop3A_291 : i32 to index
        %parallel_loop3A_300 = tpu.vector_load %arg11[%parallel_loop3A_298, %parallel_loop3A_299] {strides = array<i32>} : memref<8x1024xf32, #tpu.memory_space<vmem>>, vector<1x16xf32>,
        %parallel_loop3A_301 = vector.shape_cast %parallel_loop3A_300 : vector<1x16xf32> to vector<16xf32>
        %parallel_loop3A_302 = arith.constant 3.200000e+01 : f32
        %parallel_loop3A_303 = vector.broadcast %parallel_loop3A_302 : f32 to vector<16xf32>
        %parallel_loop3A_304 = arith.mulf %parallel_loop3A_301, %parallel_loop3A_303 : vector<16xf32>
        %parallel_loop3A_305 = arith.addf %parallel_loop3A_304, %parallel_loop3A_296 : vector<16xf32>
        %parallel_loop3A_306 = arith.constant 0 : i32
        %parallel_loop3A_307 = arith.index_cast %parallel_loop3A_306 : i32 to index
        %parallel_loop3A_308 = arith.index_cast %parallel_loop3A_291 : i32 to index
        %parallel_loop3A_309 = tpu.vector_load %arg11[%parallel_loop3A_307, %parallel_loop3A_308] {strides = array<i32>} : memref<8x1024xf32, #tpu.memory_space<vmem>>, vector<1x16xf32>,
        %parallel_loop3A_310 = vector.shape_cast %parallel_loop3A_309 : vector<1x16xf32> to vector<16xf32>
        %parallel_loop3A_311 = vector.shape_cast %parallel_loop3A_305 : vector<16xf32> to vector<1x16xf32>
        tpu.vector_store %arg11[%parallel_loop3A_307, %parallel_loop3A_308], %parallel_loop3A_311 {strides = array<i32>} : memref<8x1024xf32, #tpu.memory_space<vmem>>, vector<1x16xf32>,
        %parallel_loop3A_312 = arith.constant 0 : i32
        %parallel_loop3A_313 = arith.index_cast %parallel_loop3A_312 : i32 to index
        %parallel_loop3A_314 = arith.index_cast %parallel_loop3A_291 : i32 to index
        %parallel_loop3A_315 = tpu.vector_load %arg12[%parallel_loop3A_313, %parallel_loop3A_314] {strides = array<i32>} : memref<8x1024xf32, #tpu.memory_space<vmem>>, vector<1x16xf32>,
        %parallel_loop3A_316 = vector.shape_cast %parallel_loop3A_315 : vector<1x16xf32> to vector<16xf32>
        %parallel_loop3A_317 = arith.constant 3.200000e+01 : f32
        %parallel_loop3A_318 = vector.broadcast %parallel_loop3A_317 : f32 to vector<16xf32>
        %parallel_loop3A_319 = arith.mulf %parallel_loop3A_316, %parallel_loop3A_318 : vector<16xf32>
        %parallel_loop3A_320 = arith.addf %parallel_loop3A_319, %parallel_loop3A_296 : vector<16xf32>
        %parallel_loop3A_321 = arith.constant 0 : i32
        %parallel_loop3A_322 = arith.index_cast %parallel_loop3A_321 : i32 to index
        %parallel_loop3A_323 = arith.index_cast %parallel_loop3A_291 : i32 to index
        %parallel_loop3A_324 = tpu.vector_load %arg12[%parallel_loop3A_322, %parallel_loop3A_323] {strides = array<i32>} : memref<8x1024xf32, #tpu.memory_space<vmem>>, vector<1x16xf32>,
        %parallel_loop3A_325 = vector.shape_cast %parallel_loop3A_324 : vector<1x16xf32> to vector<16xf32>
        %parallel_loop3A_326 = vector.shape_cast %parallel_loop3A_320 : vector<16xf32> to vector<1x16xf32>
        tpu.vector_store %arg12[%parallel_loop3A_322, %parallel_loop3A_323], %parallel_loop3A_326 {strides = array<i32>} : memref<8x1024xf32, #tpu.memory_space<vmem>>, vector<1x16xf32>,
        %parallel_loop3A_327 = arith.constant 0 : i32
        %parallel_loop3A_328 = arith.index_cast %parallel_loop3A_327 : i32 to index
        %parallel_loop3A_329 = arith.index_cast %parallel_loop3A_291 : i32 to index
        %parallel_loop3A_330 = tpu.vector_load %arg13[%parallel_loop3A_328, %parallel_loop3A_329] {strides = array<i32>} : memref<8x1024xf32, #tpu.memory_space<vmem>>, vector<1x16xf32>,
        %parallel_loop3A_331 = vector.shape_cast %parallel_loop3A_330 : vector<1x16xf32> to vector<16xf32>
        %parallel_loop3A_332 = arith.constant 3.200000e+01 : f32
        %parallel_loop3A_333 = vector.broadcast %parallel_loop3A_332 : f32 to vector<16xf32>
        %parallel_loop3A_334 = arith.mulf %parallel_loop3A_331, %parallel_loop3A_333 : vector<16xf32>
        %parallel_loop3A_335 = arith.addf %parallel_loop3A_334, %parallel_loop3A_296 : vector<16xf32>
        %parallel_loop3A_336 = arith.constant 0 : i32
        %parallel_loop3A_337 = arith.index_cast %parallel_loop3A_336 : i32 to index
        %parallel_loop3A_338 = arith.index_cast %parallel_loop3A_291 : i32 to index
        %parallel_loop3A_339 = tpu.vector_load %arg13[%parallel_loop3A_337, %parallel_loop3A_338] {strides = array<i32>} : memref<8x1024xf32, #tpu.memory_space<vmem>>, vector<1x16xf32>,
        %parallel_loop3A_340 = vector.shape_cast %parallel_loop3A_339 : vector<1x16xf32> to vector<16xf32>
        %parallel_loop3A_341 = vector.shape_cast %parallel_loop3A_335 : vector<16xf32> to vector<1x16xf32>
        tpu.vector_store %arg13[%parallel_loop3A_337, %parallel_loop3A_338], %parallel_loop3A_341 {strides = array<i32>} : memref<8x1024xf32, #tpu.memory_space<vmem>>, vector<1x16xf32>,
        %parallel_loop3A_342 = arith.constant 0 : i32
        %parallel_loop3A_343 = arith.index_cast %parallel_loop3A_342 : i32 to index
        %parallel_loop3A_344 = arith.index_cast %parallel_loop3A_291 : i32 to index
        %parallel_loop3A_345 = tpu.vector_load %arg14[%parallel_loop3A_343, %parallel_loop3A_344] {strides = array<i32>} : memref<8x1024xf32, #tpu.memory_space<vmem>>, vector<1x16xf32>,
        %parallel_loop3A_346 = vector.shape_cast %parallel_loop3A_345 : vector<1x16xf32> to vector<16xf32>
        %parallel_loop3A_347 = arith.constant 3.200000e+01 : f32
        %parallel_loop3A_348 = vector.broadcast %parallel_loop3A_347 : f32 to vector<16xf32>
        %parallel_loop3A_349 = arith.mulf %parallel_loop3A_346, %parallel_loop3A_348 : vector<16xf32>
        %parallel_loop3A_350 = arith.addf %parallel_loop3A_349, %parallel_loop3A_296 : vector<16xf32>
        %parallel_loop3A_351 = arith.constant 0 : i32
        %parallel_loop3A_352 = arith.index_cast %parallel_loop3A_351 : i32 to index
        %parallel_loop3A_353 = arith.index_cast %parallel_loop3A_291 : i32 to index
        %parallel_loop3A_354 = tpu.vector_load %arg14[%parallel_loop3A_352, %parallel_loop3A_353] {strides = array<i32>} : memref<8x1024xf32, #tpu.memory_space<vmem>>, vector<1x16xf32>,
        %parallel_loop3A_355 = vector.shape_cast %parallel_loop3A_354 : vector<1x16xf32> to vector<16xf32>
        %parallel_loop3A_356 = vector.shape_cast %parallel_loop3A_350 : vector<16xf32> to vector<1x16xf32>
        tpu.vector_store %arg14[%parallel_loop3A_352, %parallel_loop3A_353], %parallel_loop3A_356 {strides = array<i32>} : memref<8x1024xf32, #tpu.memory_space<vmem>>, vector<1x16xf32>,
        %parallel_loop3A_357 = arith.constant 1 : i32
        %parallel_loop3A_358 = arith.index_cast %parallel_loop3A_357 : i32 to index
        %parallel_loop3A_359 = arith.index_cast %parallel_loop3A_291 : i32 to index
        %parallel_loop3A_360 = tpu.vector_load %arg10[%parallel_loop3A_358, %parallel_loop3A_359] {strides = array<i32>} : memref<8x1024xf32, #tpu.memory_space<vmem>>, vector<1x16xf32>,
        %parallel_loop3A_361 = vector.shape_cast %parallel_loop3A_360 : vector<1x16xf32> to vector<16xf32>
        %parallel_loop3A_362 = arith.constant 1 : i32
        %parallel_loop3A_363 = arith.index_cast %parallel_loop3A_362 : i32 to index
        %parallel_loop3A_364 = arith.index_cast %parallel_loop3A_291 : i32 to index
        %parallel_loop3A_365 = tpu.vector_load %arg11[%parallel_loop3A_363, %parallel_loop3A_364] {strides = array<i32>} : memref<8x1024xf32, #tpu.memory_space<vmem>>, vector<1x16xf32>,
        %parallel_loop3A_366 = vector.shape_cast %parallel_loop3A_365 : vector<1x16xf32> to vector<16xf32>
        %parallel_loop3A_367 = arith.constant 3.200000e+01 : f32
        %parallel_loop3A_368 = vector.broadcast %parallel_loop3A_367 : f32 to vector<16xf32>
        %parallel_loop3A_369 = arith.mulf %parallel_loop3A_366, %parallel_loop3A_368 : vector<16xf32>
        %parallel_loop3A_370 = arith.addf %parallel_loop3A_369, %parallel_loop3A_361 : vector<16xf32>
        %parallel_loop3A_371 = arith.constant 1 : i32
        %parallel_loop3A_372 = arith.index_cast %parallel_loop3A_371 : i32 to index
        %parallel_loop3A_373 = arith.index_cast %parallel_loop3A_291 : i32 to index
        %parallel_loop3A_374 = tpu.vector_load %arg11[%parallel_loop3A_372, %parallel_loop3A_373] {strides = array<i32>} : memref<8x1024xf32, #tpu.memory_space<vmem>>, vector<1x16xf32>,
        %parallel_loop3A_375 = vector.shape_cast %parallel_loop3A_374 : vector<1x16xf32> to vector<16xf32>
        %parallel_loop3A_376 = vector.shape_cast %parallel_loop3A_370 : vector<16xf32> to vector<1x16xf32>
        tpu.vector_store %arg11[%parallel_loop3A_372, %parallel_loop3A_373], %parallel_loop3A_376 {strides = array<i32>} : memref<8x1024xf32, #tpu.memory_space<vmem>>, vector<1x16xf32>,
        %parallel_loop3A_377 = arith.constant 1 : i32
        %parallel_loop3A_378 = arith.index_cast %parallel_loop3A_377 : i32 to index
        %parallel_loop3A_379 = arith.index_cast %parallel_loop3A_291 : i32 to index
        %parallel_loop3A_380 = tpu.vector_load %arg12[%parallel_loop3A_378, %parallel_loop3A_379] {strides = array<i32>} : memref<8x1024xf32, #tpu.memory_space<vmem>>, vector<1x16xf32>,
        %parallel_loop3A_381 = vector.shape_cast %parallel_loop3A_380 : vector<1x16xf32> to vector<16xf32>
        %parallel_loop3A_382 = arith.constant 3.200000e+01 : f32
        %parallel_loop3A_383 = vector.broadcast %parallel_loop3A_382 : f32 to vector<16xf32>
        %parallel_loop3A_384 = arith.mulf %parallel_loop3A_381, %parallel_loop3A_383 : vector<16xf32>
        %parallel_loop3A_385 = arith.addf %parallel_loop3A_384, %parallel_loop3A_361 : vector<16xf32>
        %parallel_loop3A_386 = arith.constant 1 : i32
        %parallel_loop3A_387 = arith.index_cast %parallel_loop3A_386 : i32 to index
        %parallel_loop3A_388 = arith.index_cast %parallel_loop3A_291 : i32 to index
        %parallel_loop3A_389 = tpu.vector_load %arg12[%parallel_loop3A_387, %parallel_loop3A_388] {strides = array<i32>} : memref<8x1024xf32, #tpu.memory_space<vmem>>, vector<1x16xf32>,
        %parallel_loop3A_390 = vector.shape_cast %parallel_loop3A_389 : vector<1x16xf32> to vector<16xf32>
        %parallel_loop3A_391 = vector.shape_cast %parallel_loop3A_385 : vector<16xf32> to vector<1x16xf32>
        tpu.vector_store %arg12[%parallel_loop3A_387, %parallel_loop3A_388], %parallel_loop3A_391 {strides = array<i32>} : memref<8x1024xf32, #tpu.memory_space<vmem>>, vector<1x16xf32>,
        %parallel_loop3A_392 = arith.constant 1 : i32
        %parallel_loop3A_393 = arith.index_cast %parallel_loop3A_392 : i32 to index
        %parallel_loop3A_394 = arith.index_cast %parallel_loop3A_291 : i32 to index
        %parallel_loop3A_395 = tpu.vector_load %arg13[%parallel_loop3A_393, %parallel_loop3A_394] {strides = array<i32>} : memref<8x1024xf32, #tpu.memory_space<vmem>>, vector<1x16xf32>,
        %parallel_loop3A_396 = vector.shape_cast %parallel_loop3A_395 : vector<1x16xf32> to vector<16xf32>
        %parallel_loop3A_397 = arith.constant 3.200000e+01 : f32
        %parallel_loop3A_398 = vector.broadcast %parallel_loop3A_397 : f32 to vector<16xf32>
        %parallel_loop3A_399 = arith.mulf %parallel_loop3A_396, %parallel_loop3A_398 : vector<16xf32>
        %parallel_loop3A_400 = arith.addf %parallel_loop3A_399, %parallel_loop3A_361 : vector<16xf32>
        %parallel_loop3A_401 = arith.constant 1 : i32
        %parallel_loop3A_402 = arith.index_cast %parallel_loop3A_401 : i32 to index
        %parallel_loop3A_403 = arith.index_cast %parallel_loop3A_291 : i32 to index
        %parallel_loop3A_404 = tpu.vector_load %arg13[%parallel_loop3A_402, %parallel_loop3A_403] {strides = array<i32>} : memref<8x1024xf32, #tpu.memory_space<vmem>>, vector<1x16xf32>,
        %parallel_loop3A_405 = vector.shape_cast %parallel_loop3A_404 : vector<1x16xf32> to vector<16xf32>
        %parallel_loop3A_406 = vector.shape_cast %parallel_loop3A_400 : vector<16xf32> to vector<1x16xf32>
        tpu.vector_store %arg13[%parallel_loop3A_402, %parallel_loop3A_403], %parallel_loop3A_406 {strides = array<i32>} : memref<8x1024xf32, #tpu.memory_space<vmem>>, vector<1x16xf32>,
        %parallel_loop3A_407 = arith.constant 1 : i32
        %parallel_loop3A_408 = arith.index_cast %parallel_loop3A_407 : i32 to index
        %parallel_loop3A_409 = arith.index_cast %parallel_loop3A_291 : i32 to index
        %parallel_loop3A_410 = tpu.vector_load %arg14[%parallel_loop3A_408, %parallel_loop3A_409] {strides = array<i32>} : memref<8x1024xf32, #tpu.memory_space<vmem>>, vector<1x16xf32>,
        %parallel_loop3A_411 = vector.shape_cast %parallel_loop3A_410 : vector<1x16xf32> to vector<16xf32>
        %parallel_loop3A_412 = arith.constant 3.200000e+01 : f32
        %parallel_loop3A_413 = vector.broadcast %parallel_loop3A_412 : f32 to vector<16xf32>
        %parallel_loop3A_414 = arith.mulf %parallel_loop3A_411, %parallel_loop3A_413 : vector<16xf32>
        %parallel_loop3A_415 = arith.addf %parallel_loop3A_414, %parallel_loop3A_361 : vector<16xf32>
        %parallel_loop3A_416 = arith.constant 1 : i32
        %parallel_loop3A_417 = arith.index_cast %parallel_loop3A_416 : i32 to index
        %parallel_loop3A_418 = arith.index_cast %parallel_loop3A_291 : i32 to index
        %parallel_loop3A_419 = tpu.vector_load %arg14[%parallel_loop3A_417, %parallel_loop3A_418] {strides = array<i32>} : memref<8x1024xf32, #tpu.memory_space<vmem>>, vector<1x16xf32>,
        %parallel_loop3A_420 = vector.shape_cast %parallel_loop3A_419 : vector<1x16xf32> to vector<16xf32>
        %parallel_loop3A_421 = vector.shape_cast %parallel_loop3A_415 : vector<16xf32> to vector<1x16xf32>
        tpu.vector_store %arg14[%parallel_loop3A_417, %parallel_loop3A_418], %parallel_loop3A_421 {strides = array<i32>} : memref<8x1024xf32, #tpu.memory_space<vmem>>, vector<1x16xf32>,
        %parallel_loop3A_422 = arith.constant 2 : i32
        %parallel_loop3A_423 = arith.index_cast %parallel_loop3A_422 : i32 to index
        %parallel_loop3A_424 = arith.index_cast %parallel_loop3A_291 : i32 to index
        %parallel_loop3A_425 = tpu.vector_load %arg10[%parallel_loop3A_423, %parallel_loop3A_424] {strides = array<i32>} : memref<8x1024xf32, #tpu.memory_space<vmem>>, vector<1x16xf32>,
        %parallel_loop3A_426 = vector.shape_cast %parallel_loop3A_425 : vector<1x16xf32> to vector<16xf32>
        %parallel_loop3A_427 = arith.constant 2 : i32
        %parallel_loop3A_428 = arith.index_cast %parallel_loop3A_427 : i32 to index
        %parallel_loop3A_429 = arith.index_cast %parallel_loop3A_291 : i32 to index
        %parallel_loop3A_430 = tpu.vector_load %arg11[%parallel_loop3A_428, %parallel_loop3A_429] {strides = array<i32>} : memref<8x1024xf32, #tpu.memory_space<vmem>>, vector<1x16xf32>,
        %parallel_loop3A_431 = vector.shape_cast %parallel_loop3A_430 : vector<1x16xf32> to vector<16xf32>
        %parallel_loop3A_432 = arith.constant 3.200000e+01 : f32
        %parallel_loop3A_433 = vector.broadcast %parallel_loop3A_432 : f32 to vector<16xf32>
        %parallel_loop3A_434 = arith.mulf %parallel_loop3A_431, %parallel_loop3A_433 : vector<16xf32>
        %parallel_loop3A_435 = arith.addf %parallel_loop3A_434, %parallel_loop3A_426 : vector<16xf32>
        %parallel_loop3A_436 = arith.constant 2 : i32
        %parallel_loop3A_437 = arith.index_cast %parallel_loop3A_436 : i32 to index
        %parallel_loop3A_438 = arith.index_cast %parallel_loop3A_291 : i32 to index
        %parallel_loop3A_439 = tpu.vector_load %arg11[%parallel_loop3A_437, %parallel_loop3A_438] {strides = array<i32>} : memref<8x1024xf32, #tpu.memory_space<vmem>>, vector<1x16xf32>,
        %parallel_loop3A_440 = vector.shape_cast %parallel_loop3A_439 : vector<1x16xf32> to vector<16xf32>
        %parallel_loop3A_441 = vector.shape_cast %parallel_loop3A_435 : vector<16xf32> to vector<1x16xf32>
        tpu.vector_store %arg11[%parallel_loop3A_437, %parallel_loop3A_438], %parallel_loop3A_441 {strides = array<i32>} : memref<8x1024xf32, #tpu.memory_space<vmem>>, vector<1x16xf32>,
        %parallel_loop3A_442 = arith.constant 2 : i32
        %parallel_loop3A_443 = arith.index_cast %parallel_loop3A_442 : i32 to index
        %parallel_loop3A_444 = arith.index_cast %parallel_loop3A_291 : i32 to index
        %parallel_loop3A_445 = tpu.vector_load %arg12[%parallel_loop3A_443, %parallel_loop3A_444] {strides = array<i32>} : memref<8x1024xf32, #tpu.memory_space<vmem>>, vector<1x16xf32>,
        %parallel_loop3A_446 = vector.shape_cast %parallel_loop3A_445 : vector<1x16xf32> to vector<16xf32>
        %parallel_loop3A_447 = arith.constant 3.200000e+01 : f32
        %parallel_loop3A_448 = vector.broadcast %parallel_loop3A_447 : f32 to vector<16xf32>
        %parallel_loop3A_449 = arith.mulf %parallel_loop3A_446, %parallel_loop3A_448 : vector<16xf32>
        %parallel_loop3A_450 = arith.addf %parallel_loop3A_449, %parallel_loop3A_426 : vector<16xf32>
        %parallel_loop3A_451 = arith.constant 2 : i32
        %parallel_loop3A_452 = arith.index_cast %parallel_loop3A_451 : i32 to index
        %parallel_loop3A_453 = arith.index_cast %parallel_loop3A_291 : i32 to index
        %parallel_loop3A_454 = tpu.vector_load %arg12[%parallel_loop3A_452, %parallel_loop3A_453] {strides = array<i32>} : memref<8x1024xf32, #tpu.memory_space<vmem>>, vector<1x16xf32>,
        %parallel_loop3A_455 = vector.shape_cast %parallel_loop3A_454 : vector<1x16xf32> to vector<16xf32>
        %parallel_loop3A_456 = vector.shape_cast %parallel_loop3A_450 : vector<16xf32> to vector<1x16xf32>
        tpu.vector_store %arg12[%parallel_loop3A_452, %parallel_loop3A_453], %parallel_loop3A_456 {strides = array<i32>} : memref<8x1024xf32, #tpu.memory_space<vmem>>, vector<1x16xf32>,
        %parallel_loop3A_457 = arith.constant 2 : i32
        %parallel_loop3A_458 = arith.index_cast %parallel_loop3A_457 : i32 to index
        %parallel_loop3A_459 = arith.index_cast %parallel_loop3A_291 : i32 to index
        %parallel_loop3A_460 = tpu.vector_load %arg13[%parallel_loop3A_458, %parallel_loop3A_459] {strides = array<i32>} : memref<8x1024xf32, #tpu.memory_space<vmem>>, vector<1x16xf32>,
        %parallel_loop3A_461 = vector.shape_cast %parallel_loop3A_460 : vector<1x16xf32> to vector<16xf32>
        %parallel_loop3A_462 = arith.constant 3.200000e+01 : f32
        %parallel_loop3A_463 = vector.broadcast %parallel_loop3A_462 : f32 to vector<16xf32>
        %parallel_loop3A_464 = arith.mulf %parallel_loop3A_461, %parallel_loop3A_463 : vector<16xf32>
        %parallel_loop3A_465 = arith.addf %parallel_loop3A_464, %parallel_loop3A_426 : vector<16xf32>
        %parallel_loop3A_466 = arith.constant 2 : i32
        %parallel_loop3A_467 = arith.index_cast %parallel_loop3A_466 : i32 to index
        %parallel_loop3A_468 = arith.index_cast %parallel_loop3A_291 : i32 to index
        %parallel_loop3A_469 = tpu.vector_load %arg13[%parallel_loop3A_467, %parallel_loop3A_468] {strides = array<i32>} : memref<8x1024xf32, #tpu.memory_space<vmem>>, vector<1x16xf32>,
        %parallel_loop3A_470 = vector.shape_cast %parallel_loop3A_469 : vector<1x16xf32> to vector<16xf32>
        %parallel_loop3A_471 = vector.shape_cast %parallel_loop3A_465 : vector<16xf32> to vector<1x16xf32>
        tpu.vector_store %arg13[%parallel_loop3A_467, %parallel_loop3A_468], %parallel_loop3A_471 {strides = array<i32>} : memref<8x1024xf32, #tpu.memory_space<vmem>>, vector<1x16xf32>,
        %parallel_loop3A_472 = arith.constant 2 : i32
        %parallel_loop3A_473 = arith.index_cast %parallel_loop3A_472 : i32 to index
        %parallel_loop3A_474 = arith.index_cast %parallel_loop3A_291 : i32 to index
        %parallel_loop3A_475 = tpu.vector_load %arg14[%parallel_loop3A_473, %parallel_loop3A_474] {strides = array<i32>} : memref<8x1024xf32, #tpu.memory_space<vmem>>, vector<1x16xf32>,
        %parallel_loop3A_476 = vector.shape_cast %parallel_loop3A_475 : vector<1x16xf32> to vector<16xf32>
        %parallel_loop3A_477 = arith.constant 3.200000e+01 : f32
        %parallel_loop3A_478 = vector.broadcast %parallel_loop3A_477 : f32 to vector<16xf32>
        %parallel_loop3A_479 = arith.mulf %parallel_loop3A_476, %parallel_loop3A_478 : vector<16xf32>
        %parallel_loop3A_480 = arith.addf %parallel_loop3A_479, %parallel_loop3A_426 : vector<16xf32>
        %parallel_loop3A_481 = arith.constant 2 : i32
        %parallel_loop3A_482 = arith.index_cast %parallel_loop3A_481 : i32 to index
        %parallel_loop3A_483 = arith.index_cast %parallel_loop3A_291 : i32 to index
        %parallel_loop3A_484 = tpu.vector_load %arg14[%parallel_loop3A_482, %parallel_loop3A_483] {strides = array<i32>} : memref<8x1024xf32, #tpu.memory_space<vmem>>, vector<1x16xf32>,
        %parallel_loop3A_485 = vector.shape_cast %parallel_loop3A_484 : vector<1x16xf32> to vector<16xf32>
        %parallel_loop3A_486 = vector.shape_cast %parallel_loop3A_480 : vector<16xf32> to vector<1x16xf32>
        tpu.vector_store %arg14[%parallel_loop3A_482, %parallel_loop3A_483], %parallel_loop3A_486 {strides = array<i32>} : memref<8x1024xf32, #tpu.memory_space<vmem>>, vector<1x16xf32>,
        %parallel_loop3A_487 = arith.constant 3 : i32
        %parallel_loop3A_488 = arith.index_cast %parallel_loop3A_487 : i32 to index
        %parallel_loop3A_489 = arith.index_cast %parallel_loop3A_291 : i32 to index
        %parallel_loop3A_490 = tpu.vector_load %arg10[%parallel_loop3A_488, %parallel_loop3A_489] {strides = array<i32>} : memref<8x1024xf32, #tpu.memory_space<vmem>>, vector<1x16xf32>,
        %parallel_loop3A_491 = vector.shape_cast %parallel_loop3A_490 : vector<1x16xf32> to vector<16xf32>
        %parallel_loop3A_492 = arith.constant 3 : i32
        %parallel_loop3A_493 = arith.index_cast %parallel_loop3A_492 : i32 to index
        %parallel_loop3A_494 = arith.index_cast %parallel_loop3A_291 : i32 to index
        %parallel_loop3A_495 = tpu.vector_load %arg11[%parallel_loop3A_493, %parallel_loop3A_494] {strides = array<i32>} : memref<8x1024xf32, #tpu.memory_space<vmem>>, vector<1x16xf32>,
        %parallel_loop3A_496 = vector.shape_cast %parallel_loop3A_495 : vector<1x16xf32> to vector<16xf32>
        %parallel_loop3A_497 = arith.constant 3.200000e+01 : f32
        %parallel_loop3A_498 = vector.broadcast %parallel_loop3A_497 : f32 to vector<16xf32>
        %parallel_loop3A_499 = arith.mulf %parallel_loop3A_496, %parallel_loop3A_498 : vector<16xf32>
        %parallel_loop3A_500 = arith.addf %parallel_loop3A_499, %parallel_loop3A_491 : vector<16xf32>
        %parallel_loop3A_501 = arith.constant 3 : i32
        %parallel_loop3A_502 = arith.index_cast %parallel_loop3A_501 : i32 to index
        %parallel_loop3A_503 = arith.index_cast %parallel_loop3A_291 : i32 to index
        %parallel_loop3A_504 = tpu.vector_load %arg11[%parallel_loop3A_502, %parallel_loop3A_503] {strides = array<i32>} : memref<8x1024xf32, #tpu.memory_space<vmem>>, vector<1x16xf32>,
        %parallel_loop3A_505 = vector.shape_cast %parallel_loop3A_504 : vector<1x16xf32> to vector<16xf32>
        %parallel_loop3A_506 = vector.shape_cast %parallel_loop3A_500 : vector<16xf32> to vector<1x16xf32>
        tpu.vector_store %arg11[%parallel_loop3A_502, %parallel_loop3A_503], %parallel_loop3A_506 {strides = array<i32>} : memref<8x1024xf32, #tpu.memory_space<vmem>>, vector<1x16xf32>,
        %parallel_loop3A_507 = arith.constant 3 : i32
        %parallel_loop3A_508 = arith.index_cast %parallel_loop3A_507 : i32 to index
        %parallel_loop3A_509 = arith.index_cast %parallel_loop3A_291 : i32 to index
        %parallel_loop3A_510 = tpu.vector_load %arg12[%parallel_loop3A_508, %parallel_loop3A_509] {strides = array<i32>} : memref<8x1024xf32, #tpu.memory_space<vmem>>, vector<1x16xf32>,
        %parallel_loop3A_511 = vector.shape_cast %parallel_loop3A_510 : vector<1x16xf32> to vector<16xf32>
        %parallel_loop3A_512 = arith.constant 3.200000e+01 : f32
        %parallel_loop3A_513 = vector.broadcast %parallel_loop3A_512 : f32 to vector<16xf32>
        %parallel_loop3A_514 = arith.mulf %parallel_loop3A_511, %parallel_loop3A_513 : vector<16xf32>
        %parallel_loop3A_515 = arith.addf %parallel_loop3A_514, %parallel_loop3A_491 : vector<16xf32>
        %parallel_loop3A_516 = arith.constant 3 : i32
        %parallel_loop3A_517 = arith.index_cast %parallel_loop3A_516 : i32 to index
        %parallel_loop3A_518 = arith.index_cast %parallel_loop3A_291 : i32 to index
        %parallel_loop3A_519 = tpu.vector_load %arg12[%parallel_loop3A_517, %parallel_loop3A_518] {strides = array<i32>} : memref<8x1024xf32, #tpu.memory_space<vmem>>, vector<1x16xf32>,
        %parallel_loop3A_520 = vector.shape_cast %parallel_loop3A_519 : vector<1x16xf32> to vector<16xf32>
        %parallel_loop3A_521 = vector.shape_cast %parallel_loop3A_515 : vector<16xf32> to vector<1x16xf32>
        tpu.vector_store %arg12[%parallel_loop3A_517, %parallel_loop3A_518], %parallel_loop3A_521 {strides = array<i32>} : memref<8x1024xf32, #tpu.memory_space<vmem>>, vector<1x16xf32>,
        %parallel_loop3A_522 = arith.constant 3 : i32
        %parallel_loop3A_523 = arith.index_cast %parallel_loop3A_522 : i32 to index
        %parallel_loop3A_524 = arith.index_cast %parallel_loop3A_291 : i32 to index
        %parallel_loop3A_525 = tpu.vector_load %arg13[%parallel_loop3A_523, %parallel_loop3A_524] {strides = array<i32>} : memref<8x1024xf32, #tpu.memory_space<vmem>>, vector<1x16xf32>,
        %parallel_loop3A_526 = vector.shape_cast %parallel_loop3A_525 : vector<1x16xf32> to vector<16xf32>
        %parallel_loop3A_527 = arith.constant 3.200000e+01 : f32
        %parallel_loop3A_528 = vector.broadcast %parallel_loop3A_527 : f32 to vector<16xf32>
        %parallel_loop3A_529 = arith.mulf %parallel_loop3A_526, %parallel_loop3A_528 : vector<16xf32>
        %parallel_loop3A_530 = arith.addf %parallel_loop3A_529, %parallel_loop3A_491 : vector<16xf32>
        %parallel_loop3A_531 = arith.constant 3 : i32
        %parallel_loop3A_532 = arith.index_cast %parallel_loop3A_531 : i32 to index
        %parallel_loop3A_533 = arith.index_cast %parallel_loop3A_291 : i32 to index
        %parallel_loop3A_534 = tpu.vector_load %arg13[%parallel_loop3A_532, %parallel_loop3A_533] {strides = array<i32>} : memref<8x1024xf32, #tpu.memory_space<vmem>>, vector<1x16xf32>,
        %parallel_loop3A_535 = vector.shape_cast %parallel_loop3A_534 : vector<1x16xf32> to vector<16xf32>
        %parallel_loop3A_536 = vector.shape_cast %parallel_loop3A_530 : vector<16xf32> to vector<1x16xf32>
        tpu.vector_store %arg13[%parallel_loop3A_532, %parallel_loop3A_533], %parallel_loop3A_536 {strides = array<i32>} : memref<8x1024xf32, #tpu.memory_space<vmem>>, vector<1x16xf32>,
        %parallel_loop3A_537 = arith.constant 3 : i32
        %parallel_loop3A_538 = arith.index_cast %parallel_loop3A_537 : i32 to index
        %parallel_loop3A_539 = arith.index_cast %parallel_loop3A_291 : i32 to index
        %parallel_loop3A_540 = tpu.vector_load %arg14[%parallel_loop3A_538, %parallel_loop3A_539] {strides = array<i32>} : memref<8x1024xf32, #tpu.memory_space<vmem>>, vector<1x16xf32>,
        %parallel_loop3A_541 = vector.shape_cast %parallel_loop3A_540 : vector<1x16xf32> to vector<16xf32>
        %parallel_loop3A_542 = arith.constant 3.200000e+01 : f32
        %parallel_loop3A_543 = vector.broadcast %parallel_loop3A_542 : f32 to vector<16xf32>
        %parallel_loop3A_544 = arith.mulf %parallel_loop3A_541, %parallel_loop3A_543 : vector<16xf32>
        %parallel_loop3A_545 = arith.addf %parallel_loop3A_544, %parallel_loop3A_491 : vector<16xf32>
        %parallel_loop3A_546 = arith.constant 3 : i32
        %parallel_loop3A_547 = arith.index_cast %parallel_loop3A_546 : i32 to index
        %parallel_loop3A_548 = arith.index_cast %parallel_loop3A_291 : i32 to index
        %parallel_loop3A_549 = tpu.vector_load %arg14[%parallel_loop3A_547, %parallel_loop3A_548] {strides = array<i32>} : memref<8x1024xf32, #tpu.memory_space<vmem>>, vector<1x16xf32>,
        %parallel_loop3A_550 = vector.shape_cast %parallel_loop3A_549 : vector<1x16xf32> to vector<16xf32>
        %parallel_loop3A_551 = vector.shape_cast %parallel_loop3A_545 : vector<16xf32> to vector<1x16xf32>
        tpu.vector_store %arg14[%parallel_loop3A_547, %parallel_loop3A_548], %parallel_loop3A_551 {strides = array<i32>} : memref<8x1024xf32, #tpu.memory_space<vmem>>, vector<1x16xf32>,
        %parallel_loop3A_552 = arith.constant 4 : i32
        %parallel_loop3A_553 = arith.index_cast %parallel_loop3A_552 : i32 to index
        %parallel_loop3A_554 = arith.index_cast %parallel_loop3A_291 : i32 to index
        %parallel_loop3A_555 = tpu.vector_load %arg10[%parallel_loop3A_553, %parallel_loop3A_554] {strides = array<i32>} : memref<8x1024xf32, #tpu.memory_space<vmem>>, vector<1x16xf32>,
        %parallel_loop3A_556 = vector.shape_cast %parallel_loop3A_555 : vector<1x16xf32> to vector<16xf32>
        %parallel_loop3A_557 = arith.constant 4 : i32
        %parallel_loop3A_558 = arith.index_cast %parallel_loop3A_557 : i32 to index
        %parallel_loop3A_559 = arith.index_cast %parallel_loop3A_291 : i32 to index
        %parallel_loop3A_560 = tpu.vector_load %arg11[%parallel_loop3A_558, %parallel_loop3A_559] {strides = array<i32>} : memref<8x1024xf32, #tpu.memory_space<vmem>>, vector<1x16xf32>,
        %parallel_loop3A_561 = vector.shape_cast %parallel_loop3A_560 : vector<1x16xf32> to vector<16xf32>
        %parallel_loop3A_562 = arith.constant 3.200000e+01 : f32
        %parallel_loop3A_563 = vector.broadcast %parallel_loop3A_562 : f32 to vector<16xf32>
        %parallel_loop3A_564 = arith.mulf %parallel_loop3A_561, %parallel_loop3A_563 : vector<16xf32>
        %parallel_loop3A_565 = arith.addf %parallel_loop3A_564, %parallel_loop3A_556 : vector<16xf32>
        %parallel_loop3A_566 = arith.constant 4 : i32
        %parallel_loop3A_567 = arith.index_cast %parallel_loop3A_566 : i32 to index
        %parallel_loop3A_568 = arith.index_cast %parallel_loop3A_291 : i32 to index
        %parallel_loop3A_569 = tpu.vector_load %arg11[%parallel_loop3A_567, %parallel_loop3A_568] {strides = array<i32>} : memref<8x1024xf32, #tpu.memory_space<vmem>>, vector<1x16xf32>,
        %parallel_loop3A_570 = vector.shape_cast %parallel_loop3A_569 : vector<1x16xf32> to vector<16xf32>
        %parallel_loop3A_571 = vector.shape_cast %parallel_loop3A_565 : vector<16xf32> to vector<1x16xf32>
        tpu.vector_store %arg11[%parallel_loop3A_567, %parallel_loop3A_568], %parallel_loop3A_571 {strides = array<i32>} : memref<8x1024xf32, #tpu.memory_space<vmem>>, vector<1x16xf32>,
        %parallel_loop3A_572 = arith.constant 4 : i32
        %parallel_loop3A_573 = arith.index_cast %parallel_loop3A_572 : i32 to index
        %parallel_loop3A_574 = arith.index_cast %parallel_loop3A_291 : i32 to index
        %parallel_loop3A_575 = tpu.vector_load %arg12[%parallel_loop3A_573, %parallel_loop3A_574] {strides = array<i32>} : memref<8x1024xf32, #tpu.memory_space<vmem>>, vector<1x16xf32>,
        %parallel_loop3A_576 = vector.shape_cast %parallel_loop3A_575 : vector<1x16xf32> to vector<16xf32>
        %parallel_loop3A_577 = arith.constant 3.200000e+01 : f32
        %parallel_loop3A_578 = vector.broadcast %parallel_loop3A_577 : f32 to vector<16xf32>
        %parallel_loop3A_579 = arith.mulf %parallel_loop3A_576, %parallel_loop3A_578 : vector<16xf32>
        %parallel_loop3A_580 = arith.addf %parallel_loop3A_579, %parallel_loop3A_556 : vector<16xf32>
        %parallel_loop3A_581 = arith.constant 4 : i32
        %parallel_loop3A_582 = arith.index_cast %parallel_loop3A_581 : i32 to index
        %parallel_loop3A_583 = arith.index_cast %parallel_loop3A_291 : i32 to index
        %parallel_loop3A_584 = tpu.vector_load %arg12[%parallel_loop3A_582, %parallel_loop3A_583] {strides = array<i32>} : memref<8x1024xf32, #tpu.memory_space<vmem>>, vector<1x16xf32>,
        %parallel_loop3A_585 = vector.shape_cast %parallel_loop3A_584 : vector<1x16xf32> to vector<16xf32>
        %parallel_loop3A_586 = vector.shape_cast %parallel_loop3A_580 : vector<16xf32> to vector<1x16xf32>
        tpu.vector_store %arg12[%parallel_loop3A_582, %parallel_loop3A_583], %parallel_loop3A_586 {strides = array<i32>} : memref<8x1024xf32, #tpu.memory_space<vmem>>, vector<1x16xf32>,
        %parallel_loop3A_587 = arith.constant 4 : i32
        %parallel_loop3A_588 = arith.index_cast %parallel_loop3A_587 : i32 to index
        %parallel_loop3A_589 = arith.index_cast %parallel_loop3A_291 : i32 to index
        %parallel_loop3A_590 = tpu.vector_load %arg13[%parallel_loop3A_588, %parallel_loop3A_589] {strides = array<i32>} : memref<8x1024xf32, #tpu.memory_space<vmem>>, vector<1x16xf32>,
        %parallel_loop3A_591 = vector.shape_cast %parallel_loop3A_590 : vector<1x16xf32> to vector<16xf32>
        %parallel_loop3A_592 = arith.constant 3.200000e+01 : f32
        %parallel_loop3A_593 = vector.broadcast %parallel_loop3A_592 : f32 to vector<16xf32>
        %parallel_loop3A_594 = arith.mulf %parallel_loop3A_591, %parallel_loop3A_593 : vector<16xf32>
        %parallel_loop3A_595 = arith.addf %parallel_loop3A_594, %parallel_loop3A_556 : vector<16xf32>
        %parallel_loop3A_596 = arith.constant 4 : i32
        %parallel_loop3A_597 = arith.index_cast %parallel_loop3A_596 : i32 to index
        %parallel_loop3A_598 = arith.index_cast %parallel_loop3A_291 : i32 to index
        %parallel_loop3A_599 = tpu.vector_load %arg13[%parallel_loop3A_597, %parallel_loop3A_598] {strides = array<i32>} : memref<8x1024xf32, #tpu.memory_space<vmem>>, vector<1x16xf32>,
        %parallel_loop3A_600 = vector.shape_cast %parallel_loop3A_599 : vector<1x16xf32> to vector<16xf32>
        %parallel_loop3A_601 = vector.shape_cast %parallel_loop3A_595 : vector<16xf32> to vector<1x16xf32>
        tpu.vector_store %arg13[%parallel_loop3A_597, %parallel_loop3A_598], %parallel_loop3A_601 {strides = array<i32>} : memref<8x1024xf32, #tpu.memory_space<vmem>>, vector<1x16xf32>,
        %parallel_loop3A_602 = arith.constant 4 : i32
        %parallel_loop3A_603 = arith.index_cast %parallel_loop3A_602 : i32 to index
        %parallel_loop3A_604 = arith.index_cast %parallel_loop3A_291 : i32 to index
        %parallel_loop3A_605 = tpu.vector_load %arg14[%parallel_loop3A_603, %parallel_loop3A_604] {strides = array<i32>} : memref<8x1024xf32, #tpu.memory_space<vmem>>, vector<1x16xf32>,
        %parallel_loop3A_606 = vector.shape_cast %parallel_loop3A_605 : vector<1x16xf32> to vector<16xf32>
        %parallel_loop3A_607 = arith.constant 3.200000e+01 : f32
        %parallel_loop3A_608 = vector.broadcast %parallel_loop3A_607 : f32 to vector<16xf32>
        %parallel_loop3A_609 = arith.mulf %parallel_loop3A_606, %parallel_loop3A_608 : vector<16xf32>
        %parallel_loop3A_610 = arith.addf %parallel_loop3A_609, %parallel_loop3A_556 : vector<16xf32>
        %parallel_loop3A_611 = arith.constant 4 : i32
        %parallel_loop3A_612 = arith.index_cast %parallel_loop3A_611 : i32 to index
        %parallel_loop3A_613 = arith.index_cast %parallel_loop3A_291 : i32 to index
        %parallel_loop3A_614 = tpu.vector_load %arg14[%parallel_loop3A_612, %parallel_loop3A_613] {strides = array<i32>} : memref<8x1024xf32, #tpu.memory_space<vmem>>, vector<1x16xf32>,
        %parallel_loop3A_615 = vector.shape_cast %parallel_loop3A_614 : vector<1x16xf32> to vector<16xf32>
        %parallel_loop3A_616 = vector.shape_cast %parallel_loop3A_610 : vector<16xf32> to vector<1x16xf32>
        tpu.vector_store %arg14[%parallel_loop3A_612, %parallel_loop3A_613], %parallel_loop3A_616 {strides = array<i32>} : memref<8x1024xf32, #tpu.memory_space<vmem>>, vector<1x16xf32>,
        %parallel_loop3A_617 = arith.constant 5 : i32
        %parallel_loop3A_618 = arith.index_cast %parallel_loop3A_617 : i32 to index
        %parallel_loop3A_619 = arith.index_cast %parallel_loop3A_291 : i32 to index
        %parallel_loop3A_620 = tpu.vector_load %arg10[%parallel_loop3A_618, %parallel_loop3A_619] {strides = array<i32>} : memref<8x1024xf32, #tpu.memory_space<vmem>>, vector<1x16xf32>,
        %parallel_loop3A_621 = vector.shape_cast %parallel_loop3A_620 : vector<1x16xf32> to vector<16xf32>
        %parallel_loop3A_622 = arith.constant 5 : i32
        %parallel_loop3A_623 = arith.index_cast %parallel_loop3A_622 : i32 to index
        %parallel_loop3A_624 = arith.index_cast %parallel_loop3A_291 : i32 to index
        %parallel_loop3A_625 = tpu.vector_load %arg11[%parallel_loop3A_623, %parallel_loop3A_624] {strides = array<i32>} : memref<8x1024xf32, #tpu.memory_space<vmem>>, vector<1x16xf32>,
        %parallel_loop3A_626 = vector.shape_cast %parallel_loop3A_625 : vector<1x16xf32> to vector<16xf32>
        %parallel_loop3A_627 = arith.constant 3.200000e+01 : f32
        %parallel_loop3A_628 = vector.broadcast %parallel_loop3A_627 : f32 to vector<16xf32>
        %parallel_loop3A_629 = arith.mulf %parallel_loop3A_626, %parallel_loop3A_628 : vector<16xf32>
        %parallel_loop3A_630 = arith.addf %parallel_loop3A_629, %parallel_loop3A_621 : vector<16xf32>
        %parallel_loop3A_631 = arith.constant 5 : i32
        %parallel_loop3A_632 = arith.index_cast %parallel_loop3A_631 : i32 to index
        %parallel_loop3A_633 = arith.index_cast %parallel_loop3A_291 : i32 to index
        %parallel_loop3A_634 = tpu.vector_load %arg11[%parallel_loop3A_632, %parallel_loop3A_633] {strides = array<i32>} : memref<8x1024xf32, #tpu.memory_space<vmem>>, vector<1x16xf32>,
        %parallel_loop3A_635 = vector.shape_cast %parallel_loop3A_634 : vector<1x16xf32> to vector<16xf32>
        %parallel_loop3A_636 = vector.shape_cast %parallel_loop3A_630 : vector<16xf32> to vector<1x16xf32>
        tpu.vector_store %arg11[%parallel_loop3A_632, %parallel_loop3A_633], %parallel_loop3A_636 {strides = array<i32>} : memref<8x1024xf32, #tpu.memory_space<vmem>>, vector<1x16xf32>,
        %parallel_loop3A_637 = arith.constant 5 : i32
        %parallel_loop3A_638 = arith.index_cast %parallel_loop3A_637 : i32 to index
        %parallel_loop3A_639 = arith.index_cast %parallel_loop3A_291 : i32 to index
        %parallel_loop3A_640 = tpu.vector_load %arg12[%parallel_loop3A_638, %parallel_loop3A_639] {strides = array<i32>} : memref<8x1024xf32, #tpu.memory_space<vmem>>, vector<1x16xf32>,
        %parallel_loop3A_641 = vector.shape_cast %parallel_loop3A_640 : vector<1x16xf32> to vector<16xf32>
        %parallel_loop3A_642 = arith.constant 3.200000e+01 : f32
        %parallel_loop3A_643 = vector.broadcast %parallel_loop3A_642 : f32 to vector<16xf32>
        %parallel_loop3A_644 = arith.mulf %parallel_loop3A_641, %parallel_loop3A_643 : vector<16xf32>
        %parallel_loop3A_645 = arith.addf %parallel_loop3A_644, %parallel_loop3A_621 : vector<16xf32>
        %parallel_loop3A_646 = arith.constant 5 : i32
        %parallel_loop3A_647 = arith.index_cast %parallel_loop3A_646 : i32 to index
        %parallel_loop3A_648 = arith.index_cast %parallel_loop3A_291 : i32 to index
        %parallel_loop3A_649 = tpu.vector_load %arg12[%parallel_loop3A_647, %parallel_loop3A_648] {strides = array<i32>} : memref<8x1024xf32, #tpu.memory_space<vmem>>, vector<1x16xf32>,
        %parallel_loop3A_650 = vector.shape_cast %parallel_loop3A_649 : vector<1x16xf32> to vector<16xf32>
        %parallel_loop3A_651 = vector.shape_cast %parallel_loop3A_645 : vector<16xf32> to vector<1x16xf32>
        tpu.vector_store %arg12[%parallel_loop3A_647, %parallel_loop3A_648], %parallel_loop3A_651 {strides = array<i32>} : memref<8x1024xf32, #tpu.memory_space<vmem>>, vector<1x16xf32>,
        %parallel_loop3A_652 = arith.constant 5 : i32
        %parallel_loop3A_653 = arith.index_cast %parallel_loop3A_652 : i32 to index
        %parallel_loop3A_654 = arith.index_cast %parallel_loop3A_291 : i32 to index
        %parallel_loop3A_655 = tpu.vector_load %arg13[%parallel_loop3A_653, %parallel_loop3A_654] {strides = array<i32>} : memref<8x1024xf32, #tpu.memory_space<vmem>>, vector<1x16xf32>,
        %parallel_loop3A_656 = vector.shape_cast %parallel_loop3A_655 : vector<1x16xf32> to vector<16xf32>
        %parallel_loop3A_657 = arith.constant 3.200000e+01 : f32
        %parallel_loop3A_658 = vector.broadcast %parallel_loop3A_657 : f32 to vector<16xf32>
        %parallel_loop3A_659 = arith.mulf %parallel_loop3A_656, %parallel_loop3A_658 : vector<16xf32>
        %parallel_loop3A_660 = arith.addf %parallel_loop3A_659, %parallel_loop3A_621 : vector<16xf32>
        %parallel_loop3A_661 = arith.constant 5 : i32
        %parallel_loop3A_662 = arith.index_cast %parallel_loop3A_661 : i32 to index
        %parallel_loop3A_663 = arith.index_cast %parallel_loop3A_291 : i32 to index
        %parallel_loop3A_664 = tpu.vector_load %arg13[%parallel_loop3A_662, %parallel_loop3A_663] {strides = array<i32>} : memref<8x1024xf32, #tpu.memory_space<vmem>>, vector<1x16xf32>,
        %parallel_loop3A_665 = vector.shape_cast %parallel_loop3A_664 : vector<1x16xf32> to vector<16xf32>
        %parallel_loop3A_666 = vector.shape_cast %parallel_loop3A_660 : vector<16xf32> to vector<1x16xf32>
        tpu.vector_store %arg13[%parallel_loop3A_662, %parallel_loop3A_663], %parallel_loop3A_666 {strides = array<i32>} : memref<8x1024xf32, #tpu.memory_space<vmem>>, vector<1x16xf32>,
        %parallel_loop3A_667 = arith.constant 5 : i32
        %parallel_loop3A_668 = arith.index_cast %parallel_loop3A_667 : i32 to index
        %parallel_loop3A_669 = arith.index_cast %parallel_loop3A_291 : i32 to index
        %parallel_loop3A_670 = tpu.vector_load %arg14[%parallel_loop3A_668, %parallel_loop3A_669] {strides = array<i32>} : memref<8x1024xf32, #tpu.memory_space<vmem>>, vector<1x16xf32>,
        %parallel_loop3A_671 = vector.shape_cast %parallel_loop3A_670 : vector<1x16xf32> to vector<16xf32>
        %parallel_loop3A_672 = arith.constant 3.200000e+01 : f32
        %parallel_loop3A_673 = vector.broadcast %parallel_loop3A_672 : f32 to vector<16xf32>
        %parallel_loop3A_674 = arith.mulf %parallel_loop3A_671, %parallel_loop3A_673 : vector<16xf32>
        %parallel_loop3A_675 = arith.addf %parallel_loop3A_674, %parallel_loop3A_621 : vector<16xf32>
        %parallel_loop3A_676 = arith.constant 5 : i32
        %parallel_loop3A_677 = arith.index_cast %parallel_loop3A_676 : i32 to index
        %parallel_loop3A_678 = arith.index_cast %parallel_loop3A_291 : i32 to index
        %parallel_loop3A_679 = tpu.vector_load %arg14[%parallel_loop3A_677, %parallel_loop3A_678] {strides = array<i32>} : memref<8x1024xf32, #tpu.memory_space<vmem>>, vector<1x16xf32>,
        %parallel_loop3A_680 = vector.shape_cast %parallel_loop3A_679 : vector<1x16xf32> to vector<16xf32>
        %parallel_loop3A_681 = vector.shape_cast %parallel_loop3A_675 : vector<16xf32> to vector<1x16xf32>
        tpu.vector_store %arg14[%parallel_loop3A_677, %parallel_loop3A_678], %parallel_loop3A_681 {strides = array<i32>} : memref<8x1024xf32, #tpu.memory_space<vmem>>, vector<1x16xf32>,
        %parallel_loop3A_682 = arith.constant 6 : i32
        %parallel_loop3A_683 = arith.index_cast %parallel_loop3A_682 : i32 to index
        %parallel_loop3A_684 = arith.index_cast %parallel_loop3A_291 : i32 to index
        %parallel_loop3A_685 = tpu.vector_load %arg10[%parallel_loop3A_683, %parallel_loop3A_684] {strides = array<i32>} : memref<8x1024xf32, #tpu.memory_space<vmem>>, vector<1x16xf32>,
        %parallel_loop3A_686 = vector.shape_cast %parallel_loop3A_685 : vector<1x16xf32> to vector<16xf32>
        %parallel_loop3A_687 = arith.constant 6 : i32
        %parallel_loop3A_688 = arith.index_cast %parallel_loop3A_687 : i32 to index
        %parallel_loop3A_689 = arith.index_cast %parallel_loop3A_291 : i32 to index
        %parallel_loop3A_690 = tpu.vector_load %arg11[%parallel_loop3A_688, %parallel_loop3A_689] {strides = array<i32>} : memref<8x1024xf32, #tpu.memory_space<vmem>>, vector<1x16xf32>,
        %parallel_loop3A_691 = vector.shape_cast %parallel_loop3A_690 : vector<1x16xf32> to vector<16xf32>
        %parallel_loop3A_692 = arith.constant 3.200000e+01 : f32
        %parallel_loop3A_693 = vector.broadcast %parallel_loop3A_692 : f32 to vector<16xf32>
        %parallel_loop3A_694 = arith.mulf %parallel_loop3A_691, %parallel_loop3A_693 : vector<16xf32>
        %parallel_loop3A_695 = arith.addf %parallel_loop3A_694, %parallel_loop3A_686 : vector<16xf32>
        %parallel_loop3A_696 = arith.constant 6 : i32
        %parallel_loop3A_697 = arith.index_cast %parallel_loop3A_696 : i32 to index
        %parallel_loop3A_698 = arith.index_cast %parallel_loop3A_291 : i32 to index
        %parallel_loop3A_699 = tpu.vector_load %arg11[%parallel_loop3A_697, %parallel_loop3A_698] {strides = array<i32>} : memref<8x1024xf32, #tpu.memory_space<vmem>>, vector<1x16xf32>,
        %parallel_loop3A_700 = vector.shape_cast %parallel_loop3A_699 : vector<1x16xf32> to vector<16xf32>
        %parallel_loop3A_701 = vector.shape_cast %parallel_loop3A_695 : vector<16xf32> to vector<1x16xf32>
        tpu.vector_store %arg11[%parallel_loop3A_697, %parallel_loop3A_698], %parallel_loop3A_701 {strides = array<i32>} : memref<8x1024xf32, #tpu.memory_space<vmem>>, vector<1x16xf32>,
        %parallel_loop3A_702 = arith.constant 6 : i32
        %parallel_loop3A_703 = arith.index_cast %parallel_loop3A_702 : i32 to index
        %parallel_loop3A_704 = arith.index_cast %parallel_loop3A_291 : i32 to index
        %parallel_loop3A_705 = tpu.vector_load %arg12[%parallel_loop3A_703, %parallel_loop3A_704] {strides = array<i32>} : memref<8x1024xf32, #tpu.memory_space<vmem>>, vector<1x16xf32>,
        %parallel_loop3A_706 = vector.shape_cast %parallel_loop3A_705 : vector<1x16xf32> to vector<16xf32>
        %parallel_loop3A_707 = arith.constant 3.200000e+01 : f32
        %parallel_loop3A_708 = vector.broadcast %parallel_loop3A_707 : f32 to vector<16xf32>
        %parallel_loop3A_709 = arith.mulf %parallel_loop3A_706, %parallel_loop3A_708 : vector<16xf32>
        %parallel_loop3A_710 = arith.addf %parallel_loop3A_709, %parallel_loop3A_686 : vector<16xf32>
        %parallel_loop3A_711 = arith.constant 6 : i32
        %parallel_loop3A_712 = arith.index_cast %parallel_loop3A_711 : i32 to index
        %parallel_loop3A_713 = arith.index_cast %parallel_loop3A_291 : i32 to index
        %parallel_loop3A_714 = tpu.vector_load %arg12[%parallel_loop3A_712, %parallel_loop3A_713] {strides = array<i32>} : memref<8x1024xf32, #tpu.memory_space<vmem>>, vector<1x16xf32>,
        %parallel_loop3A_715 = vector.shape_cast %parallel_loop3A_714 : vector<1x16xf32> to vector<16xf32>
        %parallel_loop3A_716 = vector.shape_cast %parallel_loop3A_710 : vector<16xf32> to vector<1x16xf32>
        tpu.vector_store %arg12[%parallel_loop3A_712, %parallel_loop3A_713], %parallel_loop3A_716 {strides = array<i32>} : memref<8x1024xf32, #tpu.memory_space<vmem>>, vector<1x16xf32>,
        %parallel_loop3A_717 = arith.constant 6 : i32
        %parallel_loop3A_718 = arith.index_cast %parallel_loop3A_717 : i32 to index
        %parallel_loop3A_719 = arith.index_cast %parallel_loop3A_291 : i32 to index
        %parallel_loop3A_720 = tpu.vector_load %arg13[%parallel_loop3A_718, %parallel_loop3A_719] {strides = array<i32>} : memref<8x1024xf32, #tpu.memory_space<vmem>>, vector<1x16xf32>,
        %parallel_loop3A_721 = vector.shape_cast %parallel_loop3A_720 : vector<1x16xf32> to vector<16xf32>
        %parallel_loop3A_722 = arith.constant 3.200000e+01 : f32
        %parallel_loop3A_723 = vector.broadcast %parallel_loop3A_722 : f32 to vector<16xf32>
        %parallel_loop3A_724 = arith.mulf %parallel_loop3A_721, %parallel_loop3A_723 : vector<16xf32>
        %parallel_loop3A_725 = arith.addf %parallel_loop3A_724, %parallel_loop3A_686 : vector<16xf32>
        %parallel_loop3A_726 = arith.constant 6 : i32
        %parallel_loop3A_727 = arith.index_cast %parallel_loop3A_726 : i32 to index
        %parallel_loop3A_728 = arith.index_cast %parallel_loop3A_291 : i32 to index
        %parallel_loop3A_729 = tpu.vector_load %arg13[%parallel_loop3A_727, %parallel_loop3A_728] {strides = array<i32>} : memref<8x1024xf32, #tpu.memory_space<vmem>>, vector<1x16xf32>,
        %parallel_loop3A_730 = vector.shape_cast %parallel_loop3A_729 : vector<1x16xf32> to vector<16xf32>
        %parallel_loop3A_731 = vector.shape_cast %parallel_loop3A_725 : vector<16xf32> to vector<1x16xf32>
        tpu.vector_store %arg13[%parallel_loop3A_727, %parallel_loop3A_728], %parallel_loop3A_731 {strides = array<i32>} : memref<8x1024xf32, #tpu.memory_space<vmem>>, vector<1x16xf32>,
        %parallel_loop3A_732 = arith.constant 6 : i32
        %parallel_loop3A_733 = arith.index_cast %parallel_loop3A_732 : i32 to index
        %parallel_loop3A_734 = arith.index_cast %parallel_loop3A_291 : i32 to index
        %parallel_loop3A_735 = tpu.vector_load %arg14[%parallel_loop3A_733, %parallel_loop3A_734] {strides = array<i32>} : memref<8x1024xf32, #tpu.memory_space<vmem>>, vector<1x16xf32>,
        %parallel_loop3A_736 = vector.shape_cast %parallel_loop3A_735 : vector<1x16xf32> to vector<16xf32>
        %parallel_loop3A_737 = arith.constant 3.200000e+01 : f32
        %parallel_loop3A_738 = vector.broadcast %parallel_loop3A_737 : f32 to vector<16xf32>
        %parallel_loop3A_739 = arith.mulf %parallel_loop3A_736, %parallel_loop3A_738 : vector<16xf32>
        %parallel_loop3A_740 = arith.addf %parallel_loop3A_739, %parallel_loop3A_686 : vector<16xf32>
        %parallel_loop3A_741 = arith.constant 6 : i32
        %parallel_loop3A_742 = arith.index_cast %parallel_loop3A_741 : i32 to index
        %parallel_loop3A_743 = arith.index_cast %parallel_loop3A_291 : i32 to index
        %parallel_loop3A_744 = tpu.vector_load %arg14[%parallel_loop3A_742, %parallel_loop3A_743] {strides = array<i32>} : memref<8x1024xf32, #tpu.memory_space<vmem>>, vector<1x16xf32>,
        %parallel_loop3A_745 = vector.shape_cast %parallel_loop3A_744 : vector<1x16xf32> to vector<16xf32>
        %parallel_loop3A_746 = vector.shape_cast %parallel_loop3A_740 : vector<16xf32> to vector<1x16xf32>
        tpu.vector_store %arg14[%parallel_loop3A_742, %parallel_loop3A_743], %parallel_loop3A_746 {strides = array<i32>} : memref<8x1024xf32, #tpu.memory_space<vmem>>, vector<1x16xf32>,
        %parallel_loop3A_747 = arith.constant 7 : i32
        %parallel_loop3A_748 = arith.index_cast %parallel_loop3A_747 : i32 to index
        %parallel_loop3A_749 = arith.index_cast %parallel_loop3A_291 : i32 to index
        %parallel_loop3A_750 = tpu.vector_load %arg10[%parallel_loop3A_748, %parallel_loop3A_749] {strides = array<i32>} : memref<8x1024xf32, #tpu.memory_space<vmem>>, vector<1x16xf32>,
        %parallel_loop3A_751 = vector.shape_cast %parallel_loop3A_750 : vector<1x16xf32> to vector<16xf32>
        %parallel_loop3A_752 = arith.constant 7 : i32
        %parallel_loop3A_753 = arith.index_cast %parallel_loop3A_752 : i32 to index
        %parallel_loop3A_754 = arith.index_cast %parallel_loop3A_291 : i32 to index
        %parallel_loop3A_755 = tpu.vector_load %arg11[%parallel_loop3A_753, %parallel_loop3A_754] {strides = array<i32>} : memref<8x1024xf32, #tpu.memory_space<vmem>>, vector<1x16xf32>,
        %parallel_loop3A_756 = vector.shape_cast %parallel_loop3A_755 : vector<1x16xf32> to vector<16xf32>
        %parallel_loop3A_757 = arith.constant 3.200000e+01 : f32
        %parallel_loop3A_758 = vector.broadcast %parallel_loop3A_757 : f32 to vector<16xf32>
        %parallel_loop3A_759 = arith.mulf %parallel_loop3A_756, %parallel_loop3A_758 : vector<16xf32>
        %parallel_loop3A_760 = arith.addf %parallel_loop3A_759, %parallel_loop3A_751 : vector<16xf32>
        %parallel_loop3A_761 = arith.constant 7 : i32
        %parallel_loop3A_762 = arith.index_cast %parallel_loop3A_761 : i32 to index
        %parallel_loop3A_763 = arith.index_cast %parallel_loop3A_291 : i32 to index
        %parallel_loop3A_764 = tpu.vector_load %arg11[%parallel_loop3A_762, %parallel_loop3A_763] {strides = array<i32>} : memref<8x1024xf32, #tpu.memory_space<vmem>>, vector<1x16xf32>,
        %parallel_loop3A_765 = vector.shape_cast %parallel_loop3A_764 : vector<1x16xf32> to vector<16xf32>
        %parallel_loop3A_766 = vector.shape_cast %parallel_loop3A_760 : vector<16xf32> to vector<1x16xf32>
        tpu.vector_store %arg11[%parallel_loop3A_762, %parallel_loop3A_763], %parallel_loop3A_766 {strides = array<i32>} : memref<8x1024xf32, #tpu.memory_space<vmem>>, vector<1x16xf32>,
        %parallel_loop3A_767 = arith.constant 7 : i32
        %parallel_loop3A_768 = arith.index_cast %parallel_loop3A_767 : i32 to index
        %parallel_loop3A_769 = arith.index_cast %parallel_loop3A_291 : i32 to index
        %parallel_loop3A_770 = tpu.vector_load %arg12[%parallel_loop3A_768, %parallel_loop3A_769] {strides = array<i32>} : memref<8x1024xf32, #tpu.memory_space<vmem>>, vector<1x16xf32>,
        %parallel_loop3A_771 = vector.shape_cast %parallel_loop3A_770 : vector<1x16xf32> to vector<16xf32>
        %parallel_loop3A_772 = arith.constant 3.200000e+01 : f32
        %parallel_loop3A_773 = vector.broadcast %parallel_loop3A_772 : f32 to vector<16xf32>
        %parallel_loop3A_774 = arith.mulf %parallel_loop3A_771, %parallel_loop3A_773 : vector<16xf32>
        %parallel_loop3A_775 = arith.addf %parallel_loop3A_774, %parallel_loop3A_751 : vector<16xf32>
        %parallel_loop3A_776 = arith.constant 7 : i32
        %parallel_loop3A_777 = arith.index_cast %parallel_loop3A_776 : i32 to index
        %parallel_loop3A_778 = arith.index_cast %parallel_loop3A_291 : i32 to index
        %parallel_loop3A_779 = tpu.vector_load %arg12[%parallel_loop3A_777, %parallel_loop3A_778] {strides = array<i32>} : memref<8x1024xf32, #tpu.memory_space<vmem>>, vector<1x16xf32>,
        %parallel_loop3A_780 = vector.shape_cast %parallel_loop3A_779 : vector<1x16xf32> to vector<16xf32>
        %parallel_loop3A_781 = vector.shape_cast %parallel_loop3A_775 : vector<16xf32> to vector<1x16xf32>
        tpu.vector_store %arg12[%parallel_loop3A_777, %parallel_loop3A_778], %parallel_loop3A_781 {strides = array<i32>} : memref<8x1024xf32, #tpu.memory_space<vmem>>, vector<1x16xf32>,
        %parallel_loop3A_782 = arith.constant 7 : i32
        %parallel_loop3A_783 = arith.index_cast %parallel_loop3A_782 : i32 to index
        %parallel_loop3A_784 = arith.index_cast %parallel_loop3A_291 : i32 to index
        %parallel_loop3A_785 = tpu.vector_load %arg13[%parallel_loop3A_783, %parallel_loop3A_784] {strides = array<i32>} : memref<8x1024xf32, #tpu.memory_space<vmem>>, vector<1x16xf32>,
        %parallel_loop3A_786 = vector.shape_cast %parallel_loop3A_785 : vector<1x16xf32> to vector<16xf32>
        %parallel_loop3A_787 = arith.constant 3.200000e+01 : f32
        %parallel_loop3A_788 = vector.broadcast %parallel_loop3A_787 : f32 to vector<16xf32>
        %parallel_loop3A_789 = arith.mulf %parallel_loop3A_786, %parallel_loop3A_788 : vector<16xf32>
        %parallel_loop3A_790 = arith.addf %parallel_loop3A_789, %parallel_loop3A_751 : vector<16xf32>
        %parallel_loop3A_791 = arith.constant 7 : i32
        %parallel_loop3A_792 = arith.index_cast %parallel_loop3A_791 : i32 to index
        %parallel_loop3A_793 = arith.index_cast %parallel_loop3A_291 : i32 to index
        %parallel_loop3A_794 = tpu.vector_load %arg13[%parallel_loop3A_792, %parallel_loop3A_793] {strides = array<i32>} : memref<8x1024xf32, #tpu.memory_space<vmem>>, vector<1x16xf32>,
        %parallel_loop3A_795 = vector.shape_cast %parallel_loop3A_794 : vector<1x16xf32> to vector<16xf32>
        %parallel_loop3A_796 = vector.shape_cast %parallel_loop3A_790 : vector<16xf32> to vector<1x16xf32>
        tpu.vector_store %arg13[%parallel_loop3A_792, %parallel_loop3A_793], %parallel_loop3A_796 {strides = array<i32>} : memref<8x1024xf32, #tpu.memory_space<vmem>>, vector<1x16xf32>,
        %parallel_loop3A_797 = arith.constant 7 : i32
        %parallel_loop3A_798 = arith.index_cast %parallel_loop3A_797 : i32 to index
        %parallel_loop3A_799 = arith.index_cast %parallel_loop3A_291 : i32 to index
        %parallel_loop3A_800 = tpu.vector_load %arg14[%parallel_loop3A_798, %parallel_loop3A_799] {strides = array<i32>} : memref<8x1024xf32, #tpu.memory_space<vmem>>, vector<1x16xf32>,
        %parallel_loop3A_801 = vector.shape_cast %parallel_loop3A_800 : vector<1x16xf32> to vector<16xf32>
        %parallel_loop3A_802 = arith.constant 3.200000e+01 : f32
        %parallel_loop3A_803 = vector.broadcast %parallel_loop3A_802 : f32 to vector<16xf32>
        %parallel_loop3A_804 = arith.mulf %parallel_loop3A_801, %parallel_loop3A_803 : vector<16xf32>
        %parallel_loop3A_805 = arith.addf %parallel_loop3A_804, %parallel_loop3A_751 : vector<16xf32>
        %parallel_loop3A_806 = arith.constant 7 : i32
        %parallel_loop3A_807 = arith.index_cast %parallel_loop3A_806 : i32 to index
        %parallel_loop3A_808 = arith.index_cast %parallel_loop3A_291 : i32 to index
        %parallel_loop3A_809 = tpu.vector_load %arg14[%parallel_loop3A_807, %parallel_loop3A_808] {strides = array<i32>} : memref<8x1024xf32, #tpu.memory_space<vmem>>, vector<1x16xf32>,
        %parallel_loop3A_810 = vector.shape_cast %parallel_loop3A_809 : vector<1x16xf32> to vector<16xf32>
        %parallel_loop3A_811 = vector.shape_cast %parallel_loop3A_805 : vector<16xf32> to vector<1x16xf32>
        tpu.vector_store %arg14[%parallel_loop3A_807, %parallel_loop3A_808], %parallel_loop3A_811 {strides = array<i32>} : memref<8x1024xf32, #tpu.memory_space<vmem>>, vector<1x16xf32>,
      } {sc.loop_unroll_factor = 2 : i64, sc.parallel_access}
      %mul3A_253 = arith.constant 8 : i32
      %mul3A_254 = arith.muli %add3A_214, %mul3A_253 : i32
      %add3A_255 = arith.addi %mul3A_2, %mul3A_254 : i32
      %dma_start3A_256 = arith.constant 0 : i32
      %dma_start3A_257 = arith.constant 0 : i32
      %dma_start3A_258 = tpu.memref_slice %arg4[%dma_start3A_256, %add3A_255, %dma_start3A_257] : memref<4x4096x1024xf32, #tpu.memory_space<hbm>> -> memref<1x8x1024xf32, #tpu.memory_space<hbm>>
      %dma_start3A_259 = tpu.memref_squeeze %dma_start3A_258 : memref<1x8x1024xf32, #tpu.memory_space<hbm>> -> memref<8x1024xf32, #tpu.memory_space<hbm>>
      %dma_start3A_260 = arith.constant 0 : i32
      %dma_start3A_261 = tpu.memref_slice %arg4[%dma_start3A_256, %add3A_255, %dma_start3A_260] : memref<4x4096x1024xf32, #tpu.memory_space<hbm>> -> memref<1x8x1024xf32, #tpu.memory_space<hbm>>
      %dma_start3A_262 = tpu.memref_squeeze %dma_start3A_261 : memref<1x8x1024xf32, #tpu.memory_space<hbm>> -> memref<8x1024xf32, #tpu.memory_space<hbm>>
      tpu.enqueue_dma source(%arg11 : memref<8x1024xf32, #tpu.memory_space<vmem>>) target(%dma_start3A_262 : memref<8x1024xf32, #tpu.memory_space<hbm>>) target_semaphore(%arg18 : memref<!tpu.dma_semaphore, #tpu.memory_space<semaphore_mem>>)
      %dma_start3A_263 = arith.constant 1 : i32
      %dma_start3A_264 = arith.constant 0 : i32
      %dma_start3A_265 = tpu.memref_slice %arg4[%dma_start3A_263, %add3A_255, %dma_start3A_264] : memref<4x4096x1024xf32, #tpu.memory_space<hbm>> -> memref<1x8x1024xf32, #tpu.memory_space<hbm>>
      %dma_start3A_266 = tpu.memref_squeeze %dma_start3A_265 : memref<1x8x1024xf32, #tpu.memory_space<hbm>> -> memref<8x1024xf32, #tpu.memory_space<hbm>>
      %dma_start3A_267 = arith.constant 0 : i32
      %dma_start3A_268 = tpu.memref_slice %arg4[%dma_start3A_263, %add3A_255, %dma_start3A_267] : memref<4x4096x1024xf32, #tpu.memory_space<hbm>> -> memref<1x8x1024xf32, #tpu.memory_space<hbm>>
      %dma_start3A_269 = tpu.memref_squeeze %dma_start3A_268 : memref<1x8x1024xf32, #tpu.memory_space<hbm>> -> memref<8x1024xf32, #tpu.memory_space<hbm>>
      tpu.enqueue_dma source(%arg12 : memref<8x1024xf32, #tpu.memory_space<vmem>>) target(%dma_start3A_269 : memref<8x1024xf32, #tpu.memory_space<hbm>>) target_semaphore(%arg18 : memref<!tpu.dma_semaphore, #tpu.memory_space<semaphore_mem>>)
      %dma_start3A_270 = arith.constant 2 : i32
      %dma_start3A_271 = arith.constant 0 : i32
      %dma_start3A_272 = tpu.memref_slice %arg4[%dma_start3A_270, %add3A_255, %dma_start3A_271] : memref<4x4096x1024xf32, #tpu.memory_space<hbm>> -> memref<1x8x1024xf32, #tpu.memory_space<hbm>>
      %dma_start3A_273 = tpu.memref_squeeze %dma_start3A_272 : memref<1x8x1024xf32, #tpu.memory_space<hbm>> -> memref<8x1024xf32, #tpu.memory_space<hbm>>
      %dma_start3A_274 = arith.constant 0 : i32
      %dma_start3A_275 = tpu.memref_slice %arg4[%dma_start3A_270, %add3A_255, %dma_start3A_274] : memref<4x4096x1024xf32, #tpu.memory_space<hbm>> -> memref<1x8x1024xf32, #tpu.memory_space<hbm>>
      %dma_start3A_276 = tpu.memref_squeeze %dma_start3A_275 : memref<1x8x1024xf32, #tpu.memory_space<hbm>> -> memref<8x1024xf32, #tpu.memory_space<hbm>>
      tpu.enqueue_dma source(%arg13 : memref<8x1024xf32, #tpu.memory_space<vmem>>) target(%dma_start3A_276 : memref<8x1024xf32, #tpu.memory_space<hbm>>) target_semaphore(%arg18 : memref<!tpu.dma_semaphore, #tpu.memory_space<semaphore_mem>>)
      %dma_start3A_277 = arith.constant 3 : i32
      %dma_start3A_278 = arith.constant 0 : i32
      %dma_start3A_279 = tpu.memref_slice %arg4[%dma_start3A_277, %add3A_255, %dma_start3A_278] : memref<4x4096x1024xf32, #tpu.memory_space<hbm>> -> memref<1x8x1024xf32, #tpu.memory_space<hbm>>
      %dma_start3A_280 = tpu.memref_squeeze %dma_start3A_279 : memref<1x8x1024xf32, #tpu.memory_space<hbm>> -> memref<8x1024xf32, #tpu.memory_space<hbm>>
      %dma_start3A_281 = arith.constant 0 : i32
      %dma_start3A_282 = tpu.memref_slice %arg4[%dma_start3A_277, %add3A_255, %dma_start3A_281] : memref<4x4096x1024xf32, #tpu.memory_space<hbm>> -> memref<1x8x1024xf32, #tpu.memory_space<hbm>>
      %dma_start3A_283 = tpu.memref_squeeze %dma_start3A_282 : memref<1x8x1024xf32, #tpu.memory_space<hbm>> -> memref<8x1024xf32, #tpu.memory_space<hbm>>
      tpu.enqueue_dma source(%arg14 : memref<8x1024xf32, #tpu.memory_space<vmem>>) target(%dma_start3A_283 : memref<8x1024xf32, #tpu.memory_space<hbm>>) target_semaphore(%arg18 : memref<!tpu.dma_semaphore, #tpu.memory_space<semaphore_mem>>)
      %add3A_284 = arith.constant 2 : i32
      %add3A_285 = arith.addi %add3A_214, %add3A_284 : i32
      %lt3A_286 = arith.constant 16 : i32
      %lt3A_287 = arith.cmpi slt, %add3A_285, %lt3A_286 : i32
      %convert_element_type3A_288 = arith.extui %lt3A_287 : i1 to i32
      %cond3A_289 = arith.constant 0 : i32
      %cond3A_290 = arith.cmpi ne, %convert_element_type3A_288, %cond3A_289 : i32
      scf.if %cond3A_290 {
        %mul3A_291 = arith.constant 8 : i32
        %mul3A_292 = arith.muli %add3A_214, %mul3A_291 : i32
        %add3A_293 = arith.addi %mul3A_2, %mul3A_292 : i32
        %dma_wait3A_294 = arith.constant 0 : i32
        %dma_wait3A_295 = arith.constant 0 : i32
        %dma_wait3A_296 = tpu.memref_slice %arg4[%dma_wait3A_294, %add3A_293, %dma_wait3A_295] : memref<4x4096x1024xf32, #tpu.memory_space<hbm>> -> memref<1x8x1024xf32, #tpu.memory_space<hbm>>
        %dma_wait3A_297 = tpu.memref_squeeze %dma_wait3A_296 : memref<1x8x1024xf32, #tpu.memory_space<hbm>> -> memref<8x1024xf32, #tpu.memory_space<hbm>>
        %dma_wait3A_298 = arith.constant 0 : i32
        %dma_wait3A_299 = tpu.memref_slice %arg4[%dma_wait3A_294, %add3A_293, %dma_wait3A_298] : memref<4x4096x1024xf32, #tpu.memory_space<hbm>> -> memref<1x8x1024xf32, #tpu.memory_space<hbm>>
        %dma_wait3A_300 = tpu.memref_squeeze %dma_wait3A_299 : memref<1x8x1024xf32, #tpu.memory_space<hbm>> -> memref<8x1024xf32, #tpu.memory_space<hbm>>
        tpu.wait_dma2 semaphore(%arg18 : memref<!tpu.dma_semaphore, #tpu.memory_space<semaphore_mem>>) src(%arg11 : memref<8x1024xf32, #tpu.memory_space<vmem>>) dst(%dma_wait3A_300 : memref<8x1024xf32, #tpu.memory_space<hbm>>)
        %dma_wait3A_301 = arith.constant 1 : i32
        %dma_wait3A_302 = arith.constant 0 : i32
        %dma_wait3A_303 = tpu.memref_slice %arg4[%dma_wait3A_301, %add3A_293, %dma_wait3A_302] : memref<4x4096x1024xf32, #tpu.memory_space<hbm>> -> memref<1x8x1024xf32, #tpu.memory_space<hbm>>
        %dma_wait3A_304 = tpu.memref_squeeze %dma_wait3A_303 : memref<1x8x1024xf32, #tpu.memory_space<hbm>> -> memref<8x1024xf32, #tpu.memory_space<hbm>>
        %dma_wait3A_305 = arith.constant 0 : i32
        %dma_wait3A_306 = tpu.memref_slice %arg4[%dma_wait3A_301, %add3A_293, %dma_wait3A_305] : memref<4x4096x1024xf32, #tpu.memory_space<hbm>> -> memref<1x8x1024xf32, #tpu.memory_space<hbm>>
        %dma_wait3A_307 = tpu.memref_squeeze %dma_wait3A_306 : memref<1x8x1024xf32, #tpu.memory_space<hbm>> -> memref<8x1024xf32, #tpu.memory_space<hbm>>
        tpu.wait_dma2 semaphore(%arg18 : memref<!tpu.dma_semaphore, #tpu.memory_space<semaphore_mem>>) src(%arg12 : memref<8x1024xf32, #tpu.memory_space<vmem>>) dst(%dma_wait3A_307 : memref<8x1024xf32, #tpu.memory_space<hbm>>)
        %dma_wait3A_308 = arith.constant 2 : i32
        %dma_wait3A_309 = arith.constant 0 : i32
        %dma_wait3A_310 = tpu.memref_slice %arg4[%dma_wait3A_308, %add3A_293, %dma_wait3A_309] : memref<4x4096x1024xf32, #tpu.memory_space<hbm>> -> memref<1x8x1024xf32, #tpu.memory_space<hbm>>
        %dma_wait3A_311 = tpu.memref_squeeze %dma_wait3A_310 : memref<1x8x1024xf32, #tpu.memory_space<hbm>> -> memref<8x1024xf32, #tpu.memory_space<hbm>>
        %dma_wait3A_312 = arith.constant 0 : i32
        %dma_wait3A_313 = tpu.memref_slice %arg4[%dma_wait3A_308, %add3A_293, %dma_wait3A_312] : memref<4x4096x1024xf32, #tpu.memory_space<hbm>> -> memref<1x8x1024xf32, #tpu.memory_space<hbm>>
        %dma_wait3A_314 = tpu.memref_squeeze %dma_wait3A_313 : memref<1x8x1024xf32, #tpu.memory_space<hbm>> -> memref<8x1024xf32, #tpu.memory_space<hbm>>
        tpu.wait_dma2 semaphore(%arg18 : memref<!tpu.dma_semaphore, #tpu.memory_space<semaphore_mem>>) src(%arg13 : memref<8x1024xf32, #tpu.memory_space<vmem>>) dst(%dma_wait3A_314 : memref<8x1024xf32, #tpu.memory_space<hbm>>)
        %dma_wait3A_315 = arith.constant 3 : i32
        %dma_wait3A_316 = arith.constant 0 : i32
        %dma_wait3A_317 = tpu.memref_slice %arg4[%dma_wait3A_315, %add3A_293, %dma_wait3A_316] : memref<4x4096x1024xf32, #tpu.memory_space<hbm>> -> memref<1x8x1024xf32, #tpu.memory_space<hbm>>
        %dma_wait3A_318 = tpu.memref_squeeze %dma_wait3A_317 : memref<1x8x1024xf32, #tpu.memory_space<hbm>> -> memref<8x1024xf32, #tpu.memory_space<hbm>>
        %dma_wait3A_319 = arith.constant 0 : i32
        %dma_wait3A_320 = tpu.memref_slice %arg4[%dma_wait3A_315, %add3A_293, %dma_wait3A_319] : memref<4x4096x1024xf32, #tpu.memory_space<hbm>> -> memref<1x8x1024xf32, #tpu.memory_space<hbm>>
        %dma_wait3A_321 = tpu.memref_squeeze %dma_wait3A_320 : memref<1x8x1024xf32, #tpu.memory_space<hbm>> -> memref<8x1024xf32, #tpu.memory_space<hbm>>
        tpu.wait_dma2 semaphore(%arg18 : memref<!tpu.dma_semaphore, #tpu.memory_space<semaphore_mem>>) src(%arg14 : memref<8x1024xf32, #tpu.memory_space<vmem>>) dst(%dma_wait3A_321 : memref<8x1024xf32, #tpu.memory_space<hbm>>)
        %add3A_322 = arith.constant 2 : i32
        %add3A_323 = arith.addi %add3A_214, %add3A_322 : i32
        %mul3A_324 = arith.constant 8 : i32
        %mul3A_325 = arith.muli %add3A_323, %mul3A_324 : i32
        %add3A_326 = arith.addi %mul3A_2, %mul3A_325 : i32
        %dma_start3A_327 = arith.constant 0 : i32
        %dma_start3A_328 = tpu.memref_slice %arg3[%add3A_326, %dma_start3A_327] : memref<4096x1024xf32, #tpu.memory_space<hbm>> -> memref<8x1024xf32, #tpu.memory_space<hbm>>
        %dma_start3A_329 = arith.constant 0 : i32
        %dma_start3A_330 = tpu.memref_slice %arg3[%add3A_326, %dma_start3A_329] : memref<4096x1024xf32, #tpu.memory_space<hbm>> -> memref<8x1024xf32, #tpu.memory_space<hbm>>
        tpu.enqueue_dma source(%dma_start3A_330 : memref<8x1024xf32, #tpu.memory_space<hbm>>) target(%arg10 : memref<8x1024xf32, #tpu.memory_space<vmem>>) target_semaphore(%arg16 : memref<!tpu.dma_semaphore, #tpu.memory_space<semaphore_mem>>)
        %dma_start3A_331 = arith.constant 0 : i32
        %dma_start3A_332 = arith.constant 0 : i32
        %dma_start3A_333 = tpu.memref_slice %arg2[%dma_start3A_331, %add3A_326, %dma_start3A_332] : memref<4x4096x1024xf32, #tpu.memory_space<hbm>> -> memref<1x8x1024xf32, #tpu.memory_space<hbm>>
        %dma_start3A_334 = tpu.memref_squeeze %dma_start3A_333 : memref<1x8x1024xf32, #tpu.memory_space<hbm>> -> memref<8x1024xf32, #tpu.memory_space<hbm>>
        %dma_start3A_335 = arith.constant 0 : i32
        %dma_start3A_336 = tpu.memref_slice %arg2[%dma_start3A_331, %add3A_326, %dma_start3A_335] : memref<4x4096x1024xf32, #tpu.memory_space<hbm>> -> memref<1x8x1024xf32, #tpu.memory_space<hbm>>
        %dma_start3A_337 = tpu.memref_squeeze %dma_start3A_336 : memref<1x8x1024xf32, #tpu.memory_space<hbm>> -> memref<8x1024xf32, #tpu.memory_space<hbm>>
        tpu.enqueue_dma source(%dma_start3A_337 : memref<8x1024xf32, #tpu.memory_space<hbm>>) target(%arg11 : memref<8x1024xf32, #tpu.memory_space<vmem>>) target_semaphore(%arg16 : memref<!tpu.dma_semaphore, #tpu.memory_space<semaphore_mem>>)
        %dma_start3A_338 = arith.constant 1 : i32
        %dma_start3A_339 = arith.constant 0 : i32
        %dma_start3A_340 = tpu.memref_slice %arg2[%dma_start3A_338, %add3A_326, %dma_start3A_339] : memref<4x4096x1024xf32, #tpu.memory_space<hbm>> -> memref<1x8x1024xf32, #tpu.memory_space<hbm>>
        %dma_start3A_341 = tpu.memref_squeeze %dma_start3A_340 : memref<1x8x1024xf32, #tpu.memory_space<hbm>> -> memref<8x1024xf32, #tpu.memory_space<hbm>>
        %dma_start3A_342 = arith.constant 0 : i32
        %dma_start3A_343 = tpu.memref_slice %arg2[%dma_start3A_338, %add3A_326, %dma_start3A_342] : memref<4x4096x1024xf32, #tpu.memory_space<hbm>> -> memref<1x8x1024xf32, #tpu.memory_space<hbm>>
        %dma_start3A_344 = tpu.memref_squeeze %dma_start3A_343 : memref<1x8x1024xf32, #tpu.memory_space<hbm>> -> memref<8x1024xf32, #tpu.memory_space<hbm>>
        tpu.enqueue_dma source(%dma_start3A_344 : memref<8x1024xf32, #tpu.memory_space<hbm>>) target(%arg12 : memref<8x1024xf32, #tpu.memory_space<vmem>>) target_semaphore(%arg16 : memref<!tpu.dma_semaphore, #tpu.memory_space<semaphore_mem>>)
        %dma_start3A_345 = arith.constant 2 : i32
        %dma_start3A_346 = arith.constant 0 : i32
        %dma_start3A_347 = tpu.memref_slice %arg2[%dma_start3A_345, %add3A_326, %dma_start3A_346] : memref<4x4096x1024xf32, #tpu.memory_space<hbm>> -> memref<1x8x1024xf32, #tpu.memory_space<hbm>>
        %dma_start3A_348 = tpu.memref_squeeze %dma_start3A_347 : memref<1x8x1024xf32, #tpu.memory_space<hbm>> -> memref<8x1024xf32, #tpu.memory_space<hbm>>
        %dma_start3A_349 = arith.constant 0 : i32
        %dma_start3A_350 = tpu.memref_slice %arg2[%dma_start3A_345, %add3A_326, %dma_start3A_349] : memref<4x4096x1024xf32, #tpu.memory_space<hbm>> -> memref<1x8x1024xf32, #tpu.memory_space<hbm>>
        %dma_start3A_351 = tpu.memref_squeeze %dma_start3A_350 : memref<1x8x1024xf32, #tpu.memory_space<hbm>> -> memref<8x1024xf32, #tpu.memory_space<hbm>>
        tpu.enqueue_dma source(%dma_start3A_351 : memref<8x1024xf32, #tpu.memory_space<hbm>>) target(%arg13 : memref<8x1024xf32, #tpu.memory_space<vmem>>) target_semaphore(%arg16 : memref<!tpu.dma_semaphore, #tpu.memory_space<semaphore_mem>>)
        %dma_start3A_352 = arith.constant 3 : i32
        %dma_start3A_353 = arith.constant 0 : i32
        %dma_start3A_354 = tpu.memref_slice %arg2[%dma_start3A_352, %add3A_326, %dma_start3A_353] : memref<4x4096x1024xf32, #tpu.memory_space<hbm>> -> memref<1x8x1024xf32, #tpu.memory_space<hbm>>
        %dma_start3A_355 = tpu.memref_squeeze %dma_start3A_354 : memref<1x8x1024xf32, #tpu.memory_space<hbm>> -> memref<8x1024xf32, #tpu.memory_space<hbm>>
        %dma_start3A_356 = arith.constant 0 : i32
        %dma_start3A_357 = tpu.memref_slice %arg2[%dma_start3A_352, %add3A_326, %dma_start3A_356] : memref<4x4096x1024xf32, #tpu.memory_space<hbm>> -> memref<1x8x1024xf32, #tpu.memory_space<hbm>>
        %dma_start3A_358 = tpu.memref_squeeze %dma_start3A_357 : memref<1x8x1024xf32, #tpu.memory_space<hbm>> -> memref<8x1024xf32, #tpu.memory_space<hbm>>
        tpu.enqueue_dma source(%dma_start3A_358 : memref<8x1024xf32, #tpu.memory_space<hbm>>) target(%arg14 : memref<8x1024xf32, #tpu.memory_space<vmem>>) target_semaphore(%arg16 : memref<!tpu.dma_semaphore, #tpu.memory_space<semaphore_mem>>)
      } else {
      }
    }
    %scan3A_74 = arith.constant 8 : i32
    %add3A_75 = arith.constant 112 : i32
    %add3A_76 = arith.addi %mul3A_2, %add3A_75 : i32
    %dma_wait3A = arith.constant 0 : i32
    %dma_wait3A_77 = arith.constant 0 : i32
    %dma_wait3A_78 = tpu.memref_slice %arg4[%dma_wait3A, %add3A_76, %dma_wait3A_77] : memref<4x4096x1024xf32, #tpu.memory_space<hbm>> -> memref<1x8x1024xf32, #tpu.memory_space<hbm>>
    %dma_wait3A_79 = tpu.memref_squeeze %dma_wait3A_78 : memref<1x8x1024xf32, #tpu.memory_space<hbm>> -> memref<8x1024xf32, #tpu.memory_space<hbm>>
    %dma_wait3A_80 = arith.constant 0 : i32
    %dma_wait3A_81 = tpu.memref_slice %arg4[%dma_wait3A, %add3A_76, %dma_wait3A_80] : memref<4x4096x1024xf32, #tpu.memory_space<hbm>> -> memref<1x8x1024xf32, #tpu.memory_space<hbm>>
    %dma_wait3A_82 = tpu.memref_squeeze %dma_wait3A_81 : memref<1x8x1024xf32, #tpu.memory_space<hbm>> -> memref<8x1024xf32, #tpu.memory_space<hbm>>
    tpu.wait_dma2 semaphore(%arg17 : memref<!tpu.dma_semaphore, #tpu.memory_space<semaphore_mem>>) src(%arg6 : memref<8x1024xf32, #tpu.memory_space<vmem>>) dst(%dma_wait3A_82 : memref<8x1024xf32, #tpu.memory_space<hbm>>)
    %dma_wait3A_83 = arith.constant 1 : i32
    %dma_wait3A_84 = arith.constant 0 : i32
    %dma_wait3A_85 = tpu.memref_slice %arg4[%dma_wait3A_83, %add3A_76, %dma_wait3A_84] : memref<4x4096x1024xf32, #tpu.memory_space<hbm>> -> memref<1x8x1024xf32, #tpu.memory_space<hbm>>
    %dma_wait3A_86 = tpu.memref_squeeze %dma_wait3A_85 : memref<1x8x1024xf32, #tpu.memory_space<hbm>> -> memref<8x1024xf32, #tpu.memory_space<hbm>>
    %dma_wait3A_87 = arith.constant 0 : i32
    %dma_wait3A_88 = tpu.memref_slice %arg4[%dma_wait3A_83, %add3A_76, %dma_wait3A_87] : memref<4x4096x1024xf32, #tpu.memory_space<hbm>> -> memref<1x8x1024xf32, #tpu.memory_space<hbm>>
    %dma_wait3A_89 = tpu.memref_squeeze %dma_wait3A_88 : memref<1x8x1024xf32, #tpu.memory_space<hbm>> -> memref<8x1024xf32, #tpu.memory_space<hbm>>
    tpu.wait_dma2 semaphore(%arg17 : memref<!tpu.dma_semaphore, #tpu.memory_space<semaphore_mem>>) src(%arg7 : memref<8x1024xf32, #tpu.memory_space<vmem>>) dst(%dma_wait3A_89 : memref<8x1024xf32, #tpu.memory_space<hbm>>)
    %dma_wait3A_90 = arith.constant 2 : i32
    %dma_wait3A_91 = arith.constant 0 : i32
    %dma_wait3A_92 = tpu.memref_slice %arg4[%dma_wait3A_90, %add3A_76, %dma_wait3A_91] : memref<4x4096x1024xf32, #tpu.memory_space<hbm>> -> memref<1x8x1024xf32, #tpu.memory_space<hbm>>
    %dma_wait3A_93 = tpu.memref_squeeze %dma_wait3A_92 : memref<1x8x1024xf32, #tpu.memory_space<hbm>> -> memref<8x1024xf32, #tpu.memory_space<hbm>>
    %dma_wait3A_94 = arith.constant 0 : i32
    %dma_wait3A_95 = tpu.memref_slice %arg4[%dma_wait3A_90, %add3A_76, %dma_wait3A_94] : memref<4x4096x1024xf32, #tpu.memory_space<hbm>> -> memref<1x8x1024xf32, #tpu.memory_space<hbm>>
    %dma_wait3A_96 = tpu.memref_squeeze %dma_wait3A_95 : memref<1x8x1024xf32, #tpu.memory_space<hbm>> -> memref<8x1024xf32, #tpu.memory_space<hbm>>
    tpu.wait_dma2 semaphore(%arg17 : memref<!tpu.dma_semaphore, #tpu.memory_space<semaphore_mem>>) src(%arg8 : memref<8x1024xf32, #tpu.memory_space<vmem>>) dst(%dma_wait3A_96 : memref<8x1024xf32, #tpu.memory_space<hbm>>)
    %dma_wait3A_97 = arith.constant 3 : i32
    %dma_wait3A_98 = arith.constant 0 : i32
    %dma_wait3A_99 = tpu.memref_slice %arg4[%dma_wait3A_97, %add3A_76, %dma_wait3A_98] : memref<4x4096x1024xf32, #tpu.memory_space<hbm>> -> memref<1x8x1024xf32, #tpu.memory_space<hbm>>
    %dma_wait3A_100 = tpu.memref_squeeze %dma_wait3A_99 : memref<1x8x1024xf32, #tpu.memory_space<hbm>> -> memref<8x1024xf32, #tpu.memory_space<hbm>>
    %dma_wait3A_101 = arith.constant 0 : i32
    %dma_wait3A_102 = tpu.memref_slice %arg4[%dma_wait3A_97, %add3A_76, %dma_wait3A_101] : memref<4x4096x1024xf32, #tpu.memory_space<hbm>> -> memref<1x8x1024xf32, #tpu.memory_space<hbm>>
    %dma_wait3A_103 = tpu.memref_squeeze %dma_wait3A_102 : memref<1x8x1024xf32, #tpu.memory_space<hbm>> -> memref<8x1024xf32, #tpu.memory_space<hbm>>
    tpu.wait_dma2 semaphore(%arg17 : memref<!tpu.dma_semaphore, #tpu.memory_space<semaphore_mem>>) src(%arg9 : memref<8x1024xf32, #tpu.memory_space<vmem>>) dst(%dma_wait3A_103 : memref<8x1024xf32, #tpu.memory_space<hbm>>)
    %add3A_104 = arith.constant 120 : i32
    %add3A_105 = arith.addi %mul3A_2, %add3A_104 : i32
    %dma_wait3A_106 = arith.constant 0 : i32
    %dma_wait3A_107 = arith.constant 0 : i32
    %dma_wait3A_108 = tpu.memref_slice %arg4[%dma_wait3A_106, %add3A_105, %dma_wait3A_107] : memref<4x4096x1024xf32, #tpu.memory_space<hbm>> -> memref<1x8x1024xf32, #tpu.memory_space<hbm>>
    %dma_wait3A_109 = tpu.memref_squeeze %dma_wait3A_108 : memref<1x8x1024xf32, #tpu.memory_space<hbm>> -> memref<8x1024xf32, #tpu.memory_space<hbm>>
    %dma_wait3A_110 = arith.constant 0 : i32
    %dma_wait3A_111 = tpu.memref_slice %arg4[%dma_wait3A_106, %add3A_105, %dma_wait3A_110] : memref<4x4096x1024xf32, #tpu.memory_space<hbm>> -> memref<1x8x1024xf32, #tpu.memory_space<hbm>>
    %dma_wait3A_112 = tpu.memref_squeeze %dma_wait3A_111 : memref<1x8x1024xf32, #tpu.memory_space<hbm>> -> memref<8x1024xf32, #tpu.memory_space<hbm>>
    tpu.wait_dma2 semaphore(%arg18 : memref<!tpu.dma_semaphore, #tpu.memory_space<semaphore_mem>>) src(%arg11 : memref<8x1024xf32, #tpu.memory_space<vmem>>) dst(%dma_wait3A_112 : memref<8x1024xf32, #tpu.memory_space<hbm>>)
    %dma_wait3A_113 = arith.constant 1 : i32
    %dma_wait3A_114 = arith.constant 0 : i32
    %dma_wait3A_115 = tpu.memref_slice %arg4[%dma_wait3A_113, %add3A_105, %dma_wait3A_114] : memref<4x4096x1024xf32, #tpu.memory_space<hbm>> -> memref<1x8x1024xf32, #tpu.memory_space<hbm>>
    %dma_wait3A_116 = tpu.memref_squeeze %dma_wait3A_115 : memref<1x8x1024xf32, #tpu.memory_space<hbm>> -> memref<8x1024xf32, #tpu.memory_space<hbm>>
    %dma_wait3A_117 = arith.constant 0 : i32
    %dma_wait3A_118 = tpu.memref_slice %arg4[%dma_wait3A_113, %add3A_105, %dma_wait3A_117] : memref<4x4096x1024xf32, #tpu.memory_space<hbm>> -> memref<1x8x1024xf32, #tpu.memory_space<hbm>>
    %dma_wait3A_119 = tpu.memref_squeeze %dma_wait3A_118 : memref<1x8x1024xf32, #tpu.memory_space<hbm>> -> memref<8x1024xf32, #tpu.memory_space<hbm>>
    tpu.wait_dma2 semaphore(%arg18 : memref<!tpu.dma_semaphore, #tpu.memory_space<semaphore_mem>>) src(%arg12 : memref<8x1024xf32, #tpu.memory_space<vmem>>) dst(%dma_wait3A_119 : memref<8x1024xf32, #tpu.memory_space<hbm>>)
    %dma_wait3A_120 = arith.constant 2 : i32
    %dma_wait3A_121 = arith.constant 0 : i32
    %dma_wait3A_122 = tpu.memref_slice %arg4[%dma_wait3A_120, %add3A_105, %dma_wait3A_121] : memref<4x4096x1024xf32, #tpu.memory_space<hbm>> -> memref<1x8x1024xf32, #tpu.memory_space<hbm>>
    %dma_wait3A_123 = tpu.memref_squeeze %dma_wait3A_122 : memref<1x8x1024xf32, #tpu.memory_space<hbm>> -> memref<8x1024xf32, #tpu.memory_space<hbm>>
    %dma_wait3A_124 = arith.constant 0 : i32
    %dma_wait3A_125 = tpu.memref_slice %arg4[%dma_wait3A_120, %add3A_105, %dma_wait3A_124] : memref<4x4096x1024xf32, #tpu.memory_space<hbm>> -> memref<1x8x1024xf32, #tpu.memory_space<hbm>>
    %dma_wait3A_126 = tpu.memref_squeeze %dma_wait3A_125 : memref<1x8x1024xf32, #tpu.memory_space<hbm>> -> memref<8x1024xf32, #tpu.memory_space<hbm>>
    tpu.wait_dma2 semaphore(%arg18 : memref<!tpu.dma_semaphore, #tpu.memory_space<semaphore_mem>>) src(%arg13 : memref<8x1024xf32, #tpu.memory_space<vmem>>) dst(%dma_wait3A_126 : memref<8x1024xf32, #tpu.memory_space<hbm>>)
    %dma_wait3A_127 = arith.constant 3 : i32
    %dma_wait3A_128 = arith.constant 0 : i32
    %dma_wait3A_129 = tpu.memref_slice %arg4[%dma_wait3A_127, %add3A_105, %dma_wait3A_128] : memref<4x4096x1024xf32, #tpu.memory_space<hbm>> -> memref<1x8x1024xf32, #tpu.memory_space<hbm>>
    %dma_wait3A_130 = tpu.memref_squeeze %dma_wait3A_129 : memref<1x8x1024xf32, #tpu.memory_space<hbm>> -> memref<8x1024xf32, #tpu.memory_space<hbm>>
    %dma_wait3A_131 = arith.constant 0 : i32
    %dma_wait3A_132 = tpu.memref_slice %arg4[%dma_wait3A_127, %add3A_105, %dma_wait3A_131] : memref<4x4096x1024xf32, #tpu.memory_space<hbm>> -> memref<1x8x1024xf32, #tpu.memory_space<hbm>>
    %dma_wait3A_133 = tpu.memref_squeeze %dma_wait3A_132 : memref<1x8x1024xf32, #tpu.memory_space<hbm>> -> memref<8x1024xf32, #tpu.memory_space<hbm>>
    tpu.wait_dma2 semaphore(%arg18 : memref<!tpu.dma_semaphore, #tpu.memory_space<semaphore_mem>>) src(%arg14 : memref<8x1024xf32, #tpu.memory_space<vmem>>) dst(%dma_wait3A_133 : memref<8x1024xf32, #tpu.memory_space<hbm>>)
    return
  }
}

</mosaic_0001>

<sc_bundles>
// kernel: kernel.3.cloned.1.call-start
scs
__scs_entry_jumppad:
0x0: {  	(pc) =	sbr.rel $0x88, $3  }
0x1: {  	(tag) =	ssettag $0x0;
	lr =	simm.s32 $0x1  }
0x2: {  	[smem:$0x3F9F] =	sst lr;
	_ =	strace $0xD0000000  }
0x3: {  	_ = 	snop  }
0x4: {  	_ = 	snop  }
0x5: {  	_ = 	snop  }
0x6: {  	_ = 	snop  }
0x7: {  	_ = 	snop  }
__scs_overlays_trampoline_lowered:
0x8: {  	[smem:$0x3FAE] =	sst s0  }
0x9: {  	[smem:$0x3FAF] =	sst s1  }
0xa: {  	[smem:$0x3FB0] =	sst s2  }
0xb: {  	[smem:$0x3FB1] =	sst s3  }
0xc: {  	[smem:$0x3FB2] =	sst s4  }
0xd: {  	[smem:$0x3FB3] =	sst s5  }
0xe: {  	[smem:$0x3FB4] =	sst s6  }
0xf: {  	[smem:$0x3FB5] =	sst s7  }
0x10: {  	[smem:$0x3FB6] =	sst s8  }
0x11: {  	[smem:$0x3FB7] =	sst s9;
	s0 =	simm.s32 @!p0 $0x0  }
0x12: {  	s1 =	sld [smem:$0x3F9D];
	s0 =	simm.s32 @p0 $0x1  }
0x13: {  	[smem:$0x3FB8] =	sst s0;
	s0 =	simm.s32 @!p1 $0x0  }
0x14: {  	s2 =	sld [smem:$0x3F9C];
	s0 =	simm.s32 @p1 $0x1  }
0x15: {  	[smem:$0x3FB9] =	sst s0;
	s0 =	simm.s32 @!p2 $0x0  }
0x16: {  	s3 =	sld [smem:$0x3FDB];
	s0 =	simm.s32 @p2 $0x1  }
0x17: {  	s4 =	simm.s32 $0x1BF5;
	[smem:$0x3FBB] =	sst s0  }
0x18: {  	s0 =	sld [smem:$0x3F9E];
	_ =	swait.ge [sflag:s4], $0x0  }
0x19: {  	s7 =	sld [smem:$0x3F9F]  }
0x1a: {  	s8 =	sadd.s32 $0xFFFFE003, lr  }
0x1b: {  	s9 =	sadd.s32 $0xFFFFFEF7, lr;
	s5 =	simm.s32 $0xFFFFFFFF;
	p2 =	slt.u32 s8, $0xFFFFF086  }
0x1c: {  	p1 =	slt.u32 s9, $0xF7A;
	s5 =	simm.s32 @!p2 $0x0  }
0x1d: {  	s5 =	simm.s32 @p1 $0x1;
	p0 =	seq.s32 s7, s2  }
0x1e: {  	s7 =	smul.u32 @!p0 $0xF7A, s2;
	p2 =	seq.s32 @!p0 s5, $0x0  }
0x1f: {  	s9 =	smul.u32 $0xF7A, s1;
	s8 =	simm.s32 @!p0 $0x1BF5;
	p2 =	por !p2, p0  }
0x20: {  	[sflag:s8] =	ssyncset.s32 @!p0 $0xFFFFF086;
	s6 =	sadd.s32 @!p0 s3, s7;
	s7 =	simm.s32 @!p0 $0x108  }
0x21: {  	s3 =	sadd.s32 s3, s9;
	s6 =	sadd.s32 @!p0 $0x88, s6;
	s7 =	simm.s32 @p2 $0x1082  }
0x22: {  	[simem:s7], [sflag:s8] =	dma.local @!p0 [hbm:s6], $0xF7A  }
0x23: {  	s9 =	sor.u32 $0xD0000000, s2;
	s6 =	simm.s32 $0x108;
	_ =	swait.ge @!p0 [sflag:s8], $0x0  }
0x24: {  	s3 =	sadd.s32 $0x88, s3;
	s6 =	simm.s32 @!p1 $0x1082;
	[sflag:s4] =	ssyncset.s32 $0xFFFFF086  }
0x25: {  	[simem:s6], [sflag:s4] =	dma.local [hbm:s3], $0xF7A  }
0x26: {  	[smem:$0x3F9F] =	sst s1;
	(tag) =	ssettag s2;
	_ =	strace s9  }
0x27: {  	s1 =	sld [smem:$0x3FAF]  }
0x28: {  	s2 =	sld [smem:$0x3FB0]  }
0x29: {  	s4 =	sld [smem:$0x3FB2]  }
0x2a: {  	p0 =	seq.s32 s5, $0x0;
	s5 =	sld [smem:$0x3FB3]  }
0x2b: {  	s6 =	sld [smem:$0x3FB4]  }
0x2c: {  	s7 =	sld [smem:$0x3FB5]  }
0x2d: {  	s3 =	simm.s32 $0x108;
	s8 =	sld [smem:$0x3FB6]  }
0x2e: {  	s3 =	simm.s32 @!p0 $0x1082;
	s9 =	sld [smem:$0x3FB7]  }
0x2f: {  	lr =	sadd.s32 s0, s3;
	s0 =	sld [smem:$0x3FAE]  }
0x30: {  	s3 =	sld [smem:$0x3FB1]  }
0x31: {  	[smem:$0x3FBA] =	sst s10  }
0x32: {  	s10 =	sld [smem:$0x3FB8];
	_ =	sdelay $0x3  }
0x33: {  	p0 =	seq.s32 s10, $0x1;
	s10 =	sld [smem:$0x3FBA];
	_ =	sdelay $0x3  }
0x34: {  	[smem:$0x3FBA] =	sst s10  }
0x35: {  	s10 =	sld [smem:$0x3FB9];
	_ =	sdelay $0x3  }
0x36: {  	p1 =	seq.s32 s10, $0x1;
	s10 =	sld [smem:$0x3FBA];
	_ =	sdelay $0x3  }
0x37: {  	[smem:$0x3FBA] =	sst s10  }
0x38: {  	s10 =	sld [smem:$0x3FBB]  }
0x39: {  	_ = 	snop;
	(pc) =	sbr.ind lr, $3  }
0x3a: {  	_ = 	snop  }
0x3b: {  	_ = 	snop  }
0x3c: {  	p2 =	seq.s32 s10, $0x1;
	s10 =	sld [smem:$0x3FBA]  }
0x3d: {  	_ =	shalt  }
0x3e: {  	_ =	shalt  }
0x3f: {  	_ =	shalt  }
0x40: {  	_ =	shalt  }
0x41: {  	_ =	shalt  }
0x42: {  	_ =	shalt  }
0x43: {  	_ =	shalt  }
0x44: {  	_ =	shalt  }
0x45: {  	_ =	shalt  }
0x46: {  	_ =	shalt  }
0x47: {  	_ =	shalt  }
0x48: {  	_ =	shalt  }
0x49: {  	_ =	shalt  }
0x4a: {  	_ =	shalt  }
0x4b: {  	_ =	shalt  }
0x4c: {  	_ =	shalt  }
0x4d: {  	_ =	shalt  }
0x4e: {  	_ =	shalt  }
0x4f: {  	_ =	shalt  }
0x50: {  	_ =	shalt  }
0x51: {  	_ =	shalt  }
0x52: {  	_ =	shalt  }
0x53: {  	_ =	shalt  }
0x54: {  	_ =	shalt  }
0x55: {  	_ =	shalt  }
0x56: {  	_ =	shalt  }
0x57: {  	_ =	shalt  }
0x58: {  	_ =	shalt  }
0x59: {  	_ =	shalt  }
0x5a: {  	_ =	shalt  }
0x5b: {  	_ =	shalt  }
0x5c: {  	_ =	shalt  }
0x5d: {  	_ =	shalt  }
0x5e: {  	_ =	shalt  }
0x5f: {  	_ =	shalt  }
0x60: {  	_ =	shalt  }
0x61: {  	_ =	shalt  }
0x62: {  	_ =	shalt  }
0x63: {  	_ =	shalt  }
0x64: {  	_ =	shalt  }
0x65: {  	_ =	shalt  }
0x66: {  	_ =	shalt  }
0x67: {  	_ =	shalt  }
0x68: {  	_ =	shalt  }
0x69: {  	_ =	shalt  }
0x6a: {  	_ =	shalt  }
0x6b: {  	_ =	shalt  }
0x6c: {  	_ =	shalt  }
0x6d: {  	_ =	shalt  }
0x6e: {  	_ =	shalt  }
0x6f: {  	_ =	shalt  }
0x70: {  	_ =	shalt  }
0x71: {  	_ =	shalt  }
0x72: {  	_ =	shalt  }
0x73: {  	_ =	shalt  }
0x74: {  	_ =	shalt  }
0x75: {  	_ =	shalt  }
0x76: {  	_ =	shalt  }
0x77: {  	_ =	shalt  }
0x78: {  	_ =	shalt  }
0x79: {  	_ =	shalt  }
0x7a: {  	_ =	shalt  }
0x7b: {  	_ =	shalt  }
0x7c: {  	_ =	shalt  }
0x7d: {  	_ =	shalt  }
0x7e: {  	_ =	shalt  }
0x7f: {  	_ =	shalt  }
0x80: {  	_ =	shalt  }
0x81: {  	_ =	shalt  }
0x82: {  	_ =	shalt  }
0x83: {  	_ =	shalt  }
0x84: {  	_ =	shalt  }
0x85: {  	_ =	shalt  }
0x86: {  	_ =	shalt  }
0x87: {  	_ =	shalt  }
.Lfunc_end0:
.L_simem_size_0:
called_computation_lowered:
.L_overlay_start_0:
0x88: {  	s2 =	sld [smem:$0x3FD9]  }
0x89: {  	s3 =	sld [smem:$0x3FFE];
	_ =	sdelay $0x1  }
0x8a: {  	s1 =	srdreg.scid  }
0x8b: {  	s0 =	sand.u32 $0x1, s1  }
0x8c: {  	s18 =	sshll.u32 s0, $0xA;
	s2 =	sadd.s32 s3, s2  }
0x8d: {  	s2 =	sadd.s32 s2, s18  }
0x8e: {  	[smem:$0x3FC6] =	sst s2  }
0x8f: {  	_ = 	snop  }
0x90: {  	s2 =	sld [smem:$0x3FC9]  }
0x91: {  	s19 =	sld [smem:$0x3FC8]  }
0x92: {  	s4 =	sld [smem:$0x3FD0];
	(tm) =	ssettm $0x1  }
0x93: {  	s5 =	sld [smem:$0x3FFB];
	_ =	sdelay $0x3  }
0x94: {  	_ =	strace s5  }
0x95: {  	s5 =	sld [smem:$0x3FFC];
	_ =	sdelay $0x3  }
0x96: {  	_ =	strace s5  }
0x97: {  	s5 =	sld [smem:$0x3FFD];
	_ =	sdelay $0x3  }
0x98: {  	_ =	strace s5  }
0x99: {  	_ =	strace $0x8FFFFFFF  }
0x9a: {  	s20 =	sld [smem:$0x3FDB];
	_ =	sdelay $0x1  }
0x9b: {  	s6 =	simm.s32 $_scs_section_size  }
0x9c: {  	s7 =	simm.s32 $_size__tile_overlayer_lowered;
	s8 =	simm.s32 $_tile_overlayer_lowered  }
0x9d: {  	s23 =	simm.s32 $0x1BFF;
	s22 =	sshll.u32 s8, $0x1;
	s5 =	sadd.s32 s6, s20  }
0x9e: {  	s9 =	simm.s32 $0x0;
	s21 =	sshll.u32 s7, $0x1;
	s7 =	sadd.s32 s22, s5  }
0x9f: {  	[timem:s9], [sflag:s23] =	dma.local [hbm:s7], s21  }
0xa0: {  	_ =	swait.ge [sflag:s23], s21  }
0xa1: {  	s6 =	ssub.s32 $0x0, s21;
	[sflag:s23] =	ssyncset.done $0x0  }
0xa2: {  	[sflag:s23] =	ssyncadd.s32 s6;
	_ =	sdelay $0x1  }
0xa3: {  	s24 =	simm.s32 $0x1B8B  }
0xa4: {  	_ =	swait.ge [sflag:s24], $0x1  }
0xa5: {  	[sflag:s24] =	ssyncset.done $0x0  }
0xa6: {  	s25 =	simm.s32 $0x1B8E;
	[sflag:s24] =	ssyncadd.s32 $0xFFFFFFFF  }
0xa7: {  	s26 =	simm.s32 $execute0_lowered;
	[smem:$0x3FD2] =	sst s25  }
0xa8: {  	s6 =	sshll.u32 s26, $0x1;
	_ =	strace $0x80000046;
	[dreg:$0x1] =	wrdreg $0xFFFFFFFF  }
0xa9: {  	s28 =	simm.s32 $_size_execute0_lowered;
	s5 =	sadd.s32 s5, s6;
	[dreg:$0x0] =	wrdreg $0x0  }
0xaa: {  	s6 =	sshll.u32 s28, $0x1;
	[dreg:$0x2] =	wrdreg s5  }
0xab: {  	[dreg:$0x3] =	wrdreg s6  }
0xac: {  	[dreg:$0x4] =	wrdreg $0xC0  }
0xad: {  	_ =	task [dreg:s9], $0x5FFFF  }
0xae: {  	[dreg:$0x1] =	wrdreg $0xFFFFFFFF  }
0xaf: {  	[dreg:$0x0] =	wrdreg $0x60  }
0xb0: {  	[dreg:$0x2] =	wrdreg s2  }
0xb1: {  	[dreg:$0x3] =	wrdreg s19  }
0xb2: {  	[dreg:$0x4] =	wrdreg s4  }
0xb3: {  	[dreg:$0x5] =	wrdreg $0x9  }
0xb4: {  	_ =	task.clear_ibuf [dreg:s9], $0x6FFFF;
	_ =	strace $0x90000046  }
0xb5: {  	s29 =	simm.s32 $0x9;
	_ =	strace $0x80000048  }
0xb6: {  	_ =	swait.ge [sflag:s29], $0x1  }
0xb7: {  	[sflag:s29] =	ssyncadd.s32 $0xFFFFFFFF  }
0xb8: {  	_ =	strace $0x90000048  }
0xb9: {  	_ =	sfence  }
0xba: {  	s30 =	sld [smem:$0x0];
	_ =	sdelay $0x2  }
0xbb: {  	s31 =	sshll.u32 s1, $0xD;
	s1 =	sshrl.u32 s1, $0x2  }
0xbc: {  	s3 =	sand.u32 $0x4000, s31;
	s1 =	sadd.s32 s1, s30  }
0xbd: {  	s0 =	sor.u32 s3, s0;
	s1 =	sshll.u32 s1, $0x11  }
0xbe: {  	s0 =	sor.u32 s1, s0  }
0xbf: {  	s0 =	sadd.s32 $0x8F2B, s0  }
0xc0: {  	[sflag:s0] =	ssyncadd.remote.s32 $0x1  }
0xc1: {  	_ =	sfence.sel $0xFFFF  }
0xc2: {  	[dreg:$0x0] =	wrdreg $0xFFFFFFFF;
	(pc) =	sbr.abs _section_cstart, $3  }
0xc3: {  	[dreg:$0x1] =	wrdreg $0xFFFFFFFF  }
0xc4: {  	_ =	task.clear_ibuf [dreg:s9], $0x2FFFF;
	_ =	strace $0x9FFFFFFF  }
0xc5: {  	(tm) =	ssettm $0x7FFFFFFF  }
tec
execute0_lowered:
.L_overlay_start_1:
0x0: {  	(tag) =	ssettag $0x1  }
0x1: {  	s1 =	rddreg [dreg:$0x0]  }
0x2: {  	s4 =	rddreg [dreg:$0x1]  }
0x3: {  	s30 =	rddreg [dreg:$0x2];
	s0 =	srdreg.scid  }
0x4: {  	s2 =	stileid.u32;
	s5 =	simm.s32 $0x0;
	s0 =	sand.u32 $0x1, s0  }
0x5: {  	s10 =	simm.s32 $0xE000;
	s2 =	sshll.u32 s2, $0x8;
	s3 =	sshll.u32 s0, $0x7  }
0x6: {  	s11 =	simm.s32 $0x10000;
	s13 =	simm.s32 $0x12000;
	s8 =	sor.u32 s3, s2  }
0x7: {  	[smem:$0x7FF] =	sst s5;
	s0 =	ssub.s32 $0x2, s0;
	s6 =	sshll.u32 s8, $0x7  }
0x8: {  	_ =	strace $0x80000047;
	s18 =	sshrl.u32 s0, $0x1;
	s19 =	sadd.s32 s4, s6  }
0x9: {  	s29 =	sshrl.u32 s8, $0x3;
	s7 =	sadd.s32 s1, s6;
	[dreg:$0x4] =	wrdreg s19  }
0xa: {  	s3 =	ssub.s32 s0, s18;
	s31 =	sor.u32 $0x2, s29;
	[dreg:$0x5] =	wrdreg s7  }
0xb: {  	s9 =	simm.s32 $0x2;
	s3 =	smax.u32 s3, $0x1;
	[dreg:$0xe] =	wrdreg s31  }
0xc: {  	s12 =	simm.s32 $0x4;
	s20 =	sadd.s32 $0x80000, s7;
	[dreg:$0x10] =	wrdreg s3  }
0xd: {  	s0 =	smov.u32 s6;
	s21 =	sadd.s32 $0x100000, s7;
	[dreg:$0x6] =	wrdreg s20  }
0xe: {  	s6 =	sor.u32 $0x400, s6;
	s22 =	sadd.s32 $0x180000, s7;
	[dreg:$0x7] =	wrdreg s21  }
0xf: {  	s18 =	sadd.s32 $0x80000, s30;
	s23 =	sadd.s32 s4, s6;
	[dreg:$0x8] =	wrdreg s22  }
0x10: {  	s8 =	simm.s32 $0xC000;
	s24 =	sadd.s32 $0x80400, s7;
	[dreg:$0x9] =	wrdreg s23  }
.Ltmp0:
0x11: {  	s25 =	sadd.s32 s1, s6;
	[dreg:$0xa] =	wrdreg s24;
	(pc) =	sbr.rel .LBB2_1-.Ltmp0, $4  }
0x12: {  	s2 =	smov.u32 s6;
	s26 =	sadd.s32 $0x100400, s7;
	[dreg:$0xb] =	wrdreg s25  }
0x13: {  	s28 =	sadd.s32 $0x180400, s7;
	s19 =	sadd.s32 $0x100000, s30;
	[dreg:$0xc] =	wrdreg s26  }
0x14: {  	s4 =	sor.u32 $0x3, s29;
	s7 =	simm.s32 $0x1;
	[dreg:$0xd] =	wrdreg s28  }
0x15: {  	s20 =	sadd.s32 $0x180000, s30;
	[dreg:$0xf] =	wrdreg s4;
	s4 =	simm.s32 $0x0  }
.LBB2_8:
0x16: {  	s3 =	simm.s32 $0x3  }
0x17: {  	_ =	swait.ge [sflag:s3], $0x2000  }
0x18: {  	[sflag:s3] =	ssyncset.done $0x0  }
0x19: {  	[sflag:s3] =	ssyncadd.s32 $0xFFFFE000  }
0x1a: {  	_ =	swait.ge [sflag:s3], $0x2000  }
0x1b: {  	[sflag:s3] =	ssyncset.done $0x0  }
0x1c: {  	[sflag:s3] =	ssyncadd.s32 $0xFFFFE000  }
0x1d: {  	_ =	swait.ge [sflag:s3], $0x2000  }
0x1e: {  	[sflag:s3] =	ssyncset.done $0x0  }
0x1f: {  	[sflag:s3] =	ssyncadd.s32 $0xFFFFE000  }
0x20: {  	_ =	swait.ge [sflag:s3], $0x2000  }
0x21: {  	[sflag:s3] =	ssyncset.done $0x0  }
0x22: {  	[sflag:s3] =	ssyncadd.s32 $0xFFFFE000  }
0x23: {  	_ =	swait.ge [sflag:s12], $0x2000  }
0x24: {  	[sflag:s12] =	ssyncset.done $0x0  }
0x25: {  	[sflag:s12] =	ssyncadd.s32 $0xFFFFE000  }
0x26: {  	_ =	swait.ge [sflag:s12], $0x2000  }
0x27: {  	[sflag:s12] =	ssyncset.done $0x0  }
0x28: {  	[sflag:s12] =	ssyncadd.s32 $0xFFFFE000  }
0x29: {  	_ =	swait.ge [sflag:s12], $0x2000  }
0x2a: {  	[sflag:s12] =	ssyncset.done $0x0  }
0x2b: {  	[sflag:s12] =	ssyncadd.s32 $0xFFFFE000  }
0x2c: {  	_ =	swait.ge [sflag:s12], $0x2000  }
0x2d: {  	s4 =	rddreg [dreg:$0x11]  }
0x2e: {  	s31 =	rddreg [dreg:$0x10];
	s4 =	sadd.s32 $0x1, s4  }
0x2f: {  	p0 =	sne.s32 s4, s31  }
.Ltmp1:
0x30: {  	_ = 	snop;
	(pc) =	sbr.rel @!p0 .LBB2_9-.Ltmp1, $3  }
0x31: {  	_ =	sdelay $0x1  }
0x32: {  	[sflag:s12] =	ssyncset.done $0x0  }
0x33: {  	[sflag:s12] =	ssyncadd.s32 $0xFFFFE000  }
.LBB2_1:
0x34: {  	[dreg:$0x11] =	wrdreg s4  }
0x35: {  	s3 =	rddreg [dreg:$0x4]  }
0x36: {  	[tilespmem:s5], [sflag:$0x1] =	stream.linear.gather [hbm4b:s3+s5], $0x2000, $0x38;
	[tilespmem:$0x14000] =	vst v63  }
0x37: {  	s6 =	rddreg [dreg:$0x5];
	s14 =	simm.s32 $0x2000  }
0x38: {  	[tilespmem:s14], [sflag:$0x1] =	stream.linear.gather [hbm4b:s6+s5], $0x2000, $0x38;
	[tilespmem:$0x14000] =	vst v63  }
0x39: {  	s15 =	rddreg [dreg:$0x6];
	s16 =	simm.s32 $0x4000  }
0x3a: {  	[tilespmem:s16], [sflag:$0x1] =	stream.linear.gather [hbm4b:s15+s5], $0x2000, $0x38;
	[tilespmem:$0x14000] =	vst v63  }
0x3b: {  	s17 =	rddreg [dreg:$0x7];
	s21 =	simm.s32 $0x6000  }
0x3c: {  	[tilespmem:s21], [sflag:$0x1] =	stream.linear.gather [hbm4b:s17+s5], $0x2000, $0x38;
	[tilespmem:$0x14000] =	vst v63  }
0x3d: {  	s22 =	rddreg [dreg:$0x8];
	s23 =	simm.s32 $0x8000  }
0x3e: {  	[tilespmem:s23], [sflag:$0x1] =	stream.linear.gather [hbm4b:s22+s5], $0x2000, $0x38;
	[tilespmem:$0x14000] =	vst v63  }
0x3f: {  	s24 =	rddreg [dreg:$0x9];
	s25 =	simm.s32 $0xA000  }
0x40: {  	[tilespmem:s25], [sflag:$0x2] =	stream.linear.gather [hbm4b:s24+s5], $0x2000, $0x38;
	[tilespmem:$0x14000] =	vst v63  }
0x41: {  	s26 =	rddreg [dreg:$0xb]  }
0x42: {  	[tilespmem:s8], [sflag:$0x2] =	stream.linear.gather [hbm4b:s26+s5], $0x2000, $0x38;
	[tilespmem:$0x14000] =	vst v63  }
0x43: {  	s28 =	rddreg [dreg:$0xa]  }
0x44: {  	[tilespmem:s10], [sflag:$0x2] =	stream.linear.gather [hbm4b:s28+s5], $0x2000, $0x38;
	[tilespmem:$0x14000] =	vst v63  }
0x45: {  	s29 =	rddreg [dreg:$0xc]  }
0x46: {  	[tilespmem:s11], [sflag:$0x2] =	stream.linear.gather [hbm4b:s29+s5], $0x2000, $0x38;
	[tilespmem:$0x14000] =	vst v63  }
0x47: {  	s31 =	rddreg [dreg:$0xd];
	s14 =	simm.s32 $0x0  }
0x48: {  	[tilespmem:s13], [sflag:$0x2] =	stream.linear.gather [hbm4b:s31+s5], $0x2000, $0x38;
	[tilespmem:$0x14000] =	vst v63  }
.LBB2_2:
0x49: {  	_ =	swait.ge [sflag:s7], $0x2000  }
0x4a: {  	[sflag:s7] =	ssyncset.done $0x0  }
0x4b: {  	[sflag:s7] =	ssyncadd.s32 $0xFFFFE000  }
0x4c: {  	_ =	swait.ge [sflag:s7], $0x2000  }
0x4d: {  	[sflag:s7] =	ssyncset.done $0x0  }
0x4e: {  	[sflag:s7] =	ssyncadd.s32 $0xFFFFE000  }
0x4f: {  	_ =	swait.ge [sflag:s7], $0x2000  }
0x50: {  	[sflag:s7] =	ssyncset.done $0x0  }
0x51: {  	[sflag:s7] =	ssyncadd.s32 $0xFFFFE000  }
0x52: {  	_ =	swait.ge [sflag:s7], $0x2000  }
0x53: {  	[sflag:s7] =	ssyncset.done $0x0  }
0x54: {  	[sflag:s7] =	ssyncadd.s32 $0xFFFFE000  }
0x55: {  	s8 =	simm.s32 $0x0;
	s10 =	simm.s32 $0x0;
	_ =	swait.ge [sflag:s7], $0x2000  }
0x56: {  	s3 =	sand.u32 $0x60, s10;
	s4 =	sand.u32 $0x1C00, s8;
	[sflag:s7] =	ssyncset.done $0x0  }
0x57: {  	s25 =	sor.u32 s3, s4;
	[sflag:s7] =	ssyncadd.s32 $0xFFFFE000  }
0x58: {  	v0 =	vld [tilespmem:s25+$0x10]  }
0x59: {  	v1 =	vld [tilespmem:s25+$0x90]  }
0x5a: {  	v2 =	vld [tilespmem:s25+$0x110]  }
0x5b: {  	v3 =	vld [tilespmem:s25+$0x190]  }
0x5c: {  	v4 =	vld [tilespmem:s25+$0x210]  }
0x5d: {  	v5 =	vld [tilespmem:s25+$0x290]  }
0x5e: {  	v6 =	vld [tilespmem:s25+$0x2010]  }
0x5f: {  	v7 =	vld [tilespmem:s25+$0x4010]  }
0x60: {  	v8 =	vld [tilespmem:s25+$0x6010]  }
0x61: {  	v9 =	vld [tilespmem:s25+$0x8010]  }
0x62: {  	v10 =	vld [tilespmem:s25+$0x2090]  }
0x63: {  	v11 =	vld [tilespmem:s25+$0x4090]  }
0x64: {  	v12 =	vld [tilespmem:s25+$0x6090]  }
0x65: {  	v13 =	vld [tilespmem:s25+$0x8090]  }
0x66: {  	v14 =	vld [tilespmem:s25+$0x2110]  }
0x67: {  	v33 =	vld [tilespmem:s25+$0x2000]  }
0x68: {  	v34 =	vld [tilespmem:s25+$0x4000]  }
0x69: {  	v36 =	vld [tilespmem:s25+$0x6000]  }
0x6a: {  	v37 =	vld [tilespmem:s25+$0x8000]  }
0x6b: {  	v39 =	vld [tilespmem:s25+$0x2080]  }
0x6c: {  	v40 =	vld [tilespmem:s25+$0x4080]  }
0x6d: {  	v41 =	vld [tilespmem:s25+$0x6080]  }
0x6e: {  	v35 =	vld [tilespmem:s25+$0x8080]  }
0x6f: {  	v31 =	vld [tilespmem:s25+$0x2100]  }
0x70: {  	v32 =	vld [tilespmem:s25+$0x4100]  }
0x71: {  	v30 =	vld [tilespmem:s25+$0x6100]  }
0x72: {  	v29 =	vld [tilespmem:s25+$0x8100]  }
0x73: {  	v28 =	vld [tilespmem:s25+$0x2180]  }
0x74: {  	v27 =	vld [tilespmem:s25+$0x4180]  }
0x75: {  	v25 =	vld [tilespmem:s25+$0x6180]  }
0x76: {  	v24 =	vld [tilespmem:s25+$0x8180]  }
0x77: {  	v19 =	vld [tilespmem:s25+$0x2200]  }
0x78: {  	v45 =	vld [tilespmem:s25+$0x0]  }
0x79: {  	s23 =	simm.s32 $0x20;
	s24 =	simm.s32 $0x100;
	v43 =	vld [tilespmem:s25+$0x80]  }
0x7a: {  	s16 =	sand.u32 $0x60, s23;
	s6 =	sand.u32 $0x1C00, s24;
	v38 =	vld [tilespmem:s25+$0x100]  }
0x7b: {  	s26 =	sor.u32 s16, s6;
	v26 =	vld [tilespmem:s25+$0x180]  }
0x7c: {  	v15 =	vld [tilespmem:s26+$0x90]  }
0x7d: {  	v16 =	vld [tilespmem:s26+$0x110]  }
0x7e: {  	v17 =	vld [tilespmem:s26+$0x190]  }
0x7f: {  	v18 =	vld [tilespmem:s26+$0x210]  }
0x80: {  	v23 =	vld [tilespmem:s26+$0x290]  }
0x81: {  	v20 =	vld [tilespmem:s26+$0x2010]  }
0x82: {  	v21 =	vld [tilespmem:s26+$0x4010]  }
0x83: {  	v22 =	vld [tilespmem:s26+$0x6010]  }
0x84: {  	v42 =	vld [tilespmem:s26+$0x8010]  }
0x85: {  	v44 =	vld [tilespmem:s26+$0x2090]  }
0x86: {  	v46 =	vld [tilespmem:s26+$0x4090]  }
0x87: {  	v52 =	vld [tilespmem:s26+$0x6290]  }
0x88: {  	v47 =	vld [tilespmem:s26+$0x6090]  }
0x89: {  	v48 =	vld [tilespmem:s26+$0x8090]  }
0x8a: {  	v49 =	vld [tilespmem:s26+$0x2110];
	v6 =	vmul.f32 $3.200000000e+01, v6  }
0x8b: {  	v57 =	vld [tilespmem:s26+$0x4110];
	v7 =	vmul.f32 $3.200000000e+01, v7  }
0x8c: {  	v58 =	vld [tilespmem:s26+$0x6110];
	v53 =	vmul.f32 $3.200000000e+01, v52;
	v6 =	vadd.f32 v6, v0  }
0x8d: {  	v59 =	vld [tilespmem:s26+$0x8110];
	v8 =	vmul.f32 $3.200000000e+01, v8;
	v7 =	vadd.f32 v7, v0  }
0x8e: {  	v60 =	vld [tilespmem:s26+$0x2190];
	v9 =	vmul.f32 $3.200000000e+01, v9;
	v55 =	vadd.f32 v53, v23;
	[tilespmem:s25+$0x2010] =	vst v6  }
0x8f: {  	v6 =	vadd.f32 v8, v0;
	v8 =	vmul.f32 $3.200000000e+01, v10;
	v10 =	vld [tilespmem:s25+$0x4110];
	[tilespmem:s25+$0x4010] =	vst v7  }
0x90: {  	v0 =	vadd.f32 v9, v0;
	v7 =	vmul.f32 $3.200000000e+01, v11;
	v9 =	vld [tilespmem:s25+$0x6110];
	[tilespmem:s26+$0x6290] =	vst v55  }
0x91: {  	v11 =	vld [tilespmem:s25+$0x8110];
	[tilespmem:s25+$0x6010] =	vst v6;
	v6 =	vadd.f32 v8, v1;
	v8 =	vmul.f32 $3.200000000e+01, v12  }
0x92: {  	v61 =	vld [tilespmem:s26+$0x4190];
	[tilespmem:s25+$0x8010] =	vst v0;
	v0 =	vadd.f32 v7, v1;
	v7 =	vmul.f32 $3.200000000e+01, v13  }
0x93: {  	v12 =	vld [tilespmem:s25+$0x2190];
	[tilespmem:s25+$0x2090] =	vst v6;
	v6 =	vadd.f32 v8, v1;
	v8 =	vmul.f32 $3.200000000e+01, v14  }
0x94: {  	[tilespmem:s25+$0x4090] =	vst v0;
	v0 =	vadd.f32 v7, v1;
	v14 =	vld [tilespmem:s26+$0x10];
	v1 =	vmul.f32 $3.200000000e+01, v10  }
0x95: {  	v13 =	vld [tilespmem:s25+$0x4190];
	[tilespmem:s25+$0x6090] =	vst v6;
	v6 =	vadd.f32 v8, v2;
	v8 =	vmul.f32 $3.200000000e+01, v9  }
0x96: {  	v62 =	vld [tilespmem:s26+$0x8190];
	v20 =	vmul.f32 $3.200000000e+01, v20;
	[tilespmem:s25+$0x8090] =	vst v0;
	v0 =	vadd.f32 v1, v2;
	v1 =	vmul.f32 $3.200000000e+01, v11  }
0x97: {  	v63 =	vld [tilespmem:s26+$0x2210];
	v21 =	vmul.f32 $3.200000000e+01, v21;
	v22 =	vmul.f32 $3.200000000e+01, v22;
	[tilespmem:s25+$0x2110] =	vst v6;
	v6 =	vadd.f32 v8, v2  }
0x98: {  	v33 =	vmul.f32 $3.200000000e+01, v33;
	v34 =	vmul.f32 $3.200000000e+01, v34;
	v7 =	vld [tilespmem:s25+$0x6190];
	[tilespmem:s25+$0x4110] =	vst v0;
	v0 =	vadd.f32 v1, v2  }
0x99: {  	v36 =	vmul.f32 $3.200000000e+01, v36;
	v9 =	vld [tilespmem:s25+$0x8190];
	v8 =	vmul.f32 $3.200000000e+01, v12;
	v20 =	vadd.f32 v20, v14;
	[tilespmem:s25+$0x6110] =	vst v6  }
0x9a: {  	v50 =	vld [tilespmem:s26+$0x2290];
	v33 =	vadd.f32 v33, v45;
	v1 =	vmul.f32 $3.200000000e+01, v13;
	v21 =	vadd.f32 v21, v14;
	[tilespmem:s25+$0x8110] =	vst v0  }
0x9b: {  	v51 =	vld [tilespmem:s26+$0x4290];
	v37 =	vmul.f32 $3.200000000e+01, v37;
	v34 =	vadd.f32 v34, v45;
	v6 =	vadd.f32 v8, v3;
	[tilespmem:s26+$0x2010] =	vst v20  }
0x9c: {  	v42 =	vmul.f32 $3.200000000e+01, v42;
	v36 =	vadd.f32 v36, v45;
	v10 =	vld [tilespmem:s25+$0x2210];
	v0 =	vadd.f32 v1, v3;
	[tilespmem:s26+$0x4010] =	vst v21  }
0x9d: {  	v37 =	vadd.f32 v37, v45;
	v11 =	vld [tilespmem:s25+$0x4210];
	v7 =	vmul.f32 $3.200000000e+01, v7;
	v20 =	vadd.f32 v22, v14;
	[tilespmem:s25+$0x2190] =	vst v6  }
0x9e: {  	v45 =	vmul.f32 $3.200000000e+01, v28;
	v28 =	vld [tilespmem:s26+$0x8100];
	v1 =	vmul.f32 $3.200000000e+01, v9;
	v14 =	vadd.f32 v42, v14;
	[tilespmem:s25+$0x4190] =	vst v0  }
0x9f: {  	v55 =	vmul.f32 $3.200000000e+01, v27;
	v27 =	vld [tilespmem:s26+$0x2180];
	v22 =	vmul.f32 $3.200000000e+01, v44;
	v6 =	vadd.f32 v7, v3;
	[tilespmem:s26+$0x6010] =	vst v20  }
0xa0: {  	v2 =	vld [tilespmem:s25+$0x6210];
	v21 =	vmul.f32 $3.200000000e+01, v46;
	v0 =	vadd.f32 v1, v3;
	[tilespmem:s26+$0x8010] =	vst v14  }
0xa1: {  	v8 =	vld [tilespmem:s25+$0x8210];
	v7 =	vmul.f32 $3.200000000e+01, v10;
	v20 =	vadd.f32 v22, v15;
	[tilespmem:s25+$0x6190] =	vst v6  }
0xa2: {  	v12 =	vld [tilespmem:s25+$0x6200];
	v1 =	vmul.f32 $3.200000000e+01, v11;
	v14 =	vadd.f32 v21, v15;
	[tilespmem:s25+$0x8190] =	vst v0  }
0xa3: {  	v13 =	vld [tilespmem:s25+$0x4200];
	v22 =	vmul.f32 $3.200000000e+01, v47;
	v6 =	vadd.f32 v7, v4;
	[tilespmem:s26+$0x2090] =	vst v20  }
0xa4: {  	v9 =	vld [tilespmem:s25+$0x2290];
	v21 =	vmul.f32 $3.200000000e+01, v48;
	v0 =	vadd.f32 v1, v4;
	[tilespmem:s26+$0x4090] =	vst v14  }
0xa5: {  	v10 =	vld [tilespmem:s25+$0x4290];
	v2 =	vmul.f32 $3.200000000e+01, v2;
	v20 =	vadd.f32 v22, v15;
	[tilespmem:s25+$0x2210] =	vst v6  }
0xa6: {  	v3 =	vld [tilespmem:s25+$0x6290];
	v1 =	vmul.f32 $3.200000000e+01, v8;
	v14 =	vadd.f32 v21, v15;
	[tilespmem:s25+$0x4210] =	vst v0  }
0xa7: {  	v11 =	vld [tilespmem:s25+$0x200];
	v22 =	vmul.f32 $3.200000000e+01, v49;
	v2 =	vadd.f32 v2, v4;
	[tilespmem:s26+$0x6090] =	vst v20  }
0xa8: {  	v7 =	vld [tilespmem:s25+$0x8290];
	v15 =	vmul.f32 $3.200000000e+01, v57;
	v0 =	vadd.f32 v1, v4;
	[tilespmem:s26+$0x8090] =	vst v14  }
0xa9: {  	v8 =	vld [tilespmem:s25+$0x4280];
	v6 =	vmul.f32 $3.200000000e+01, v9;
	v20 =	vadd.f32 v22, v16;
	[tilespmem:s25+$0x6210] =	vst v2  }
0xaa: {  	v21 =	vld [tilespmem:s26+$0x6190];
	v1 =	vmul.f32 $3.200000000e+01, v10;
	v14 =	vadd.f32 v15, v16;
	[tilespmem:s25+$0x8210] =	vst v0  }
0xab: {  	v49 =	vld [tilespmem:s26+$0x4210];
	v22 =	vmul.f32 $3.200000000e+01, v58;
	v2 =	vadd.f32 v6, v5;
	[tilespmem:s26+$0x2110] =	vst v20  }
0xac: {  	v9 =	vld [tilespmem:s25+$0x2280];
	v3 =	vmul.f32 $3.200000000e+01, v3;
	v0 =	vadd.f32 v1, v5;
	[tilespmem:s26+$0x4110] =	vst v14  }
0xad: {  	v10 =	vld [tilespmem:s25+$0x8200];
	v1 =	vmul.f32 $3.200000000e+01, v7;
	v20 =	vadd.f32 v22, v16;
	[tilespmem:s25+$0x2290] =	vst v2  }
0xae: {  	s13 =	sand.u32 $0x3, s8;
	v15 =	vmul.f32 $3.200000000e+01, v59;
	v6 =	vld [tilespmem:s25+$0x8280];
	v22 =	vmul.f32 $3.200000000e+01, v60;
	v2 =	vadd.f32 v3, v5;
	[tilespmem:s25+$0x4290] =	vst v0  }
0xaf: {  	s3 =	sshll.u32 s13, $0x5;
	v7 =	vld [tilespmem:s25+$0x6280];
	v0 =	vadd.f32 v1, v5;
	[tilespmem:s26+$0x6110] =	vst v20  }
0xb0: {  	s28 =	sadd.s32 $0x0, s3;
	v14 =	vadd.f32 v15, v16;
	v16 =	vld [tilespmem:s26+$0x6210];
	v21 =	vmul.f32 $3.200000000e+01, v21;
	v20 =	vadd.f32 v22, v17;
	[tilespmem:s25+$0x6290] =	vst v2  }
0xb1: {  	s3 =	sadd.s32 $0x10, s28;
	v22 =	vld [tilespmem:s26+$0x8210];
	[tilespmem:s25+$0x8290] =	vst v0  }
0xb2: {  	s15 =	sor.u32 $0x300, s3;
	[tilespmem:s26+$0x2190] =	vst v20;
	v20 =	vadd.f32 v21, v17;
	v21 =	vmul.f32 $3.200000000e+01, v63;
	v63 =	vmul.f32 $3.200000000e+01, v30;
	v30 =	vld [tilespmem:s26+$0x4100]  }
0xb3: {  	v0 =	vld [tilespmem:s15+$0x0]  }
0xb4: {  	v15 =	vmul.f32 $3.200000000e+01, v61;
	v1 =	vld [tilespmem:s15+$0x2000]  }
0xb5: {  	v2 =	vld [tilespmem:s15+$0x4000]  }
0xb6: {  	[tilespmem:s26+$0x8110] =	vst v14;
	v14 =	vadd.f32 v15, v17;
	v15 =	vmul.f32 $3.200000000e+01, v62;
	v3 =	vld [tilespmem:s15+$0x6000]  }
0xb7: {  	v4 =	vld [tilespmem:s15+$0x8000]  }
0xb8: {  	[tilespmem:s26+$0x4190] =	vst v14;
	v14 =	vadd.f32 v15, v17;
	v15 =	vmul.f32 $3.200000000e+01, v49;
	v17 =	vadd.f32 v21, v18;
	v21 =	vld [tilespmem:s26+$0x8290]  }
0xb9: {  	[tilespmem:s26+$0x6190] =	vst v20;
	v20 =	vmul.f32 $3.200000000e+01, v16;
	v16 =	vld [tilespmem:s26+$0x2000]  }
0xba: {  	[tilespmem:s26+$0x8190] =	vst v14;
	v15 =	vadd.f32 v15, v18;
	v14 =	vld [tilespmem:s26+$0x4000];
	v22 =	vmul.f32 $3.200000000e+01, v22  }
0xbb: {  	v42 =	vmul.f32 $3.200000000e+01, v50;
	[tilespmem:s26+$0x2210] =	vst v17;
	v20 =	vadd.f32 v20, v18;
	v17 =	vld [tilespmem:s26+$0x6000]  }
0xbc: {  	[tilespmem:s26+$0x4210] =	vst v15;
	v15 =	vld [tilespmem:s26+$0x8000];
	v18 =	vadd.f32 v22, v18;
	v22 =	vmul.f32 $3.200000000e+01, v51  }
0xbd: {  	s17 =	simm.s32 $0x1;
	v42 =	vadd.f32 v42, v23;
	v1 =	vmul.f32 $3.200000000e+01, v1;
	[tilespmem:s26+$0x6210] =	vst v20;
	v20 =	vld [tilespmem:s26+$0x2080]  }
0xbe: {  	s4 =	sand.u32 $0x3, s17;
	[tilespmem:s26+$0x8210] =	vst v18;
	v18 =	vadd.f32 v22, v23;
	v54 =	vmul.f32 $3.200000000e+01, v21;
	v21 =	vld [tilespmem:s26+$0x4080]  }
0xbf: {  	s4 =	sshll.u32 s4, $0x5;
	[tilespmem:s26+$0x2290] =	vst v42;
	v2 =	vmul.f32 $3.200000000e+01, v2;
	v22 =	vld [tilespmem:s26+$0x6080];
	v1 =	vadd.f32 v1, v0  }
0xc0: {  	s22 =	sadd.s32 $0x100, s4;
	v3 =	vmul.f32 $3.200000000e+01, v3;
	v4 =	vmul.f32 $3.200000000e+01, v4;
	[tilespmem:s26+$0x4290] =	vst v18;
	v56 =	vadd.f32 v54, v23;
	v23 =	vld [tilespmem:s26+$0x8080]  }
0xc1: {  	s4 =	sadd.s32 $0x10, s22;
	v2 =	vadd.f32 v2, v0;
	v18 =	vld [tilespmem:s26+$0x2100];
	[tilespmem:s15+$0x2000] =	vst v1  }
0xc2: {  	s21 =	sor.u32 $0x300, s4;
	v1 =	vadd.f32 v3, v0;
	v0 =	vadd.f32 v4, v0;
	v4 =	vld [tilespmem:s25+$0x280];
	[tilespmem:s26+$0x8290] =	vst v56  }
0xc3: {  	[tilespmem:s15+$0x4000] =	vst v2;
	v47 =	vld [tilespmem:s21+$0x0]  }
0xc4: {  	[tilespmem:s15+$0x6000] =	vst v1;
	v48 =	vld [tilespmem:s21+$0x2000]  }
0xc5: {  	s3 =	sor.u32 $0x380, s3;
	[tilespmem:s15+$0x8000] =	vst v0;
	v49 =	vld [tilespmem:s21+$0x4000]  }
0xc6: {  	v1 =	vld [tilespmem:s3+$0x8000]  }
0xc7: {  	v0 =	vld [tilespmem:s3+$0x0]  }
0xc8: {  	s16 =	simm.s32 $0x40;
	s17 =	simm.s32 $0x200;
	v5 =	vld [tilespmem:s3+$0x2000]  }
0xc9: {  	s11 =	sand.u32 $0x60, s16;
	s13 =	sand.u32 $0x1C00, s17;
	v3 =	vld [tilespmem:s3+$0x4000]  }
0xca: {  	s15 =	sor.u32 s11, s13;
	v2 =	vld [tilespmem:s3+$0x6000]  }
0xcb: {  	v50 =	vld [tilespmem:s15+$0x10]  }
0xcc: {  	v51 =	vld [tilespmem:s15+$0x90]  }
0xcd: {  	v52 =	vld [tilespmem:s15+$0x110]  }
0xce: {  	v46 =	vld [tilespmem:s15+$0x190]  }
0xcf: {  	v44 =	vld [tilespmem:s15+$0x210]  }
0xd0: {  	v39 =	vmul.f32 $3.200000000e+01, v39;
	[tilespmem:s25+$0x2000] =	vst v33;
	v42 =	vld [tilespmem:s15+$0x290]  }
0xd1: {  	v40 =	vmul.f32 $3.200000000e+01, v40;
	[tilespmem:s25+$0x4000] =	vst v34;
	v53 =	vld [tilespmem:s15+$0x2010]  }
0xd2: {  	v41 =	vmul.f32 $3.200000000e+01, v41;
	v39 =	vadd.f32 v39, v43;
	[tilespmem:s25+$0x6000] =	vst v36;
	v54 =	vld [tilespmem:s15+$0x4010]  }
0xd3: {  	v35 =	vmul.f32 $3.200000000e+01, v35;
	v40 =	vadd.f32 v40, v43;
	[tilespmem:s25+$0x8000] =	vst v37;
	v57 =	vld [tilespmem:s15+$0x6010]  }
0xd4: {  	v31 =	vmul.f32 $3.200000000e+01, v31;
	v41 =	vadd.f32 v41, v43;
	[tilespmem:s25+$0x2080] =	vst v39;
	v58 =	vld [tilespmem:s15+$0x8010]  }
0xd5: {  	v32 =	vmul.f32 $3.200000000e+01, v32;
	v35 =	vadd.f32 v35, v43;
	[tilespmem:s25+$0x4080] =	vst v40;
	v59 =	vld [tilespmem:s15+$0x2090]  }
0xd6: {  	v31 =	vadd.f32 v31, v38;
	[tilespmem:s25+$0x6080] =	vst v41;
	v12 =	vmul.f32 $3.200000000e+01, v12;
	v61 =	vld [tilespmem:s15+$0x4090]  }
0xd7: {  	v32 =	vadd.f32 v32, v38;
	[tilespmem:s25+$0x8080] =	vst v35;
	v10 =	vmul.f32 $3.200000000e+01, v10;
	v39 =	vld [tilespmem:s15+$0x6090]  }
0xd8: {  	[tilespmem:s25+$0x2100] =	vst v31;
	v12 =	vadd.f32 v12, v11;
	v9 =	vmul.f32 $3.200000000e+01, v9;
	v41 =	vld [tilespmem:s15+$0x2110]  }
0xd9: {  	[tilespmem:s25+$0x4100] =	vst v32;
	v8 =	vmul.f32 $3.200000000e+01, v8;
	v10 =	vadd.f32 v10, v11;
	v35 =	vld [tilespmem:s15+$0x4110]  }
0xda: {  	v7 =	vmul.f32 $3.200000000e+01, v7;
	[tilespmem:s25+$0x6200] =	vst v12;
	v43 =	vld [tilespmem:s15+$0x8110];
	v9 =	vadd.f32 v9, v4  }
0xdb: {  	v6 =	vmul.f32 $3.200000000e+01, v6;
	[tilespmem:s25+$0x8200] =	vst v10;
	v36 =	vld [tilespmem:s15+$0x2190];
	v8 =	vadd.f32 v8, v4;
	v60 =	vmul.f32 $3.200000000e+01, v53  }
0xdc: {  	v7 =	vadd.f32 v7, v4;
	[tilespmem:s25+$0x2280] =	vst v9;
	v62 =	vmul.f32 $3.200000000e+01, v54;
	v53 =	vld [tilespmem:s15+$0x8090];
	v33 =	vmul.f32 $3.200000000e+01, v57  }
0xdd: {  	v4 =	vadd.f32 v6, v4;
	[tilespmem:s25+$0x4280] =	vst v8;
	v34 =	vmul.f32 $3.200000000e+01, v58;
	v54 =	vld [tilespmem:s15+$0x6110];
	v58 =	vmul.f32 $3.200000000e+01, v59  }
0xde: {  	[tilespmem:s25+$0x6280] =	vst v7;
	v59 =	vmul.f32 $3.200000000e+01, v29;
	v29 =	vld [tilespmem:s26+$0x6100];
	v37 =	vadd.f32 v60, v50;
	v40 =	vadd.f32 v62, v50  }
0xdf: {  	[tilespmem:s25+$0x8280] =	vst v4;
	v33 =	vadd.f32 v33, v50;
	v57 =	vadd.f32 v34, v50;
	v50 =	vmul.f32 $3.200000000e+01, v39;
	v39 =	vld [tilespmem:s15+$0x4190]  }
0xe0: {  	v5 =	vmul.f32 $3.200000000e+01, v5;
	v60 =	vadd.f32 v63, v38;
	v63 =	vadd.f32 v59, v38;
	v38 =	vld [tilespmem:s15+$0x6190];
	[tilespmem:s15+$0x2010] =	vst v37  }
0xe1: {  	v61 =	vmul.f32 $3.200000000e+01, v61;
	v62 =	vadd.f32 v58, v51;
	v58 =	vmul.f32 $3.200000000e+01, v48;
	v48 =	vld [tilespmem:s15+$0x8190];
	[tilespmem:s15+$0x4010] =	vst v40  }
0xe2: {  	v4 =	vadd.f32 v5, v0;
	v5 =	vld [tilespmem:s26+$0x280];
	[tilespmem:s15+$0x6010] =	vst v33  }
0xe3: {  	v31 =	vadd.f32 v61, v51;
	v37 =	vld [tilespmem:s21+$0x6000];
	[tilespmem:s15+$0x8010] =	vst v57  }
0xe4: {  	v40 =	vld [tilespmem:s21+$0x8000];
	[tilespmem:s25+$0x6100] =	vst v60  }
0xe5: {  	v41 =	vmul.f32 $3.200000000e+01, v41;
	[tilespmem:s15+$0x4090] =	vst v31;
	v31 =	vld [tilespmem:s26+$0x4180]  }
0xe6: {  	v43 =	vmul.f32 $3.200000000e+01, v43;
	v34 =	vadd.f32 v45, v26;
	[tilespmem:s15+$0x2090] =	vst v62;
	v60 =	vmul.f32 $3.200000000e+01, v49;
	v49 =	vld [tilespmem:s15+$0x2210]  }
0xe7: {  	v41 =	vadd.f32 v41, v52;
	[tilespmem:s25+$0x8100] =	vst v63;
	v33 =	vld [tilespmem:s26+$0x8180]  }
0xe8: {  	v43 =	vadd.f32 v43, v52;
	[tilespmem:s25+$0x2180] =	vst v34;
	v34 =	vadd.f32 v58, v47;
	v58 =	vld [tilespmem:s15+$0x2290]  }
0xe9: {  	v36 =	vmul.f32 $3.200000000e+01, v36;
	v32 =	vadd.f32 v50, v51;
	[tilespmem:s15+$0x2110] =	vst v41;
	v62 =	vmul.f32 $3.200000000e+01, v54;
	v54 =	vld [tilespmem:s15+$0x6210]  }
0xea: {  	[tilespmem:s15+$0x8110] =	vst v43;
	v56 =	vmul.f32 $3.200000000e+01, v53;
	v53 =	vmul.f32 $3.200000000e+01, v25;
	v25 =	vld [tilespmem:s26+$0x4200]  }
0xeb: {  	v1 =	vmul.f32 $3.200000000e+01, v1;
	v57 =	vadd.f32 v55, v26;
	[tilespmem:s15+$0x6090] =	vst v32;
	v32 =	vld [tilespmem:s26+$0x6180]  }
0xec: {  	v36 =	vadd.f32 v36, v46;
	[tilespmem:s21+$0x2000] =	vst v34;
	v34 =	vld [tilespmem:s26+$0x2200]  }
0xed: {  	v35 =	vmul.f32 $3.200000000e+01, v35;
	v1 =	vadd.f32 v1, v0;
	[tilespmem:s25+$0x4180] =	vst v57;
	v57 =	vmul.f32 $3.200000000e+01, v19;
	v19 =	vld [tilespmem:s26+$0x6200]  }
0xee: {  	v55 =	vmul.f32 $3.200000000e+01, v24;
	[tilespmem:s15+$0x2190] =	vst v36;
	v59 =	vadd.f32 v56, v51;
	v51 =	vld [tilespmem:s15+$0x4210]  }
0xef: {  	v63 =	vadd.f32 v35, v52;
	[tilespmem:s3+$0x8000] =	vst v1;
	v41 =	vadd.f32 v62, v52;
	v56 =	vld [tilespmem:s15+$0x8210]  }
0xf0: {  	[tilespmem:s3+$0x2000] =	vst v4;
	v45 =	vadd.f32 v53, v26;
	v26 =	vadd.f32 v55, v26;
	v62 =	vld [tilespmem:s15+$0x4290]  }
0xf1: {  	v3 =	vmul.f32 $3.200000000e+01, v3;
	v2 =	vmul.f32 $3.200000000e+01, v2;
	v61 =	vadd.f32 v60, v47;
	[tilespmem:s15+$0x4110] =	vst v63;
	v52 =	vld [tilespmem:s26+$0x2280]  }
0xf2: {  	[tilespmem:s25+$0x8180] =	vst v26;
	v26 =	vmul.f32 $3.200000000e+01, v48;
	v48 =	vmul.f32 $3.200000000e+01, v49;
	v49 =	vld [tilespmem:s15+$0x6290]  }
0xf3: {  	[tilespmem:s21+$0x4000] =	vst v61;
	v61 =	vmul.f32 $3.200000000e+01, v13;
	v43 =	vmul.f32 $3.200000000e+01, v58;
	v58 =	vld [tilespmem:s26+$0x8280]  }
0xf4: {  	v1 =	vadd.f32 v3, v0;
	v39 =	vmul.f32 $3.200000000e+01, v39;
	[tilespmem:s25+$0x6180] =	vst v45;
	v45 =	vld [tilespmem:s15+$0x8180]  }
0xf5: {  	v0 =	vadd.f32 v2, v0;
	[tilespmem:s15+$0x8090] =	vst v59;
	v59 =	vmul.f32 $3.200000000e+01, v38;
	v63 =	vadd.f32 v61, v11;
	v61 =	vld [tilespmem:s26+$0x100]  }
0xf6: {  	[tilespmem:s15+$0x6110] =	vst v41;
	v60 =	vadd.f32 v39, v46;
	v41 =	vadd.f32 v57, v11;
	v11 =	vld [tilespmem:s26+$0x200]  }
0xf7: {  	[tilespmem:s3+$0x6000] =	vst v0;
	v37 =	vmul.f32 $3.200000000e+01, v37;
	v36 =	vadd.f32 v59, v46;
	v46 =	vadd.f32 v26, v46;
	v26 =	vld [tilespmem:s26+$0x8200]  }
0xf8: {  	v50 =	vmul.f32 $3.200000000e+01, v40;
	[tilespmem:s15+$0x4190] =	vst v60;
	v59 =	vld [tilespmem:s26+$0x0]  }
0xf9: {  	v37 =	vadd.f32 v37, v47;
	[tilespmem:s25+$0x2200] =	vst v41;
	v60 =	vld [tilespmem:s26+$0x80]  }
0xfa: {  	v35 =	vadd.f32 v50, v47;
	v47 =	vld [tilespmem:s15+$0x2200];
	[tilespmem:s25+$0x4200] =	vst v63  }
0xfb: {  	v40 =	vmul.f32 $3.200000000e+01, v51;
	v51 =	vld [tilespmem:s15+$0x8290];
	[tilespmem:s21+$0x6000] =	vst v37  }
0xfc: {  	v53 =	vmul.f32 $3.200000000e+01, v56;
	v56 =	vld [tilespmem:s26+$0x6280];
	[tilespmem:s21+$0x8000] =	vst v35  }
0xfd: {  	v50 =	vadd.f32 v48, v44;
	v57 =	vmul.f32 $3.200000000e+01, v62;
	v62 =	vld [tilespmem:s26+$0x180];
	[tilespmem:s15+$0x6190] =	vst v36  }
0xfe: {  	s31 =	sor.u32 $0x300, s28;
	v43 =	vadd.f32 v43, v42;
	v37 =	vmul.f32 $3.200000000e+01, v54;
	[tilespmem:s15+$0x8190] =	vst v46;
	v54 =	vld [tilespmem:s26+$0x4280]  }
0xff: {  	[tilespmem:s15+$0x2210] =	vst v50;
	v3 =	vld [tilespmem:s31+$0x2000];
	v40 =	vadd.f32 v40, v44  }
0x100: {  	[tilespmem:s15+$0x2290] =	vst v43;
	v2 =	vld [tilespmem:s31+$0x4000];
	v55 =	vadd.f32 v53, v44  }
0x101: {  	v18 =	vmul.f32 $3.200000000e+01, v18;
	v0 =	vld [tilespmem:s31+$0x8000];
	v37 =	vadd.f32 v37, v44;
	[tilespmem:s15+$0x4210] =	vst v40  }
0x102: {  	s13 =	simm.s32 $0x2;
	v43 =	vld [tilespmem:s15+$0x4180];
	v41 =	vmul.f32 $3.200000000e+01, v49;
	v44 =	vadd.f32 v57, v42;
	[tilespmem:s15+$0x8210] =	vst v55  }
0x103: {  	s4 =	sor.u32 $0x380, s4;
	s29 =	sand.u32 $0x3, s13;
	v46 =	vmul.f32 $3.200000000e+01, v52;
	v52 =	vld [tilespmem:s15+$0x6280];
	v18 =	vadd.f32 v18, v61;
	[tilespmem:s15+$0x6210] =	vst v37;
	v39 =	vmul.f32 $3.200000000e+01, v51  }
0x104: {  	s6 =	sshll.u32 s29, $0x5;
	v24 =	vld [tilespmem:s4+$0x8000];
	v41 =	vadd.f32 v41, v42;
	[tilespmem:s15+$0x4290] =	vst v44  }
0x105: {  	s6 =	sadd.s32 $0x200, s6;
	v25 =	vmul.f32 $3.200000000e+01, v25;
	v13 =	vld [tilespmem:s4+$0x0];
	[tilespmem:s26+$0x2100] =	vst v18;
	v39 =	vadd.f32 v39, v42  }
0x106: {  	s29 =	sadd.s32 $0x10, s6;
	v19 =	vmul.f32 $3.200000000e+01, v19;
	v18 =	vld [tilespmem:s15+$0x2100];
	[tilespmem:s15+$0x6290] =	vst v41  }
0x107: {  	v27 =	vmul.f32 $3.200000000e+01, v27;
	s21 =	sor.u32 $0x300, s29;
	v25 =	vadd.f32 v25, v11;
	v44 =	vld [tilespmem:s15+$0x6180];
	[tilespmem:s15+$0x8290] =	vst v39  }
0x108: {  	[tilespmem:s3+$0x4000] =	vst v1;
	v19 =	vadd.f32 v19, v11;
	v48 =	vmul.f32 $3.200000000e+01, v56;
	v12 =	vld [tilespmem:s21+$0x0]  }
0x109: {  	v27 =	vadd.f32 v27, v62;
	[tilespmem:s26+$0x4200] =	vst v25;
	v42 =	vmul.f32 $3.200000000e+01, v34;
	v10 =	vld [tilespmem:s21+$0x2000]  }
0x10a: {  	v40 =	vmul.f32 $3.200000000e+01, v33;
	v26 =	vmul.f32 $3.200000000e+01, v26;
	[tilespmem:s26+$0x6200] =	vst v19;
	v33 =	vadd.f32 v48, v5;
	v9 =	vld [tilespmem:s21+$0x4000]  }
0x10b: {  	v63 =	vmul.f32 $3.200000000e+01, v31;
	[tilespmem:s26+$0x2180] =	vst v27;
	v31 =	vadd.f32 v42, v11;
	v6 =	vld [tilespmem:s21+$0x6000]  }
0x10c: {  	v11 =	vadd.f32 v26, v11;
	v26 =	vmul.f32 $3.200000000e+01, v54;
	[tilespmem:s26+$0x6280] =	vst v33;
	v7 =	vld [tilespmem:s21+$0x8000]  }
0x10d: {  	v49 =	vmul.f32 $3.200000000e+01, v58;
	v25 =	vld [tilespmem:s15+$0x4200];
	v39 =	vmul.f32 $3.200000000e+01, v32;
	v32 =	vadd.f32 v46, v5;
	[tilespmem:s26+$0x2200] =	vst v31  }
0x10e: {  	v51 =	vld [tilespmem:s15+$0x2280];
	v26 =	vadd.f32 v26, v5;
	[tilespmem:s26+$0x8200] =	vst v11;
	v8 =	vmul.f32 $3.200000000e+01, v10  }
0x10f: {  	v56 =	vld [tilespmem:s15+$0x200];
	[tilespmem:s26+$0x2280] =	vst v32;
	v5 =	vadd.f32 v49, v5;
	v4 =	vmul.f32 $3.200000000e+01, v9  }
0x110: {  	v27 =	vld [tilespmem:s15+$0x2180];
	[tilespmem:s26+$0x4280] =	vst v26;
	v6 =	vmul.f32 $3.200000000e+01, v6;
	v1 =	vadd.f32 v8, v12  }
0x111: {  	v54 =	vld [tilespmem:s15+$0x180];
	[tilespmem:s26+$0x8280] =	vst v5;
	v7 =	vmul.f32 $3.200000000e+01, v7;
	v4 =	vadd.f32 v4, v12  }
0x112: {  	v11 =	vld [tilespmem:s15+$0x6200];
	v6 =	vadd.f32 v6, v12;
	[tilespmem:s21+$0x2000] =	vst v1  }
0x113: {  	v26 =	vld [tilespmem:s15+$0x8200];
	v8 =	vmul.f32 $3.200000000e+01, v16;
	v7 =	vadd.f32 v7, v12;
	v12 =	vmul.f32 $3.200000000e+01, v17;
	[tilespmem:s21+$0x4000] =	vst v4  }
0x114: {  	v9 =	vld [tilespmem:s31+$0x6000];
	v17 =	vmul.f32 $3.200000000e+01, v22;
	v22 =	vmul.f32 $3.200000000e+01, v29;
	v29 =	vadd.f32 v39, v62;
	[tilespmem:s21+$0x6000] =	vst v6  }
0x115: {  	v10 =	vld [tilespmem:s4+$0x2000];
	v16 =	vmul.f32 $3.200000000e+01, v21;
	v21 =	vmul.f32 $3.200000000e+01, v30;
	v30 =	vadd.f32 v40, v62;
	[tilespmem:s21+$0x8000] =	vst v7  }
0x116: {  	v1 =	vld [tilespmem:s31+$0x0];
	v8 =	vadd.f32 v8, v59;
	[tilespmem:s26+$0x6180] =	vst v29  }
0x117: {  	v6 =	vld [tilespmem:s4+$0x4000];
	v12 =	vadd.f32 v12, v59;
	[tilespmem:s26+$0x8180] =	vst v30  }
0x118: {  	s25 =	sor.u32 $0x380, s29;
	v4 =	vmul.f32 $3.200000000e+01, v14;
	v14 =	vld [tilespmem:s4+$0x6000];
	v16 =	vadd.f32 v16, v60;
	[tilespmem:s26+$0x2000] =	vst v8  }
0x119: {  	v17 =	vadd.f32 v17, v60;
	v19 =	vld [tilespmem:s25+$0x8000];
	[tilespmem:s26+$0x6000] =	vst v12  }
0x11a: {  	v50 =	vmul.f32 $3.200000000e+01, v0;
	v21 =	vadd.f32 v21, v61;
	v0 =	vld [tilespmem:s25+$0x0];
	[tilespmem:s26+$0x4080] =	vst v16  }
0x11b: {  	v7 =	vmul.f32 $3.200000000e+01, v15;
	v15 =	vmul.f32 $3.200000000e+01, v20;
	v22 =	vadd.f32 v22, v61;
	v8 =	vld [tilespmem:s15+$0x2000];
	[tilespmem:s26+$0x6080] =	vst v17  }
0x11c: {  	v20 =	vmul.f32 $3.200000000e+01, v23;
	v23 =	vmul.f32 $3.200000000e+01, v28;
	v28 =	vadd.f32 v63, v62;
	v12 =	vld [tilespmem:s15+$0x6000];
	[tilespmem:s26+$0x4100] =	vst v21  }
0x11d: {  	v55 =	vmul.f32 $3.200000000e+01, v47;
	v4 =	vadd.f32 v4, v59;
	v16 =	vld [tilespmem:s15+$0x4080];
	[tilespmem:s26+$0x6100] =	vst v22  }
0x11e: {  	v3 =	vmul.f32 $3.200000000e+01, v3;
	v2 =	vmul.f32 $3.200000000e+01, v2;
	v7 =	vadd.f32 v7, v59;
	v17 =	vld [tilespmem:s15+$0x6080];
	[tilespmem:s26+$0x4180] =	vst v28  }
0x11f: {  	v24 =	vmul.f32 $3.200000000e+01, v24;
	v53 =	vmul.f32 $3.200000000e+01, v44;
	v15 =	vadd.f32 v15, v60;
	v21 =	vld [tilespmem:s15+$0x4100];
	[tilespmem:s26+$0x4000] =	vst v4  }
0x120: {  	v25 =	vmul.f32 $3.200000000e+01, v25;
	v10 =	vmul.f32 $3.200000000e+01, v10;
	v20 =	vadd.f32 v20, v60;
	v22 =	vld [tilespmem:s15+$0x6100];
	[tilespmem:s26+$0x8000] =	vst v7  }
0x121: {  	v32 =	vmul.f32 $3.200000000e+01, v51;
	v27 =	vmul.f32 $3.200000000e+01, v27;
	v23 =	vadd.f32 v23, v61;
	v4 =	vld [tilespmem:s15+$0x4000];
	[tilespmem:s26+$0x2080] =	vst v15  }
0x122: {  	v57 =	vmul.f32 $3.200000000e+01, v11;
	v9 =	vmul.f32 $3.200000000e+01, v9;
	v10 =	vadd.f32 v10, v13;
	v7 =	vld [tilespmem:s15+$0x8000];
	[tilespmem:s26+$0x8080] =	vst v20  }
0x123: {  	v15 =	vld [tilespmem:s15+$0x2080];
	[tilespmem:s26+$0x8100] =	vst v23;
	v6 =	vmul.f32 $3.200000000e+01, v6;
	v3 =	vadd.f32 v3, v1;
	v2 =	vadd.f32 v2, v1  }
0x124: {  	v20 =	vld [tilespmem:s15+$0x8080];
	v14 =	vmul.f32 $3.200000000e+01, v14;
	v9 =	vadd.f32 v9, v1;
	v1 =	vadd.f32 v50, v1;
	[tilespmem:s4+$0x2000] =	vst v10  }
0x125: {  	v24 =	vadd.f32 v24, v13;
	v23 =	vld [tilespmem:s15+$0x8100];
	v10 =	vmul.f32 $3.200000000e+01, v43;
	[tilespmem:s31+$0x4000] =	vst v2;
	v2 =	vmul.f32 $3.200000000e+01, v18  }
0x126: {  	s26 =	sor.u32 $0x300, s22;
	v18 =	vmul.f32 $3.200000000e+01, v21;
	v21 =	vld [tilespmem:s15+$0x0];
	[tilespmem:s31+$0x8000] =	vst v1;
	v1 =	vmul.f32 $3.200000000e+01, v19  }
0x127: {  	[tilespmem:s4+$0x8000] =	vst v24;
	v11 =	vld [tilespmem:s26+$0x2000];
	v8 =	vmul.f32 $3.200000000e+01, v8;
	v5 =	vmul.f32 $3.200000000e+01, v12;
	v6 =	vadd.f32 v6, v13  }
0x128: {  	[tilespmem:s31+$0x6000] =	vst v9;
	v9 =	vmul.f32 $3.200000000e+01, v22;
	v22 =	vld [tilespmem:s15+$0x80];
	v13 =	vadd.f32 v14, v13;
	v14 =	vadd.f32 v1, v0  }
0x129: {  	v16 =	vmul.f32 $3.200000000e+01, v16;
	[tilespmem:s31+$0x2000] =	vst v3;
	v19 =	vld [tilespmem:s15+$0x100];
	v4 =	vmul.f32 $3.200000000e+01, v4  }
0x12a: {  	v60 =	vld [tilespmem:s26+$0x6000];
	v3 =	vmul.f32 $3.200000000e+01, v17;
	v7 =	vmul.f32 $3.200000000e+01, v7;
	[tilespmem:s25+$0x8000] =	vst v14;
	v14 =	vadd.f32 v27, v54  }
0x12b: {  	v12 =	vld [tilespmem:s15+$0x4280];
	v15 =	vmul.f32 $3.200000000e+01, v15;
	[tilespmem:s4+$0x4000] =	vst v6;
	v8 =	vadd.f32 v8, v21;
	v4 =	vadd.f32 v4, v21  }
0x12c: {  	v17 =	vmul.f32 $3.200000000e+01, v20;
	v20 =	vld [tilespmem:s15+$0x8280];
	[tilespmem:s4+$0x6000] =	vst v13;
	v5 =	vadd.f32 v5, v21;
	v7 =	vadd.f32 v7, v21  }
0x12d: {  	v63 =	vld [tilespmem:s26+$0x8000];
	v23 =	vmul.f32 $3.200000000e+01, v23;
	v16 =	vadd.f32 v16, v22;
	v58 =	vadd.f32 v3, v22;
	[tilespmem:s15+$0x2000] =	vst v8  }
0x12e: {  	v6 =	vmul.f32 $3.200000000e+01, v45;
	v1 =	vld [tilespmem:s15+$0x280];
	v59 =	vadd.f32 v17, v22;
	v62 =	vadd.f32 v2, v19;
	[tilespmem:s15+$0x4000] =	vst v4  }
0x12f: {  	s28 =	sor.u32 s8, s10;
	v21 =	vmul.f32 $3.200000000e+01, v26;
	v26 =	vld [tilespmem:s26+$0x4000];
	v24 =	vadd.f32 v18, v19;
	v13 =	vadd.f32 v23, v19;
	[tilespmem:s15+$0x6000] =	vst v5  }
0x130: {  	s10 =	sor.u32 $0x380, s28;
	v61 =	vmul.f32 $3.200000000e+01, v12;
	v2 =	vld [tilespmem:s26+$0x0];
	v17 =	vadd.f32 v55, v56;
	v18 =	vadd.f32 v57, v56;
	[tilespmem:s15+$0x8000] =	vst v7  }
0x131: {  	v8 =	vadd.f32 v15, v22;
	v22 =	vadd.f32 v9, v19;
	v4 =	vmul.f32 $3.200000000e+01, v20;
	v20 =	vld [tilespmem:s10+$0x2000];
	[tilespmem:s15+$0x4080] =	vst v16  }
0x132: {  	v9 =	vadd.f32 v10, v54;
	v15 =	vmul.f32 $3.200000000e+01, v11;
	v11 =	vadd.f32 v6, v54;
	v6 =	vld [tilespmem:s10+$0x4000];
	[tilespmem:s15+$0x6080] =	vst v58  }
0x133: {  	v3 =	vmul.f32 $3.200000000e+01, v52;
	v16 =	vadd.f32 v53, v54;
	v10 =	vadd.f32 v25, v56;
	v5 =	vld [tilespmem:s10+$0x6000];
	[tilespmem:s15+$0x8080] =	vst v59  }
0x134: {  	s29 =	sor.u32 s24, s23;
	s31 =	sor.u32 s17, s16;
	v25 =	vmul.f32 $3.200000000e+01, v60;
	v12 =	vadd.f32 v21, v56;
	v7 =	vld [tilespmem:s10+$0x8000];
	[tilespmem:s15+$0x2100] =	vst v62;
	v21 =	vadd.f32 v32, v1  }
0x135: {  	s24 =	sor.u32 $0x300, s6;
	s23 =	sor.u32 $0x380, s29;
	s8 =	sor.u32 $0x380, s31;
	v19 =	vadd.f32 v61, v1;
	[tilespmem:s15+$0x2080] =	vst v8;
	v8 =	vld [tilespmem:s25+$0x2000];
	v23 =	vmul.f32 $3.200000000e+01, v26;
	v26 =	vmul.f32 $3.200000000e+01, v63  }
.LBB2_3:
0x136: {  	s16 =	sadd.s32 $0x20, s16;
	[tilespmem:s15+$0x4100] =	vst v24;
	v24 =	vadd.f32 v3, v1;
	v27 =	vadd.f32 v4, v1;
	v1 =	vld [tilespmem:s25+$0x4000];
	s17 =	sadd.s32 $0x100, s17;
	v3 =	vmul.f32 $3.200000000e+01, v20  }
0x137: {  	v15 =	vadd.f32 v15, v2;
	v20 =	vadd.f32 v23, v2;
	s3 =	sand.u32 $0x60, s16;
	s4 =	sand.u32 $0x1C00, s17;
	s6 =	sor.u32 s17, s16;
	[tilespmem:s15+$0x6100] =	vst v22;
	v4 =	vld [tilespmem:s25+$0x6000];
	v6 =	vmul.f32 $3.200000000e+01, v6  }
0x138: {  	p0 =	slt.u32 s16, $0x3E0;
	s4 =	sor.u32 s3, s4;
	s3 =	sor.u32 $0x380, s6;
	[tilespmem:s15+$0x8100] =	vst v13;
	v13 =	vadd.f32 v25, v2;
	v2 =	vadd.f32 v26, v2;
	v22 =	vld [tilespmem:s10+$0x0];
	v23 =	vmul.f32 $3.200000000e+01, v5  }
0x139: {  	v25 =	vld [tilespmem:s4+$0x10];
	[tilespmem:s15+$0x2180] =	vst v14;
	v14 =	vmul.f32 $3.200000000e+01, v7  }
0x13a: {  	v26 =	vld [tilespmem:s4+$0x90];
	[tilespmem:s15+$0x4180] =	vst v9;
	v5 =	vmul.f32 $3.200000000e+01, v8  }
0x13b: {  	v28 =	vld [tilespmem:s4+$0x110];
	[tilespmem:s15+$0x6180] =	vst v16;
	v16 =	vmul.f32 $3.200000000e+01, v1  }
0x13c: {  	v29 =	vld [tilespmem:s4+$0x190];
	[tilespmem:s15+$0x8180] =	vst v11;
	v1 =	vadd.f32 v5, v0;
	v11 =	vmul.f32 $3.200000000e+01, v4  }
0x13d: {  	v9 =	vld [tilespmem:s4+$0x210];
	[tilespmem:s15+$0x2200] =	vst v17;
	v7 =	vadd.f32 v3, v22;
	v5 =	vadd.f32 v6, v22  }
0x13e: {  	v6 =	vadd.f32 v23, v22;
	v4 =	vadd.f32 v14, v22;
	v8 =	vld [tilespmem:s4+$0x290];
	[tilespmem:s15+$0x4200] =	vst v10  }
0x13f: {  	v3 =	vadd.f32 v16, v0;
	v0 =	vadd.f32 v11, v0;
	v10 =	vld [tilespmem:s4+$0x2010];
	[tilespmem:s15+$0x6200] =	vst v18  }
0x140: {  	v11 =	vld [tilespmem:s4+$0x4010];
	[tilespmem:s15+$0x8200] =	vst v12  }
0x141: {  	v12 =	vld [tilespmem:s4+$0x6010];
	[tilespmem:s15+$0x2280] =	vst v21  }
0x142: {  	v14 =	vld [tilespmem:s4+$0x8010];
	[tilespmem:s15+$0x4280] =	vst v19  }
0x143: {  	v16 =	vld [tilespmem:s4+$0x2090];
	[tilespmem:s15+$0x6280] =	vst v24  }
0x144: {  	v10 =	vmul.f32 $3.200000000e+01, v10;
	v17 =	vld [tilespmem:s4+$0x4090];
	[tilespmem:s15+$0x8280] =	vst v27;
	s15 =	smov.u32 s4  }
0x145: {  	v11 =	vmul.f32 $3.200000000e+01, v11;
	v18 =	vld [tilespmem:s15+$0x6090];
	[tilespmem:s26+$0x2000] =	vst v15  }
0x146: {  	v10 =	vadd.f32 v10, v25;
	v12 =	vmul.f32 $3.200000000e+01, v12;
	v15 =	vld [tilespmem:s15+$0x8090];
	[tilespmem:s26+$0x4000] =	vst v20  }
0x147: {  	v11 =	vadd.f32 v11, v25;
	v14 =	vmul.f32 $3.200000000e+01, v14;
	v19 =	vld [tilespmem:s15+$0x2110];
	[tilespmem:s26+$0x6000] =	vst v13  }
0x148: {  	[tilespmem:s15+$0x2010] =	vst v10;
	v10 =	vadd.f32 v12, v25;
	v12 =	vmul.f32 $3.200000000e+01, v16;
	v13 =	vld [tilespmem:s15+$0x4110]  }
0x149: {  	[tilespmem:s15+$0x4010] =	vst v11;
	v11 =	vadd.f32 v14, v25;
	v14 =	vmul.f32 $3.200000000e+01, v17;
	v16 =	vld [tilespmem:s15+$0x6110]  }
0x14a: {  	[tilespmem:s15+$0x6010] =	vst v10;
	v10 =	vadd.f32 v12, v26;
	v12 =	vmul.f32 $3.200000000e+01, v18;
	v17 =	vld [tilespmem:s15+$0x8110]  }
0x14b: {  	[tilespmem:s15+$0x8010] =	vst v11;
	v11 =	vadd.f32 v14, v26;
	v14 =	vmul.f32 $3.200000000e+01, v15;
	v15 =	vld [tilespmem:s15+$0x2190]  }
0x14c: {  	[tilespmem:s15+$0x2090] =	vst v10;
	v10 =	vadd.f32 v12, v26;
	v12 =	vmul.f32 $3.200000000e+01, v19;
	v18 =	vld [tilespmem:s15+$0x4190]  }
0x14d: {  	[tilespmem:s15+$0x4090] =	vst v11;
	v11 =	vadd.f32 v14, v26;
	v13 =	vmul.f32 $3.200000000e+01, v13;
	v14 =	vld [tilespmem:s15+$0x6190]  }
0x14e: {  	[tilespmem:s15+$0x6090] =	vst v10;
	v10 =	vadd.f32 v12, v28;
	v12 =	vmul.f32 $3.200000000e+01, v16;
	v16 =	vld [tilespmem:s15+$0x8190]  }
0x14f: {  	[tilespmem:s15+$0x8090] =	vst v11;
	v11 =	vadd.f32 v13, v28;
	v13 =	vmul.f32 $3.200000000e+01, v17;
	v17 =	vld [tilespmem:s15+$0x2210]  }
0x150: {  	[tilespmem:s15+$0x2110] =	vst v10;
	v10 =	vadd.f32 v12, v28;
	v12 =	vmul.f32 $3.200000000e+01, v15;
	v15 =	vld [tilespmem:s15+$0x4210]  }
0x151: {  	[tilespmem:s15+$0x4110] =	vst v11;
	v11 =	vadd.f32 v13, v28;
	v13 =	vmul.f32 $3.200000000e+01, v18;
	v18 =	vld [tilespmem:s15+$0x6210]  }
0x152: {  	[tilespmem:s15+$0x6110] =	vst v10;
	v10 =	vadd.f32 v12, v29;
	v12 =	vmul.f32 $3.200000000e+01, v14;
	v14 =	vld [tilespmem:s15+$0x8210]  }
0x153: {  	[tilespmem:s15+$0x8110] =	vst v11;
	v11 =	vadd.f32 v13, v29;
	v13 =	vmul.f32 $3.200000000e+01, v16;
	v16 =	vld [tilespmem:s15+$0x2290]  }
0x154: {  	[tilespmem:s15+$0x2190] =	vst v10;
	v10 =	vadd.f32 v12, v29;
	v12 =	vmul.f32 $3.200000000e+01, v17;
	v17 =	vld [tilespmem:s15+$0x4290]  }
0x155: {  	[tilespmem:s15+$0x4190] =	vst v11;
	v11 =	vadd.f32 v13, v29;
	v13 =	vmul.f32 $3.200000000e+01, v15;
	v15 =	vld [tilespmem:s15+$0x6290]  }
0x156: {  	[tilespmem:s15+$0x6190] =	vst v10;
	v10 =	vadd.f32 v12, v9;
	v12 =	vmul.f32 $3.200000000e+01, v18;
	v18 =	vld [tilespmem:s15+$0x8290]  }
0x157: {  	v19 =	vld [tilespmem:s15+$0x2000];
	[tilespmem:s15+$0x8190] =	vst v11;
	v11 =	vadd.f32 v13, v9;
	v13 =	vmul.f32 $3.200000000e+01, v14  }
0x158: {  	v14 =	vld [tilespmem:s15+$0x4000];
	[tilespmem:s15+$0x2210] =	vst v10;
	v10 =	vadd.f32 v12, v9;
	v12 =	vmul.f32 $3.200000000e+01, v16  }
0x159: {  	v16 =	vld [tilespmem:s15+$0x6000];
	[tilespmem:s15+$0x4210] =	vst v11;
	v9 =	vadd.f32 v13, v9;
	v11 =	vmul.f32 $3.200000000e+01, v17  }
0x15a: {  	s13 =	sadd.s32 $0x1, s13;
	v13 =	vld [tilespmem:s15+$0x8000];
	[tilespmem:s15+$0x6210] =	vst v10;
	v10 =	vadd.f32 v12, v8;
	v12 =	vmul.f32 $3.200000000e+01, v15  }
0x15b: {  	s4 =	sand.u32 $0x3, s13;
	v15 =	vld [tilespmem:s15+$0x2080];
	[tilespmem:s15+$0x8210] =	vst v9;
	v9 =	vadd.f32 v11, v8;
	v11 =	vmul.f32 $3.200000000e+01, v18  }
0x15c: {  	s4 =	sshll.u32 s4, $0x5;
	v17 =	vmul.f32 $3.200000000e+01, v19;
	v18 =	vld [tilespmem:s15+$0x4080];
	[tilespmem:s15+$0x2290] =	vst v10;
	v10 =	vadd.f32 v12, v8  }
0x15d: {  	s4 =	sadd.s32 s4, s17;
	v12 =	vmul.f32 $3.200000000e+01, v14;
	v14 =	vld [tilespmem:s15+$0x6080];
	[tilespmem:s15+$0x4290] =	vst v9;
	v8 =	vadd.f32 v11, v8  }
0x15e: {  	s6 =	sor.u32 $0x300, s4;
	s4 =	sadd.s32 $0x10, s4;
	v9 =	vmul.f32 $3.200000000e+01, v16;
	v11 =	vld [tilespmem:s15+$0x8080];
	[tilespmem:s15+$0x6290] =	vst v10  }
0x15f: {  	s11 =	sor.u32 $0x300, s4;
	v10 =	vmul.f32 $3.200000000e+01, v13;
	v13 =	vld [tilespmem:s15+$0x2100];
	[tilespmem:s15+$0x8290] =	vst v8  }
0x160: {  	v8 =	vmul.f32 $3.200000000e+01, v15;
	v15 =	vld [tilespmem:s11+$0x0];
	[tilespmem:s26+$0x8000] =	vst v2;
	s26 =	smov.u32 s24;
	s24 =	smov.u32 s6  }
0x161: {  	v2 =	vmul.f32 $3.200000000e+01, v18;
	v16 =	vld [tilespmem:s11+$0x2000];
	[tilespmem:s10+$0x2000] =	vst v7  }
0x162: {  	v7 =	vmul.f32 $3.200000000e+01, v14;
	v14 =	vld [tilespmem:s11+$0x4000];
	[tilespmem:s10+$0x4000] =	vst v5  }
0x163: {  	v5 =	vmul.f32 $3.200000000e+01, v11;
	v11 =	vld [tilespmem:s11+$0x6000];
	[tilespmem:s10+$0x6000] =	vst v6  }
0x164: {  	v6 =	vmul.f32 $3.200000000e+01, v13;
	v13 =	vld [tilespmem:s11+$0x8000];
	[tilespmem:s10+$0x8000] =	vst v4;
	s10 =	smov.u32 s23;
	s23 =	smov.u32 s8;
	s8 =	smov.u32 s3  }
0x165: {  	v4 =	vld [tilespmem:s15+$0x4100];
	[tilespmem:s25+$0x2000] =	vst v1  }
0x166: {  	v1 =	vld [tilespmem:s15+$0x6100];
	v16 =	vmul.f32 $3.200000000e+01, v16;
	[tilespmem:s25+$0x4000] =	vst v3  }
0x167: {  	v3 =	vld [tilespmem:s15+$0x8100];
	v14 =	vmul.f32 $3.200000000e+01, v14;
	[tilespmem:s25+$0x6000] =	vst v0  }
0x168: {  	v0 =	vld [tilespmem:s15+$0x2180];
	v16 =	vadd.f32 v16, v15;
	v11 =	vmul.f32 $3.200000000e+01, v11  }
0x169: {  	v18 =	vld [tilespmem:s15+$0x4180];
	v14 =	vadd.f32 v14, v15;
	v13 =	vmul.f32 $3.200000000e+01, v13  }
0x16a: {  	v19 =	vmul.f32 $3.200000000e+01, v4;
	v4 =	vld [tilespmem:s15+$0x6180];
	[tilespmem:s11+$0x2000] =	vst v16;
	v11 =	vadd.f32 v11, v15  }
0x16b: {  	v16 =	vmul.f32 $3.200000000e+01, v1;
	v1 =	vld [tilespmem:s15+$0x8180];
	[tilespmem:s11+$0x4000] =	vst v14;
	v13 =	vadd.f32 v13, v15  }
0x16c: {  	v14 =	vmul.f32 $3.200000000e+01, v3;
	v3 =	vld [tilespmem:s15+$0x2200];
	[tilespmem:s11+$0x6000] =	vst v11  }
0x16d: {  	s25 =	sor.u32 $0x380, s4;
	v11 =	vmul.f32 $3.200000000e+01, v0;
	v15 =	vld [tilespmem:s15+$0x4200];
	[tilespmem:s11+$0x8000] =	vst v13  }
0x16e: {  	v18 =	vmul.f32 $3.200000000e+01, v18;
	v13 =	vld [tilespmem:s25+$0x8000]  }
0x16f: {  	v21 =	vmul.f32 $3.200000000e+01, v4;
	v4 =	vld [tilespmem:s15+$0x6200]  }
0x170: {  	v23 =	vmul.f32 $3.200000000e+01, v1;
	v0 =	vld [tilespmem:s25+$0x0]  }
0x171: {  	v25 =	vmul.f32 $3.200000000e+01, v3;
	v1 =	vld [tilespmem:s15+$0x8200]  }
0x172: {  	v26 =	vmul.f32 $3.200000000e+01, v15;
	v3 =	vld [tilespmem:s15+$0x2280]  }
0x173: {  	v15 =	vld [tilespmem:s15+$0x4280];
	v13 =	vmul.f32 $3.200000000e+01, v13  }
0x174: {  	v27 =	vmul.f32 $3.200000000e+01, v4;
	v4 =	vld [tilespmem:s15+$0x6280]  }
0x175: {  	v20 =	vld [tilespmem:s15+$0x8280];
	v13 =	vadd.f32 v13, v0  }
0x176: {  	v22 =	vld [tilespmem:s15+$0x0];
	v28 =	vmul.f32 $3.200000000e+01, v1  }
0x177: {  	v24 =	vld [tilespmem:s15+$0x80];
	v29 =	vmul.f32 $3.200000000e+01, v3;
	[tilespmem:s25+$0x8000] =	vst v13  }
0x178: {  	v13 =	vld [tilespmem:s15+$0x100];
	v30 =	vmul.f32 $3.200000000e+01, v15  }
0x179: {  	v31 =	vld [tilespmem:s15+$0x180];
	v3 =	vmul.f32 $3.200000000e+01, v4  }
0x17a: {  	v32 =	vld [tilespmem:s15+$0x200];
	v4 =	vmul.f32 $3.200000000e+01, v20  }
0x17b: {  	v15 =	vadd.f32 v17, v22;
	v12 =	vadd.f32 v12, v22;
	v1 =	vld [tilespmem:s15+$0x280]  }
0x17c: {  	v9 =	vadd.f32 v9, v22;
	v10 =	vadd.f32 v10, v22;
	v17 =	vld [tilespmem:s26+$0x2000]  }
0x17d: {  	v8 =	vadd.f32 v8, v24;
	v33 =	vadd.f32 v2, v24;
	[tilespmem:s15+$0x2000] =	vst v15;
	v34 =	vld [tilespmem:s26+$0x4000]  }
0x17e: {  	v7 =	vadd.f32 v7, v24;
	[tilespmem:s15+$0x4000] =	vst v12;
	v12 =	vadd.f32 v5, v24;
	v5 =	vld [tilespmem:s26+$0x6000]  }
0x17f: {  	v35 =	vadd.f32 v6, v13;
	v24 =	vadd.f32 v19, v13;
	[tilespmem:s15+$0x6000] =	vst v9;
	v19 =	vld [tilespmem:s26+$0x8000]  }
0x180: {  	v22 =	vadd.f32 v16, v13;
	v13 =	vadd.f32 v14, v13;
	[tilespmem:s15+$0x8000] =	vst v10;
	v2 =	vld [tilespmem:s26+$0x0]  }
.Ltmp2:
0x181: {  	v14 =	vadd.f32 v11, v31;
	v9 =	vadd.f32 v18, v31;
	[tilespmem:s15+$0x2080] =	vst v8;
	v15 =	vmul.f32 $3.200000000e+01, v17;
	v20 =	vld [tilespmem:s10+$0x2000];
	(pc) =	sbr.rel @p0 .LBB2_3-.Ltmp2, $4  }
0x182: {  	v16 =	vadd.f32 v21, v31;
	v11 =	vadd.f32 v23, v31;
	[tilespmem:s15+$0x4080] =	vst v33;
	v23 =	vmul.f32 $3.200000000e+01, v34;
	v6 =	vld [tilespmem:s10+$0x4000]  }
0x183: {  	v10 =	vadd.f32 v26, v32;
	v17 =	vadd.f32 v25, v32;
	[tilespmem:s15+$0x6080] =	vst v7;
	v25 =	vmul.f32 $3.200000000e+01, v5;
	v5 =	vld [tilespmem:s10+$0x6000]  }
0x184: {  	v18 =	vadd.f32 v27, v32;
	[tilespmem:s15+$0x8080] =	vst v12;
	v12 =	vadd.f32 v28, v32;
	v26 =	vmul.f32 $3.200000000e+01, v19;
	v7 =	vld [tilespmem:s10+$0x8000]  }
0x185: {  	v21 =	vadd.f32 v29, v1;
	v19 =	vadd.f32 v30, v1;
	[tilespmem:s15+$0x2100] =	vst v35;
	v8 =	vld [tilespmem:s25+$0x2000]  }
0x186: {  	[tilespmem:s15+$0x4100] =	vst v24  }
0x187: {  	[tilespmem:s15+$0x6100] =	vst v22  }
0x188: {  	[tilespmem:s15+$0x8100] =	vst v13  }
0x189: {  	[tilespmem:s15+$0x2180] =	vst v14  }
0x18a: {  	[tilespmem:s15+$0x4180] =	vst v9  }
0x18b: {  	[tilespmem:s15+$0x6180] =	vst v16  }
0x18c: {  	[tilespmem:s15+$0x8180] =	vst v11  }
0x18d: {  	[tilespmem:s15+$0x2200] =	vst v17  }
0x18e: {  	[tilespmem:s15+$0x4200] =	vst v10  }
0x18f: {  	[tilespmem:s15+$0x6200] =	vst v18  }
0x190: {  	[tilespmem:s15+$0x8200] =	vst v12  }
0x191: {  	v3 =	vadd.f32 v3, v1;
	[tilespmem:s15+$0x2280] =	vst v21  }
0x192: {  	v1 =	vadd.f32 v4, v1;
	[tilespmem:s15+$0x4280] =	vst v19  }
0x193: {  	[tilespmem:s15+$0x6280] =	vst v3  }
0x194: {  	v3 =	vld [tilespmem:s10+$0x0];
	[tilespmem:s15+$0x8280] =	vst v1  }
0x195: {  	v1 =	vld [tilespmem:s24+$0x2000]  }
0x196: {  	v4 =	vld [tilespmem:s24+$0x4000]  }
0x197: {  	v10 =	vadd.f32 v15, v2;
	v9 =	vld [tilespmem:s24+$0x6000]  }
0x198: {  	v12 =	vadd.f32 v23, v2;
	v11 =	vld [tilespmem:s24+$0x0]  }
0x199: {  	v14 =	vmul.f32 $3.200000000e+01, v20;
	v15 =	vadd.f32 v25, v2;
	[tilespmem:s26+$0x2000] =	vst v10;
	v13 =	vld [tilespmem:s24+$0x8000]  }
0x19a: {  	v2 =	vadd.f32 v26, v2;
	v6 =	vmul.f32 $3.200000000e+01, v6;
	[tilespmem:s26+$0x4000] =	vst v12  }
0x19b: {  	[tilespmem:s26+$0x6000] =	vst v15;
	v12 =	vadd.f32 v14, v3;
	v1 =	vmul.f32 $3.200000000e+01, v1  }
0x19c: {  	v10 =	vld [tilespmem:s25+$0x4000];
	[tilespmem:s26+$0x8000] =	vst v2;
	v6 =	vadd.f32 v6, v3;
	v4 =	vmul.f32 $3.200000000e+01, v4  }
0x19d: {  	v14 =	vld [tilespmem:s25+$0x6000];
	v2 =	vmul.f32 $3.200000000e+01, v9;
	[tilespmem:s10+$0x2000] =	vst v12;
	v1 =	vadd.f32 v1, v11  }
0x19e: {  	v9 =	vld [tilespmem:s23+$0x2000];
	v12 =	vmul.f32 $3.200000000e+01, v13;
	[tilespmem:s10+$0x4000] =	vst v6;
	v4 =	vadd.f32 v4, v11  }
0x19f: {  	v13 =	vld [tilespmem:s23+$0x4000];
	v2 =	vadd.f32 v2, v11;
	[tilespmem:s24+$0x2000] =	vst v1  }
0x1a0: {  	v11 =	vadd.f32 v12, v11;
	v1 =	vmul.f32 $3.200000000e+01, v5;
	v5 =	vld [tilespmem:s23+$0x6000];
	[tilespmem:s24+$0x4000] =	vst v4  }
0x1a1: {  	v10 =	vmul.f32 $3.200000000e+01, v10;
	v4 =	vmul.f32 $3.200000000e+01, v7;
	v7 =	vld [tilespmem:s23+$0x8000];
	[tilespmem:s24+$0x6000] =	vst v2  }
0x1a2: {  	v2 =	vmul.f32 $3.200000000e+01, v8;
	v8 =	vld [tilespmem:s23+$0x0];
	v6 =	vmul.f32 $3.200000000e+01, v14;
	[tilespmem:s24+$0x8000] =	vst v11;
	v1 =	vadd.f32 v1, v3  }
0x1a3: {  	v10 =	vadd.f32 v10, v0;
	v3 =	vadd.f32 v4, v3;
	v4 =	vld [tilespmem:s8+$0x2000]  }
0x1a4: {  	v2 =	vadd.f32 v2, v0;
	v0 =	vadd.f32 v6, v0;
	v6 =	vld [tilespmem:s8+$0x0];
	[tilespmem:s10+$0x6000] =	vst v1  }
0x1a5: {  	v1 =	vld [tilespmem:s8+$0x4000];
	[tilespmem:s10+$0x8000] =	vst v3;
	v3 =	vmul.f32 $3.200000000e+01, v9  }
0x1a6: {  	v9 =	vld [tilespmem:s8+$0x6000];
	[tilespmem:s25+$0x2000] =	vst v2;
	v2 =	vmul.f32 $3.200000000e+01, v13  }
0x1a7: {  	[tilespmem:s25+$0x4000] =	vst v10;
	v10 =	vld [tilespmem:s8+$0x8000];
	v5 =	vmul.f32 $3.200000000e+01, v5;
	v3 =	vadd.f32 v3, v8  }
0x1a8: {  	[tilespmem:s25+$0x6000] =	vst v0;
	v0 =	vmul.f32 $3.200000000e+01, v7;
	v2 =	vadd.f32 v2, v8  }
0x1a9: {  	v5 =	vadd.f32 v5, v8;
	[tilespmem:s23+$0x2000] =	vst v3;
	v3 =	vmul.f32 $3.200000000e+01, v4  }
0x1aa: {  	v0 =	vadd.f32 v0, v8;
	[tilespmem:s23+$0x4000] =	vst v2;
	v1 =	vmul.f32 $3.200000000e+01, v1  }
0x1ab: {  	[tilespmem:s23+$0x6000] =	vst v5;
	v2 =	vmul.f32 $3.200000000e+01, v9;
	v3 =	vadd.f32 v3, v6  }
0x1ac: {  	[tilespmem:s23+$0x8000] =	vst v0;
	v0 =	vmul.f32 $3.200000000e+01, v10;
	v1 =	vadd.f32 v1, v6  }
0x1ad: {  	v2 =	vadd.f32 v2, v6;
	[tilespmem:s8+$0x2000] =	vst v3  }
0x1ae: {  	s16 =	sshll.u32 s14, $0xB;
	v0 =	vadd.f32 v0, v6;
	[tilespmem:s8+$0x4000] =	vst v1  }
0x1af: {  	s3 =	sadd.s32 s0, s16;
	[tilespmem:s8+$0x6000] =	vst v2  }
0x1b0: {  	s6 =	simm.s32 $0x2000;
	s4 =	sadd.s32 s30, s3;
	[tilespmem:s8+$0x8000] =	vst v0  }
0x1b1: {  	[hbm4b:s4+s5] =	stream.linear.scatter [tilespmem:s6], [sflag:$0x3], $0x2000, $0x38;
	[tilespmem:$0x14000] =	vst v63  }
0x1b2: {  	s13 =	simm.s32 $0x4000;
	s11 =	sadd.s32 s3, s18  }
0x1b3: {  	[hbm4b:s11+s5] =	stream.linear.scatter [tilespmem:s13], [sflag:$0x3], $0x2000, $0x38;
	[tilespmem:$0x14000] =	vst v63  }
0x1b4: {  	s17 =	simm.s32 $0x6000;
	s15 =	sadd.s32 s3, s19  }
0x1b5: {  	[hbm4b:s15+s5] =	stream.linear.scatter [tilespmem:s17], [sflag:$0x3], $0x2000, $0x38;
	[tilespmem:$0x14000] =	vst v63  }
0x1b6: {  	s21 =	simm.s32 $0x8000;
	p0 =	seq.s32 s14, $0x7;
	s3 =	sadd.s32 s3, s20  }
0x1b7: {  	[hbm4b:s3+s5] =	stream.linear.scatter [tilespmem:s21], [sflag:$0x3], $0x2000, $0x38;
	[tilespmem:$0x14000] =	vst v63  }
0x1b8: {  	s3 =	simm.s32 @!p0 $0x3  }
0x1b9: {  	_ =	swait.ge @!p0 [sflag:s3], $0x2000  }
0x1ba: {  	[sflag:s3] =	ssyncset.done @!p0 $0x0  }
0x1bb: {  	[sflag:s3] =	ssyncadd.s32 @!p0 $0xFFFFE000  }
0x1bc: {  	_ =	swait.ge @!p0 [sflag:s3], $0x2000  }
0x1bd: {  	[sflag:s3] =	ssyncset.done @!p0 $0x0  }
0x1be: {  	[sflag:s3] =	ssyncadd.s32 @!p0 $0xFFFFE000  }
0x1bf: {  	_ =	swait.ge @!p0 [sflag:s3], $0x2000  }
0x1c0: {  	[sflag:s3] =	ssyncset.done @!p0 $0x0  }
0x1c1: {  	[sflag:s3] =	ssyncadd.s32 @!p0 $0xFFFFE000  }
0x1c2: {  	_ =	swait.ge @!p0 [sflag:s3], $0x2000  }
0x1c3: {  	s15 =	sshll.u32 s14, $0x1;
	s4 =	rddreg [dreg:$0xe];
	[sflag:s3] =	ssyncset.done @!p0 $0x0  }
0x1c4: {  	s4 =	sadd.s32 @!p0 s15, s4;
	[sflag:s3] =	ssyncadd.s32 @!p0 $0xFFFFE000  }
0x1c5: {  	s4 =	sshll.u32 @!p0 s4, $0xA;
	s3 =	rddreg [dreg:$0x1]  }
0x1c6: {  	s6 =	simm.s32 @!p0 $0x0;
	s3 =	sadd.s32 @!p0 s3, s4  }
0x1c7: {  	[tilespmem:s6], [sflag:$0x1] =	stream.linear.gather @!p0 [hbm4b:s3+s6], $0x2000, $0x38;
	[tilespmem:$0x14000] =	vst v63  }
0x1c8: {  	s8 =	simm.s32 @!p0 $0x2000;
	s3 =	sadd.s32 @!p0 s1, s4  }
0x1c9: {  	[tilespmem:s8], [sflag:$0x1] =	stream.linear.gather @!p0 [hbm4b:s3+s6], $0x2000, $0x38;
	[tilespmem:$0x14000] =	vst v63  }
0x1ca: {  	s3 =	sand.u32 @!p0 $0x1FFFFC00, s4  }
0x1cb: {  	s3 =	sadd.s32 @!p0 s1, s3  }
0x1cc: {  	s10 =	simm.s32 @!p0 $0x4000;
	s4 =	sor.u32 @!p0 $0x100000, s4;
	s8 =	sadd.s32 @!p0 $0x80000, s3  }
0x1cd: {  	[tilespmem:s10], [sflag:$0x1] =	stream.linear.gather @!p0 [hbm4b:s8+s6], $0x2000, $0x38;
	[tilespmem:$0x14000] =	vst v63  }
0x1ce: {  	s4 =	sadd.s32 @!p0 s1, s4;
	s8 =	simm.s32 @!p0 $0x6000  }
0x1cf: {  	[tilespmem:s8], [sflag:$0x1] =	stream.linear.gather @!p0 [hbm4b:s4+s6], $0x2000, $0x38;
	[tilespmem:$0x14000] =	vst v63  }
0x1d0: {  	s3 =	sadd.s32 @!p0 $0x180000, s3;
	s4 =	simm.s32 @!p0 $0x8000  }
0x1d1: {  	[tilespmem:s4], [sflag:$0x1] =	stream.linear.gather @!p0 [hbm4b:s3+s6], $0x2000, $0x38;
	[tilespmem:$0x14000] =	vst v63  }
0x1d2: {  	_ =	swait.ge [sflag:s9], $0x2000  }
0x1d3: {  	[sflag:s9] =	ssyncset.done $0x0  }
0x1d4: {  	[sflag:s9] =	ssyncadd.s32 $0xFFFFE000  }
0x1d5: {  	_ =	swait.ge [sflag:s9], $0x2000  }
0x1d6: {  	[sflag:s9] =	ssyncset.done $0x0  }
0x1d7: {  	[sflag:s9] =	ssyncadd.s32 $0xFFFFE000  }
0x1d8: {  	_ =	swait.ge [sflag:s9], $0x2000  }
0x1d9: {  	[sflag:s9] =	ssyncset.done $0x0  }
0x1da: {  	[sflag:s9] =	ssyncadd.s32 $0xFFFFE000  }
0x1db: {  	_ =	swait.ge [sflag:s9], $0x2000  }
0x1dc: {  	[sflag:s9] =	ssyncset.done $0x0  }
0x1dd: {  	[sflag:s9] =	ssyncadd.s32 $0xFFFFE000  }
0x1de: {  	s13 =	simm.s32 $0x0;
	s10 =	simm.s32 $0x0;
	_ =	swait.ge [sflag:s9], $0x2000  }
0x1df: {  	s22 =	sand.u32 $0x60, s13;
	s23 =	sand.u32 $0x1C00, s10;
	[sflag:s9] =	ssyncset.done $0x0  }
0x1e0: {  	s26 =	sor.u32 s22, s23;
	[sflag:s9] =	ssyncadd.s32 $0xFFFFE000  }
0x1e1: {  	v0 =	vld [tilespmem:s26+$0xA010]  }
0x1e2: {  	v1 =	vld [tilespmem:s26+$0xA090]  }
0x1e3: {  	v2 =	vld [tilespmem:s26+$0xA110]  }
0x1e4: {  	v3 =	vld [tilespmem:s26+$0xA190]  }
0x1e5: {  	v4 =	vld [tilespmem:s26+$0xA210]  }
0x1e6: {  	v5 =	vld [tilespmem:s26+$0xA290]  }
0x1e7: {  	v6 =	vld [tilespmem:s26+$0xC010]  }
0x1e8: {  	v7 =	vld [tilespmem:s26+$0xE010]  }
0x1e9: {  	v8 =	vld [tilespmem:s26+$0x10010]  }
0x1ea: {  	v9 =	vld [tilespmem:s26+$0x12010]  }
0x1eb: {  	v10 =	vld [tilespmem:s26+$0xC090]  }
0x1ec: {  	v11 =	vld [tilespmem:s26+$0xE090]  }
0x1ed: {  	v12 =	vld [tilespmem:s26+$0x10090]  }
0x1ee: {  	v13 =	vld [tilespmem:s26+$0x12090]  }
0x1ef: {  	v14 =	vld [tilespmem:s26+$0xC110]  }
0x1f0: {  	v33 =	vld [tilespmem:s26+$0xC000]  }
0x1f1: {  	v34 =	vld [tilespmem:s26+$0xE000]  }
0x1f2: {  	v36 =	vld [tilespmem:s26+$0x10000]  }
0x1f3: {  	v37 =	vld [tilespmem:s26+$0x12000]  }
0x1f4: {  	v39 =	vld [tilespmem:s26+$0xC080]  }
0x1f5: {  	v40 =	vld [tilespmem:s26+$0xE080]  }
0x1f6: {  	v41 =	vld [tilespmem:s26+$0x10080]  }
0x1f7: {  	v35 =	vld [tilespmem:s26+$0x12080]  }
0x1f8: {  	v31 =	vld [tilespmem:s26+$0xC100]  }
0x1f9: {  	v32 =	vld [tilespmem:s26+$0xE100]  }
0x1fa: {  	v30 =	vld [tilespmem:s26+$0x10100]  }
0x1fb: {  	v29 =	vld [tilespmem:s26+$0x12100]  }
0x1fc: {  	v28 =	vld [tilespmem:s26+$0xC180]  }
0x1fd: {  	v27 =	vld [tilespmem:s26+$0xE180]  }
0x1fe: {  	s24 =	sand.u32 $0x3, s10;
	v25 =	vld [tilespmem:s26+$0x10180]  }
0x1ff: {  	s3 =	sshll.u32 s24, $0x5;
	v24 =	vld [tilespmem:s26+$0x12180]  }
0x200: {  	s3 =	sadd.s32 $0x0, s3;
	v19 =	vld [tilespmem:s26+$0xC200]  }
0x201: {  	s31 =	smov.u32 s30;
	s24 =	simm.s32 $0x20;
	s25 =	sadd.s32 $0x10, s3;
	v45 =	vld [tilespmem:s26+$0xA000]  }
0x202: {  	s30 =	sor.u32 $0x300, s25;
	s4 =	sor.u32 $0x380, s25;
	s25 =	simm.s32 $0x100;
	v43 =	vld [tilespmem:s26+$0xA080]  }
0x203: {  	s8 =	sand.u32 $0x60, s24;
	s11 =	sand.u32 $0x1C00, s25;
	v38 =	vld [tilespmem:s26+$0xA100]  }
0x204: {  	s28 =	sor.u32 s8, s11;
	v26 =	vld [tilespmem:s26+$0xA180]  }
0x205: {  	v15 =	vld [tilespmem:s28+$0xA090]  }
0x206: {  	v16 =	vld [tilespmem:s28+$0xA110]  }
0x207: {  	v17 =	vld [tilespmem:s28+$0xA190]  }
0x208: {  	v18 =	vld [tilespmem:s28+$0xA210]  }
0x209: {  	v23 =	vld [tilespmem:s28+$0xA290]  }
0x20a: {  	v20 =	vld [tilespmem:s28+$0xC010]  }
0x20b: {  	v21 =	vld [tilespmem:s28+$0xE010]  }
0x20c: {  	v22 =	vld [tilespmem:s28+$0x10010]  }
0x20d: {  	v42 =	vld [tilespmem:s28+$0x12010]  }
0x20e: {  	v44 =	vld [tilespmem:s28+$0xC090]  }
0x20f: {  	v46 =	vld [tilespmem:s28+$0xE090]  }
0x210: {  	v47 =	vld [tilespmem:s28+$0x10090]  }
0x211: {  	v48 =	vld [tilespmem:s28+$0x12090]  }
0x212: {  	v49 =	vld [tilespmem:s28+$0xC110]  }
0x213: {  	v59 =	vld [tilespmem:s28+$0xE110]  }
0x214: {  	v60 =	vld [tilespmem:s28+$0x10110]  }
0x215: {  	v61 =	vld [tilespmem:s28+$0x12110]  }
0x216: {  	v62 =	vld [tilespmem:s28+$0xC190]  }
0x217: {  	v63 =	vld [tilespmem:s28+$0xE190]  }
0x218: {  	v54 =	vld [tilespmem:s28+$0x10290]  }
0x219: {  	v50 =	vld [tilespmem:s28+$0xC210];
	v6 =	vmul.f32 $3.200000000e+01, v6;
	v7 =	vmul.f32 $3.200000000e+01, v7  }
0x21a: {  	s17 =	simm.s32 $0x1;
	s23 =	simm.s32 $0x40;
	s8 =	simm.s32 $0x200;
	v51 =	vld [tilespmem:s28+$0xE210];
	v8 =	vmul.f32 $3.200000000e+01, v8;
	v39 =	vmul.f32 $3.200000000e+01, v39  }
0x21b: {  	s6 =	sand.u32 $0x3, s17;
	s17 =	sand.u32 $0x60, s23;
	s21 =	sand.u32 $0x1C00, s8;
	v52 =	vld [tilespmem:s28+$0xC290];
	v40 =	vmul.f32 $3.200000000e+01, v40;
	v41 =	vmul.f32 $3.200000000e+01, v41  }
0x21c: {  	s17 =	sor.u32 s17, s21;
	v53 =	vld [tilespmem:s28+$0xE290];
	v35 =	vmul.f32 $3.200000000e+01, v35;
	v6 =	vadd.f32 v6, v0;
	v7 =	vadd.f32 v7, v0  }
0x21d: {  	v55 =	vmul.f32 $3.200000000e+01, v54;
	v54 =	vld [tilespmem:s17+$0xE010];
	v39 =	vadd.f32 v39, v43;
	v40 =	vadd.f32 v40, v43  }
0x21e: {  	v9 =	vmul.f32 $3.200000000e+01, v9;
	v41 =	vadd.f32 v41, v43;
	v35 =	vadd.f32 v35, v43;
	v43 =	vld [tilespmem:s17+$0x12110]  }
0x21f: {  	v57 =	vadd.f32 v55, v23;
	[tilespmem:s26+$0xC010] =	vst v6;
	v6 =	vadd.f32 v8, v0;
	v8 =	vmul.f32 $3.200000000e+01, v10;
	v10 =	vld [tilespmem:s26+$0xE110]  }
0x220: {  	[tilespmem:s26+$0xE010] =	vst v7;
	v0 =	vadd.f32 v9, v0;
	v9 =	vld [tilespmem:s26+$0x10110]  }
0x221: {  	v36 =	vmul.f32 $3.200000000e+01, v36;
	v7 =	vmul.f32 $3.200000000e+01, v11;
	v11 =	vld [tilespmem:s26+$0x12110];
	[tilespmem:s28+$0x10290] =	vst v57  }
0x222: {  	[tilespmem:s26+$0xC080] =	vst v39;
	v39 =	vld [tilespmem:s17+$0x10090]  }
0x223: {  	v36 =	vadd.f32 v36, v45;
	[tilespmem:s26+$0x10080] =	vst v41;
	v41 =	vld [tilespmem:s17+$0xC110]  }
0x224: {  	[tilespmem:s26+$0x12080] =	vst v35;
	v35 =	vld [tilespmem:s17+$0xE110]  }
0x225: {  	[tilespmem:s26+$0x10000] =	vst v36;
	v57 =	vmul.f32 $3.200000000e+01, v30;
	v30 =	vld [tilespmem:s28+$0xE100]  }
0x226: {  	v34 =	vmul.f32 $3.200000000e+01, v34;
	v36 =	vld [tilespmem:s17+$0xC190];
	[tilespmem:s26+$0x10010] =	vst v6;
	v6 =	vadd.f32 v8, v1  }
0x227: {  	v8 =	vmul.f32 $3.200000000e+01, v12;
	[tilespmem:s26+$0x12010] =	vst v0;
	v0 =	vadd.f32 v7, v1;
	v7 =	vmul.f32 $3.200000000e+01, v13;
	v12 =	vld [tilespmem:s26+$0xC190]  }
0x228: {  	v34 =	vadd.f32 v34, v45;
	v13 =	vld [tilespmem:s26+$0xE190];
	[tilespmem:s26+$0xC090] =	vst v6  }
0x229: {  	v6 =	vadd.f32 v8, v1;
	v8 =	vmul.f32 $3.200000000e+01, v14;
	[tilespmem:s26+$0xE090] =	vst v0;
	v0 =	vadd.f32 v7, v1;
	v7 =	vld [tilespmem:s26+$0x10190]  }
0x22a: {  	[tilespmem:s26+$0xE000] =	vst v34;
	v14 =	vld [tilespmem:s28+$0xA010];
	v1 =	vmul.f32 $3.200000000e+01, v10  }
0x22b: {  	v10 =	vld [tilespmem:s26+$0xC210];
	[tilespmem:s26+$0x10090] =	vst v6;
	v6 =	vadd.f32 v8, v2;
	v8 =	vmul.f32 $3.200000000e+01, v9  }
0x22c: {  	v55 =	vmul.f32 $3.200000000e+01, v39;
	v39 =	vld [tilespmem:s17+$0xE190];
	[tilespmem:s26+$0x12090] =	vst v0;
	v0 =	vadd.f32 v1, v2;
	v1 =	vmul.f32 $3.200000000e+01, v11  }
0x22d: {  	v20 =	vmul.f32 $3.200000000e+01, v20;
	v9 =	vld [tilespmem:s26+$0x12190];
	[tilespmem:s26+$0xC110] =	vst v6;
	v6 =	vadd.f32 v8, v2  }
0x22e: {  	v21 =	vmul.f32 $3.200000000e+01, v21;
	v11 =	vld [tilespmem:s26+$0xE210];
	[tilespmem:s26+$0xE110] =	vst v0;
	v0 =	vadd.f32 v1, v2  }
0x22f: {  	v8 =	vmul.f32 $3.200000000e+01, v12;
	v12 =	vld [tilespmem:s26+$0x10200];
	v20 =	vadd.f32 v20, v14;
	[tilespmem:s26+$0x10110] =	vst v6  }
0x230: {  	v1 =	vmul.f32 $3.200000000e+01, v13;
	v2 =	vld [tilespmem:s26+$0x10210];
	v21 =	vadd.f32 v21, v14;
	[tilespmem:s26+$0x12110] =	vst v0  }
0x231: {  	v22 =	vmul.f32 $3.200000000e+01, v22;
	v13 =	vld [tilespmem:s26+$0xE200];
	v6 =	vadd.f32 v8, v3;
	[tilespmem:s28+$0xC010] =	vst v20  }
0x232: {  	v42 =	vmul.f32 $3.200000000e+01, v42;
	v8 =	vld [tilespmem:s26+$0x12210];
	v0 =	vadd.f32 v1, v3;
	[tilespmem:s28+$0xE010] =	vst v21  }
0x233: {  	v7 =	vmul.f32 $3.200000000e+01, v7;
	v1 =	vmul.f32 $3.200000000e+01, v9;
	v9 =	vld [tilespmem:s26+$0xC290];
	v20 =	vadd.f32 v22, v14;
	[tilespmem:s26+$0xC190] =	vst v6  }
0x234: {  	v14 =	vadd.f32 v42, v14;
	v42 =	vmul.f32 $3.200000000e+01, v52;
	v52 =	vld [tilespmem:s17+$0xA110];
	[tilespmem:s26+$0xE190] =	vst v0  }
0x235: {  	v22 =	vmul.f32 $3.200000000e+01, v44;
	v21 =	vmul.f32 $3.200000000e+01, v46;
	v46 =	vld [tilespmem:s17+$0xA190];
	v6 =	vadd.f32 v7, v3;
	[tilespmem:s28+$0x10010] =	vst v20  }
0x236: {  	v44 =	vld [tilespmem:s17+$0xA210];
	v0 =	vadd.f32 v1, v3;
	[tilespmem:s28+$0x12010] =	vst v14  }
0x237: {  	v7 =	vmul.f32 $3.200000000e+01, v10;
	v10 =	vld [tilespmem:s26+$0xE290];
	v20 =	vadd.f32 v22, v15;
	[tilespmem:s26+$0x10190] =	vst v6  }
0x238: {  	v3 =	vld [tilespmem:s26+$0x10290];
	v14 =	vadd.f32 v21, v15;
	[tilespmem:s26+$0x12190] =	vst v0  }
0x239: {  	v1 =	vmul.f32 $3.200000000e+01, v11;
	v11 =	vld [tilespmem:s26+$0xA200];
	v42 =	vadd.f32 v42, v23;
	[tilespmem:s28+$0xC090] =	vst v20  }
0x23a: {  	v22 =	vmul.f32 $3.200000000e+01, v47;
	v21 =	vmul.f32 $3.200000000e+01, v48;
	v6 =	vadd.f32 v7, v4;
	v7 =	vld [tilespmem:s26+$0x12290];
	[tilespmem:s28+$0xE090] =	vst v14  }
0x23b: {  	v0 =	vadd.f32 v1, v4;
	v1 =	vmul.f32 $3.200000000e+01, v8;
	v8 =	vld [tilespmem:s26+$0xE280];
	[tilespmem:s28+$0xC290] =	vst v42  }
0x23c: {  	v2 =	vmul.f32 $3.200000000e+01, v2;
	v20 =	vadd.f32 v22, v15;
	v14 =	vadd.f32 v21, v15;
	v21 =	vld [tilespmem:s28+$0x10190];
	[tilespmem:s26+$0xC210] =	vst v6  }
0x23d: {  	v22 =	vmul.f32 $3.200000000e+01, v49;
	v49 =	vld [tilespmem:s28+$0x12190];
	[tilespmem:s26+$0xE210] =	vst v0  }
0x23e: {  	v42 =	vld [tilespmem:s17+$0xA290];
	v2 =	vadd.f32 v2, v4;
	[tilespmem:s28+$0x10090] =	vst v20  }
0x23f: {  	v15 =	vmul.f32 $3.200000000e+01, v59;
	v59 =	vld [tilespmem:s17+$0x10010];
	v0 =	vadd.f32 v1, v4;
	[tilespmem:s28+$0x12090] =	vst v14  }
0x240: {  	v6 =	vmul.f32 $3.200000000e+01, v9;
	v9 =	vld [tilespmem:s26+$0xC280];
	v20 =	vadd.f32 v22, v16;
	[tilespmem:s26+$0x10210] =	vst v2  }
0x241: {  	v1 =	vmul.f32 $3.200000000e+01, v10;
	v10 =	vld [tilespmem:s26+$0x12200];
	v14 =	vadd.f32 v15, v16;
	[tilespmem:s26+$0x12210] =	vst v0  }
0x242: {  	v22 =	vmul.f32 $3.200000000e+01, v60;
	v60 =	vld [tilespmem:s17+$0x12010];
	v2 =	vadd.f32 v6, v5;
	[tilespmem:s28+$0xC110] =	vst v20  }
0x243: {  	v15 =	vmul.f32 $3.200000000e+01, v61;
	v61 =	vld [tilespmem:s17+$0xC090];
	v0 =	vadd.f32 v1, v5;
	[tilespmem:s28+$0xE110] =	vst v14  }
0x244: {  	v3 =	vmul.f32 $3.200000000e+01, v3;
	v6 =	vld [tilespmem:s26+$0x12280];
	v20 =	vadd.f32 v22, v16;
	[tilespmem:s26+$0xC290] =	vst v2  }
0x245: {  	v1 =	vmul.f32 $3.200000000e+01, v7;
	v7 =	vld [tilespmem:s26+$0x10280];
	v14 =	vadd.f32 v15, v16;
	[tilespmem:s26+$0xE290] =	vst v0  }
0x246: {  	v22 =	vmul.f32 $3.200000000e+01, v62;
	v15 =	vmul.f32 $3.200000000e+01, v63;
	v16 =	vld [tilespmem:s28+$0x10210];
	v2 =	vadd.f32 v3, v5;
	[tilespmem:s28+$0x10110] =	vst v20  }
0x247: {  	v63 =	vld [tilespmem:s17+$0xE090];
	v21 =	vmul.f32 $3.200000000e+01, v21;
	v0 =	vadd.f32 v1, v5;
	[tilespmem:s28+$0x12110] =	vst v14  }
0x248: {  	v20 =	vadd.f32 v22, v17;
	v22 =	vld [tilespmem:s28+$0x12210];
	v14 =	vadd.f32 v15, v17;
	v15 =	vmul.f32 $3.200000000e+01, v49;
	[tilespmem:s26+$0x10290] =	vst v2  }
0x249: {  	v34 =	vmul.f32 $3.200000000e+01, v60;
	v60 =	vmul.f32 $3.200000000e+01, v29;
	v29 =	vld [tilespmem:s28+$0x10100];
	[tilespmem:s26+$0x12290] =	vst v0  }
0x24a: {  	[tilespmem:s28+$0xC190] =	vst v20;
	v20 =	vadd.f32 v21, v17;
	v21 =	vmul.f32 $3.200000000e+01, v50;
	v50 =	vld [tilespmem:s17+$0xA010]  }
0x24b: {  	[tilespmem:s28+$0xE190] =	vst v14;
	v14 =	vadd.f32 v15, v17;
	v15 =	vmul.f32 $3.200000000e+01, v51;
	v51 =	vld [tilespmem:s17+$0xA090]  }
0x24c: {  	v33 =	vmul.f32 $3.200000000e+01, v33;
	v0 =	vld [tilespmem:s30+$0xA000]  }
0x24d: {  	v37 =	vmul.f32 $3.200000000e+01, v37;
	v1 =	vld [tilespmem:s30+$0xC000]  }
0x24e: {  	v31 =	vmul.f32 $3.200000000e+01, v31;
	v32 =	vmul.f32 $3.200000000e+01, v32;
	v33 =	vadd.f32 v33, v45;
	v2 =	vld [tilespmem:s30+$0xE000]  }
0x24f: {  	v37 =	vadd.f32 v37, v45;
	v3 =	vld [tilespmem:s30+$0x10000]  }
0x250: {  	v31 =	vadd.f32 v31, v38;
	v32 =	vadd.f32 v32, v38;
	[tilespmem:s26+$0xC000] =	vst v33;
	v33 =	vmul.f32 $3.200000000e+01, v59;
	v4 =	vld [tilespmem:s30+$0x12000]  }
0x251: {  	v59 =	vmul.f32 $3.200000000e+01, v61;
	v61 =	vadd.f32 v57, v38;
	v45 =	vadd.f32 v60, v38;
	v38 =	vld [tilespmem:s17+$0x10190]  }
0x252: {  	v17 =	vadd.f32 v21, v18;
	v21 =	vld [tilespmem:s28+$0x12290]  }
0x253: {  	[tilespmem:s28+$0x10190] =	vst v20;
	v20 =	vmul.f32 $3.200000000e+01, v16;
	v16 =	vld [tilespmem:s28+$0xC000]  }
0x254: {  	[tilespmem:s28+$0x12190] =	vst v14;
	v15 =	vadd.f32 v15, v18;
	v14 =	vld [tilespmem:s28+$0xE000]  }
0x255: {  	v22 =	vmul.f32 $3.200000000e+01, v22;
	[tilespmem:s28+$0xC210] =	vst v17;
	v17 =	vld [tilespmem:s28+$0x10000]  }
0x256: {  	[tilespmem:s28+$0xE210] =	vst v15;
	v15 =	vld [tilespmem:s28+$0x12000]  }
0x257: {  	[tilespmem:s26+$0x12000] =	vst v37;
	v20 =	vadd.f32 v20, v18;
	v18 =	vadd.f32 v22, v18;
	v22 =	vmul.f32 $3.200000000e+01, v53;
	v53 =	vld [tilespmem:s17+$0xC010]  }
0x258: {  	[tilespmem:s26+$0xE100] =	vst v32;
	v32 =	vadd.f32 v55, v51;
	v55 =	vld [tilespmem:s17+$0x10210]  }
0x259: {  	[tilespmem:s28+$0x10210] =	vst v20;
	v20 =	vld [tilespmem:s28+$0xC080]  }
0x25a: {  	[tilespmem:s26+$0xE080] =	vst v40;
	v56 =	vmul.f32 $3.200000000e+01, v21;
	v21 =	vld [tilespmem:s28+$0xE080]  }
0x25b: {  	v33 =	vadd.f32 v33, v50;
	[tilespmem:s28+$0x12210] =	vst v18;
	v18 =	vadd.f32 v22, v23;
	v22 =	vld [tilespmem:s28+$0x10080]  }
0x25c: {  	v43 =	vmul.f32 $3.200000000e+01, v43;
	v41 =	vmul.f32 $3.200000000e+01, v41;
	[tilespmem:s17+$0x10090] =	vst v32;
	v32 =	vld [tilespmem:s28+$0x10180]  }
0x25d: {  	v36 =	vmul.f32 $3.200000000e+01, v36;
	v1 =	vmul.f32 $3.200000000e+01, v1;
	[tilespmem:s17+$0x10010] =	vst v33;
	v33 =	vld [tilespmem:s28+$0x12180]  }
0x25e: {  	[tilespmem:s26+$0xC100] =	vst v31;
	v41 =	vadd.f32 v41, v52;
	v2 =	vmul.f32 $3.200000000e+01, v2;
	v58 =	vadd.f32 v56, v23;
	v23 =	vld [tilespmem:s28+$0x12080]  }
0x25f: {  	v3 =	vmul.f32 $3.200000000e+01, v3;
	v4 =	vmul.f32 $3.200000000e+01, v4;
	v1 =	vadd.f32 v1, v0;
	[tilespmem:s28+$0xE290] =	vst v18;
	v18 =	vld [tilespmem:s28+$0xC100]  }
0x260: {  	s6 =	sshll.u32 s6, $0x5;
	v43 =	vadd.f32 v43, v52;
	[tilespmem:s17+$0xC110] =	vst v41;
	v2 =	vadd.f32 v2, v0;
	v56 =	vmul.f32 $3.200000000e+01, v54;
	v54 =	vld [tilespmem:s17+$0x10110]  }
0x261: {  	s22 =	sadd.s32 $0x100, s6;
	[tilespmem:s30+$0xC000] =	vst v1;
	v1 =	vadd.f32 v3, v0;
	v0 =	vadd.f32 v4, v0;
	v4 =	vld [tilespmem:s26+$0xA280]  }
0x262: {  	s6 =	sadd.s32 $0x10, s22;
	v36 =	vadd.f32 v36, v46;
	[tilespmem:s17+$0x12110] =	vst v43;
	v62 =	vmul.f32 $3.200000000e+01, v53;
	v53 =	vld [tilespmem:s17+$0x12090]  }
0x263: {  	s11 =	sor.u32 $0x300, s6;
	[tilespmem:s28+$0x12290] =	vst v58;
	v40 =	vadd.f32 v56, v50;
	v56 =	vmul.f32 $3.200000000e+01, v27;
	v27 =	vld [tilespmem:s28+$0xC180]  }
0x264: {  	[tilespmem:s17+$0xC190] =	vst v36;
	v47 =	vld [tilespmem:s11+$0xA000]  }
0x265: {  	[tilespmem:s30+$0xE000] =	vst v2;
	v48 =	vld [tilespmem:s11+$0xC000]  }
0x266: {  	v12 =	vmul.f32 $3.200000000e+01, v12;
	v10 =	vmul.f32 $3.200000000e+01, v10;
	[tilespmem:s30+$0x10000] =	vst v1;
	v49 =	vld [tilespmem:s11+$0xE000]  }
0x267: {  	v58 =	vadd.f32 v34, v50;
	[tilespmem:s30+$0x12000] =	vst v0;
	v37 =	vadd.f32 v62, v50;
	v50 =	vmul.f32 $3.200000000e+01, v28;
	v28 =	vld [tilespmem:s28+$0x12100]  }
0x268: {  	v12 =	vadd.f32 v12, v11;
	[tilespmem:s26+$0x10100] =	vst v61;
	v1 =	vld [tilespmem:s4+$0x12000]  }
0x269: {  	v10 =	vadd.f32 v10, v11;
	[tilespmem:s26+$0x12100] =	vst v45;
	v0 =	vld [tilespmem:s4+$0xA000]  }
0x26a: {  	[tilespmem:s26+$0x10200] =	vst v12;
	v5 =	vld [tilespmem:s4+$0xC000]  }
0x26b: {  	[tilespmem:s26+$0x12200] =	vst v10;
	v3 =	vld [tilespmem:s4+$0xE000]  }
0x26c: {  	v2 =	vld [tilespmem:s4+$0x10000];
	[tilespmem:s17+$0xE010] =	vst v40  }
0x26d: {  	v62 =	vmul.f32 $3.200000000e+01, v63;
	v63 =	vadd.f32 v59, v51;
	v40 =	vld [tilespmem:s11+$0x12000];
	[tilespmem:s17+$0x12010] =	vst v58  }
0x26e: {  	v35 =	vmul.f32 $3.200000000e+01, v35;
	v58 =	vadd.f32 v56, v26;
	[tilespmem:s17+$0xC010] =	vst v37;
	v37 =	vld [tilespmem:s11+$0x10000]  }
0x26f: {  	[tilespmem:s17+$0xC090] =	vst v63;
	v31 =	vadd.f32 v62, v51;
	v63 =	vmul.f32 $3.200000000e+01, v54;
	v54 =	vmul.f32 $3.200000000e+01, v25;
	v25 =	vld [tilespmem:s28+$0xE200]  }
0x270: {  	v9 =	vmul.f32 $3.200000000e+01, v9;
	v34 =	vadd.f32 v50, v26;
	v57 =	vmul.f32 $3.200000000e+01, v53;
	[tilespmem:s26+$0xE180] =	vst v58;
	v53 =	vld [tilespmem:s17+$0xE210]  }
0x271: {  	v8 =	vmul.f32 $3.200000000e+01, v8;
	v50 =	vadd.f32 v35, v52;
	v58 =	vmul.f32 $3.200000000e+01, v19;
	v19 =	vld [tilespmem:s28+$0x10200];
	[tilespmem:s17+$0xE090] =	vst v31  }
0x272: {  	v7 =	vmul.f32 $3.200000000e+01, v7;
	v9 =	vadd.f32 v9, v4;
	[tilespmem:s26+$0xC180] =	vst v34;
	v31 =	vld [tilespmem:s28+$0xE180]  }
0x273: {  	v6 =	vmul.f32 $3.200000000e+01, v6;
	v8 =	vadd.f32 v8, v4;
	[tilespmem:s17+$0xE110] =	vst v50;
	v41 =	vadd.f32 v63, v52;
	v63 =	vld [tilespmem:s17+$0xE290]  }
0x274: {  	v7 =	vadd.f32 v7, v4;
	v50 =	vld [tilespmem:s17+$0x10290];
	[tilespmem:s26+$0xC280] =	vst v9  }
0x275: {  	v4 =	vadd.f32 v6, v4;
	v52 =	vld [tilespmem:s17+$0x12290];
	[tilespmem:s26+$0xE280] =	vst v8  }
0x276: {  	v56 =	vmul.f32 $3.200000000e+01, v24;
	v59 =	vmul.f32 $3.200000000e+01, v48;
	v48 =	vld [tilespmem:s17+$0x12190];
	[tilespmem:s26+$0x10280] =	vst v7  }
0x277: {  	v45 =	vadd.f32 v54, v26;
	v61 =	vmul.f32 $3.200000000e+01, v49;
	v49 =	vld [tilespmem:s17+$0xC210];
	[tilespmem:s26+$0x12280] =	vst v4  }
0x278: {  	v26 =	vadd.f32 v56, v26;
	v60 =	vadd.f32 v57, v51;
	v57 =	vld [tilespmem:s17+$0x12210];
	[tilespmem:s17+$0x10110] =	vst v41  }
0x279: {  	v39 =	vmul.f32 $3.200000000e+01, v39;
	[tilespmem:s26+$0x10180] =	vst v45;
	v45 =	vld [tilespmem:s17+$0x10180]  }
0x27a: {  	v41 =	vadd.f32 v58, v11;
	[tilespmem:s26+$0x12180] =	vst v26;
	v5 =	vmul.f32 $3.200000000e+01, v5;
	v34 =	vadd.f32 v59, v47;
	v59 =	vld [tilespmem:s17+$0xC290]  }
0x27b: {  	v51 =	vmul.f32 $3.200000000e+01, v40;
	[tilespmem:s17+$0x12090] =	vst v60;
	v40 =	vmul.f32 $3.200000000e+01, v53;
	v53 =	vld [tilespmem:s28+$0xC280]  }
0x27c: {  	v62 =	vadd.f32 v61, v47;
	v60 =	vmul.f32 $3.200000000e+01, v38;
	[tilespmem:s26+$0xC200] =	vst v41;
	v4 =	vadd.f32 v5, v0;
	v5 =	vld [tilespmem:s28+$0xA280]  }
0x27d: {  	v1 =	vmul.f32 $3.200000000e+01, v1;
	v61 =	vadd.f32 v39, v46;
	[tilespmem:s11+$0xC000] =	vst v34;
	v34 =	vld [tilespmem:s28+$0xC200]  }
0x27e: {  	v35 =	vadd.f32 v51, v47;
	[tilespmem:s11+$0xE000] =	vst v62;
	v36 =	vadd.f32 v60, v46;
	v60 =	vld [tilespmem:s28+$0xA000]  }
0x27f: {  	v37 =	vmul.f32 $3.200000000e+01, v37;
	v1 =	vadd.f32 v1, v0;
	[tilespmem:s17+$0xE190] =	vst v61;
	v61 =	vld [tilespmem:s28+$0xA080]  }
0x280: {  	v58 =	vmul.f32 $3.200000000e+01, v63;
	v63 =	vld [tilespmem:s28+$0xA180];
	[tilespmem:s11+$0x12000] =	vst v35  }
0x281: {  	v3 =	vmul.f32 $3.200000000e+01, v3;
	v37 =	vadd.f32 v37, v47;
	v39 =	vmul.f32 $3.200000000e+01, v52;
	v52 =	vld [tilespmem:s17+$0xC280];
	[tilespmem:s4+$0x12000] =	vst v1  }
0x282: {  	v62 =	vmul.f32 $3.200000000e+01, v13;
	v54 =	vmul.f32 $3.200000000e+01, v57;
	v57 =	vld [tilespmem:s28+$0x10280];
	[tilespmem:s4+$0xC000] =	vst v4  }
0x283: {  	v2 =	vmul.f32 $3.200000000e+01, v2;
	v40 =	vadd.f32 v40, v44;
	[tilespmem:s11+$0x10000] =	vst v37;
	v37 =	vmul.f32 $3.200000000e+01, v55;
	v55 =	vld [tilespmem:s28+$0xE280]  }
0x284: {  	v26 =	vmul.f32 $3.200000000e+01, v48;
	v1 =	vadd.f32 v3, v0;
	v48 =	vadd.f32 v62, v11;
	[tilespmem:s17+$0x10190] =	vst v36;
	v62 =	vld [tilespmem:s28+$0xA100]  }
0x285: {  	s6 =	sor.u32 $0x380, s6;
	v41 =	vmul.f32 $3.200000000e+01, v50;
	v0 =	vadd.f32 v2, v0;
	v11 =	vld [tilespmem:s28+$0xA200];
	[tilespmem:s17+$0xE210] =	vst v40  }
0x286: {  	v24 =	vld [tilespmem:s6+$0x12000];
	[tilespmem:s4+$0xE000] =	vst v1  }
0x287: {  	v41 =	vadd.f32 v41, v42;
	v13 =	vld [tilespmem:s6+$0xA000];
	[tilespmem:s4+$0x10000] =	vst v0  }
0x288: {  	v49 =	vmul.f32 $3.200000000e+01, v49;
	v39 =	vadd.f32 v39, v42;
	v46 =	vadd.f32 v26, v46;
	v26 =	vld [tilespmem:s28+$0x12200];
	[tilespmem:s26+$0xE200] =	vst v48  }
0x289: {  	v43 =	vmul.f32 $3.200000000e+01, v59;
	v59 =	vld [tilespmem:s28+$0x12280];
	[tilespmem:s17+$0x10290] =	vst v41  }
0x28a: {  	v51 =	vadd.f32 v49, v44;
	v56 =	vadd.f32 v54, v44;
	v54 =	vld [tilespmem:s17+$0xA180];
	[tilespmem:s17+$0x12290] =	vst v39  }
0x28b: {  	v48 =	vld [tilespmem:s17+$0xC200];
	[tilespmem:s17+$0x12190] =	vst v46  }
0x28c: {  	s3 =	sor.u32 $0x300, s3;
	v37 =	vadd.f32 v37, v44;
	v47 =	vmul.f32 $3.200000000e+01, v53;
	v53 =	vld [tilespmem:s17+$0xA000];
	[tilespmem:s17+$0xC210] =	vst v51  }
0x28d: {  	s29 =	simm.s32 $0x2;
	v27 =	vmul.f32 $3.200000000e+01, v27;
	v44 =	vadd.f32 v58, v42;
	[tilespmem:s17+$0x12210] =	vst v56;
	v3 =	vld [tilespmem:s3+$0xC000]  }
0x28e: {  	s21 =	sand.u32 $0x3, s29;
	v43 =	vadd.f32 v43, v42;
	v2 =	vld [tilespmem:s3+$0xE000];
	[tilespmem:s17+$0x10210] =	vst v37  }
0x28f: {  	v18 =	vmul.f32 $3.200000000e+01, v18;
	s11 =	sshll.u32 s21, $0x5;
	v1 =	vld [tilespmem:s3+$0x10000];
	v27 =	vadd.f32 v27, v63;
	[tilespmem:s17+$0xE290] =	vst v44  }
0x290: {  	v25 =	vmul.f32 $3.200000000e+01, v25;
	s11 =	sadd.s32 $0x200, s11;
	v40 =	vmul.f32 $3.200000000e+01, v32;
	v0 =	vld [tilespmem:s3+$0x12000];
	v32 =	vadd.f32 v47, v5;
	[tilespmem:s17+$0xC290] =	vst v43  }
0x291: {  	v19 =	vmul.f32 $3.200000000e+01, v19;
	s21 =	sadd.s32 $0x10, s11;
	v46 =	vld [tilespmem:s17+$0x12180];
	v18 =	vadd.f32 v18, v62;
	[tilespmem:s28+$0xC180] =	vst v27  }
0x292: {  	s30 =	sor.u32 $0x300, s21;
	v44 =	vld [tilespmem:s17+$0xE180];
	v49 =	vmul.f32 $3.200000000e+01, v57;
	v25 =	vadd.f32 v25, v11;
	[tilespmem:s28+$0xC280] =	vst v32  }
0x293: {  	v43 =	vmul.f32 $3.200000000e+01, v34;
	v19 =	vadd.f32 v19, v11;
	v10 =	vld [tilespmem:s30+$0xC000];
	[tilespmem:s28+$0xC100] =	vst v18  }
0x294: {  	v42 =	vmul.f32 $3.200000000e+01, v33;
	v9 =	vld [tilespmem:s30+$0xE000];
	v26 =	vmul.f32 $3.200000000e+01, v26;
	v33 =	vadd.f32 v49, v5;
	[tilespmem:s28+$0xE200] =	vst v25  }
0x295: {  	v39 =	vmul.f32 $3.200000000e+01, v31;
	v12 =	vld [tilespmem:s30+$0xA000];
	v24 =	vmul.f32 $3.200000000e+01, v24;
	v31 =	vadd.f32 v43, v11;
	[tilespmem:s28+$0x10200] =	vst v19  }
0x296: {  	v6 =	vld [tilespmem:s30+$0x10000];
	v11 =	vadd.f32 v26, v11;
	v26 =	vmul.f32 $3.200000000e+01, v55;
	[tilespmem:s28+$0x10280] =	vst v33  }
0x297: {  	v7 =	vld [tilespmem:s30+$0x12000];
	v50 =	vmul.f32 $3.200000000e+01, v59;
	v24 =	vadd.f32 v24, v13;
	[tilespmem:s28+$0xC200] =	vst v31  }
0x298: {  	v27 =	vld [tilespmem:s17+$0xC180];
	v26 =	vadd.f32 v26, v5;
	[tilespmem:s28+$0x12200] =	vst v11;
	v8 =	vmul.f32 $3.200000000e+01, v10  }
0x299: {  	v18 =	vld [tilespmem:s17+$0xC100];
	v5 =	vadd.f32 v50, v5;
	[tilespmem:s6+$0x12000] =	vst v24;
	v4 =	vmul.f32 $3.200000000e+01, v9;
	v9 =	vmul.f32 $3.200000000e+01, v16  }
0x29a: {  	v25 =	vld [tilespmem:s17+$0xE200];
	v16 =	vmul.f32 $3.200000000e+01, v21;
	v21 =	vmul.f32 $3.200000000e+01, v30;
	v30 =	vadd.f32 v42, v63;
	[tilespmem:s28+$0xE280] =	vst v26  }
0x29b: {  	v11 =	vld [tilespmem:s17+$0x10200];
	v6 =	vmul.f32 $3.200000000e+01, v6;
	[tilespmem:s28+$0x12280] =	vst v5;
	v8 =	vadd.f32 v8, v12  }
0x29c: {  	v7 =	vmul.f32 $3.200000000e+01, v7;
	v10 =	vld [tilespmem:s6+$0xC000];
	v4 =	vadd.f32 v4, v12;
	[tilespmem:s28+$0x12180] =	vst v30  }
0x29d: {  	v26 =	vld [tilespmem:s17+$0x12200];
	v6 =	vadd.f32 v6, v12;
	[tilespmem:s30+$0xC000] =	vst v8  }
0x29e: {  	v7 =	vadd.f32 v7, v12;
	v8 =	vld [tilespmem:s3+$0xA000];
	[tilespmem:s30+$0xE000] =	vst v4  }
0x29f: {  	v9 =	vadd.f32 v9, v60;
	[tilespmem:s30+$0x10000] =	vst v6;
	v6 =	vld [tilespmem:s6+$0xE000]  }
0x2a0: {  	v16 =	vadd.f32 v16, v61;
	v4 =	vmul.f32 $3.200000000e+01, v14;
	[tilespmem:s30+$0x12000] =	vst v7;
	v14 =	vld [tilespmem:s6+$0x10000]  }
0x2a1: {  	v12 =	vmul.f32 $3.200000000e+01, v17;
	v21 =	vadd.f32 v21, v62;
	[tilespmem:s28+$0xC000] =	vst v9;
	v9 =	vld [tilespmem:s17+$0xC000]  }
0x2a2: {  	v17 =	vmul.f32 $3.200000000e+01, v22;
	v22 =	vmul.f32 $3.200000000e+01, v29;
	v29 =	vadd.f32 v40, v63;
	[tilespmem:s28+$0xE080] =	vst v16;
	v16 =	vld [tilespmem:s17+$0xE080]  }
0x2a3: {  	s26 =	sor.u32 $0x380, s21;
	v12 =	vadd.f32 v12, v60;
	[tilespmem:s28+$0xE100] =	vst v21;
	v21 =	vld [tilespmem:s17+$0xE100]  }
0x2a4: {  	v51 =	vmul.f32 $3.200000000e+01, v0;
	v17 =	vadd.f32 v17, v61;
	[tilespmem:s28+$0x10180] =	vst v29;
	v19 =	vld [tilespmem:s26+$0x12000]  }
0x2a5: {  	v7 =	vmul.f32 $3.200000000e+01, v15;
	v15 =	vmul.f32 $3.200000000e+01, v20;
	v22 =	vadd.f32 v22, v62;
	v0 =	vld [tilespmem:s26+$0xA000];
	[tilespmem:s28+$0x10000] =	vst v12  }
0x2a6: {  	v20 =	vmul.f32 $3.200000000e+01, v23;
	v23 =	vmul.f32 $3.200000000e+01, v28;
	v28 =	vadd.f32 v39, v63;
	v12 =	vld [tilespmem:s17+$0x10000];
	[tilespmem:s28+$0x10080] =	vst v17  }
0x2a7: {  	v4 =	vadd.f32 v4, v60;
	v17 =	vld [tilespmem:s17+$0x10080];
	[tilespmem:s28+$0x10100] =	vst v22  }
0x2a8: {  	v32 =	vmul.f32 $3.200000000e+01, v52;
	v3 =	vmul.f32 $3.200000000e+01, v3;
	v7 =	vadd.f32 v7, v60;
	v22 =	vld [tilespmem:s17+$0x10100];
	[tilespmem:s28+$0xE180] =	vst v28  }
0x2a9: {  	v2 =	vmul.f32 $3.200000000e+01, v2;
	v1 =	vmul.f32 $3.200000000e+01, v1;
	v15 =	vadd.f32 v15, v61;
	[tilespmem:s28+$0xE000] =	vst v4;
	v4 =	vld [tilespmem:s17+$0xE000]  }
0x2aa: {  	v55 =	vmul.f32 $3.200000000e+01, v48;
	v18 =	vmul.f32 $3.200000000e+01, v18;
	v20 =	vadd.f32 v20, v61;
	[tilespmem:s28+$0x12000] =	vst v7;
	v7 =	vld [tilespmem:s17+$0x12000]  }
0x2ab: {  	v25 =	vmul.f32 $3.200000000e+01, v25;
	v29 =	vmul.f32 $3.200000000e+01, v45;
	v23 =	vadd.f32 v23, v62;
	[tilespmem:s28+$0xC080] =	vst v15;
	v15 =	vld [tilespmem:s17+$0xC080]  }
0x2ac: {  	v56 =	vmul.f32 $3.200000000e+01, v11;
	v10 =	vmul.f32 $3.200000000e+01, v10;
	[tilespmem:s28+$0x12080] =	vst v20;
	v20 =	vld [tilespmem:s17+$0x12080];
	v3 =	vadd.f32 v3, v8  }
0x2ad: {  	v28 =	vmul.f32 $3.200000000e+01, v44;
	v26 =	vmul.f32 $3.200000000e+01, v26;
	[tilespmem:s28+$0x12100] =	vst v23;
	v23 =	vld [tilespmem:s17+$0x12100];
	s28 =	sor.u32 $0x300, s22;
	v2 =	vadd.f32 v2, v8  }
0x2ae: {  	v6 =	vmul.f32 $3.200000000e+01, v6;
	v14 =	vmul.f32 $3.200000000e+01, v14;
	v1 =	vadd.f32 v1, v8;
	v11 =	vld [tilespmem:s28+$0xC000];
	[tilespmem:s3+$0xC000] =	vst v3  }
0x2af: {  	v9 =	vmul.f32 $3.200000000e+01, v9;
	v8 =	vadd.f32 v51, v8;
	v58 =	vld [tilespmem:s28+$0xE000];
	v19 =	vmul.f32 $3.200000000e+01, v19;
	[tilespmem:s3+$0xE000] =	vst v2  }
0x2b0: {  	v61 =	vld [tilespmem:s28+$0x10000];
	v5 =	vmul.f32 $3.200000000e+01, v12;
	v2 =	vmul.f32 $3.200000000e+01, v17;
	[tilespmem:s3+$0x10000] =	vst v1;
	v1 =	vadd.f32 v10, v13  }
0x2b1: {  	[tilespmem:s3+$0x12000] =	vst v8;
	v8 =	vmul.f32 $3.200000000e+01, v22;
	v22 =	vld [tilespmem:s17+$0xA080];
	v6 =	vadd.f32 v6, v13;
	v13 =	vadd.f32 v14, v13  }
0x2b2: {  	v12 =	vld [tilespmem:s17+$0xE280];
	v9 =	vadd.f32 v9, v53;
	v4 =	vmul.f32 $3.200000000e+01, v4;
	v7 =	vmul.f32 $3.200000000e+01, v7;
	[tilespmem:s6+$0xC000] =	vst v1  }
0x2b3: {  	v14 =	vadd.f32 v19, v0;
	v19 =	vld [tilespmem:s17+$0xA200];
	v3 =	vmul.f32 $3.200000000e+01, v15;
	v15 =	vmul.f32 $3.200000000e+01, v16;
	[tilespmem:s6+$0xE000] =	vst v6  }
0x2b4: {  	v10 =	vmul.f32 $3.200000000e+01, v23;
	v23 =	vmul.f32 $3.200000000e+01, v27;
	v27 =	vld [tilespmem:s17+$0xA100];
	[tilespmem:s6+$0x10000] =	vst v13;
	v5 =	vadd.f32 v5, v53  }
0x2b5: {  	v17 =	vmul.f32 $3.200000000e+01, v20;
	v20 =	vld [tilespmem:s17+$0x12280];
	[tilespmem:s17+$0xC000] =	vst v9;
	v4 =	vadd.f32 v4, v53;
	v7 =	vadd.f32 v7, v53  }
0x2b6: {  	v16 =	vld [tilespmem:s17+$0x10280];
	v6 =	vmul.f32 $3.200000000e+01, v46;
	[tilespmem:s26+$0x12000] =	vst v14;
	v14 =	vadd.f32 v23, v54;
	v9 =	vadd.f32 v3, v22  }
0x2b7: {  	v21 =	vmul.f32 $3.200000000e+01, v21;
	v1 =	vld [tilespmem:s17+$0xA280];
	[tilespmem:s17+$0x10000] =	vst v5;
	v57 =	vadd.f32 v15, v22;
	v59 =	vadd.f32 v2, v22  }
0x2b8: {  	s22 =	sor.u32 s10, s13;
	v60 =	vadd.f32 v17, v22;
	v2 =	vld [tilespmem:s28+$0xA000];
	v15 =	vmul.f32 $3.200000000e+01, v11;
	v11 =	vadd.f32 v6, v54;
	[tilespmem:s17+$0xE000] =	vst v4  }
0x2b9: {  	s13 =	sor.u32 $0x380, s22;
	v62 =	vmul.f32 $3.200000000e+01, v12;
	[tilespmem:s17+$0x12000] =	vst v7;
	v17 =	vadd.f32 v55, v19;
	v24 =	vadd.f32 v21, v27;
	v21 =	vld [tilespmem:s28+$0x12000]  }
0x2ba: {  	v12 =	vadd.f32 v26, v19;
	v63 =	vadd.f32 v18, v27;
	v4 =	vmul.f32 $3.200000000e+01, v20;
	[tilespmem:s17+$0xC080] =	vst v9;
	v20 =	vld [tilespmem:s13+$0xC000]  }
0x2bb: {  	v23 =	vmul.f32 $3.200000000e+01, v58;
	v6 =	vld [tilespmem:s13+$0xE000];
	v22 =	vadd.f32 v8, v27;
	v13 =	vadd.f32 v10, v27;
	[tilespmem:s17+$0xE080] =	vst v57  }
0x2bc: {  	v5 =	vld [tilespmem:s13+$0x10000];
	v3 =	vmul.f32 $3.200000000e+01, v16;
	v9 =	vadd.f32 v28, v54;
	v16 =	vadd.f32 v29, v54;
	[tilespmem:s17+$0x10080] =	vst v59  }
0x2bd: {  	s25 =	sor.u32 s25, s24;
	s30 =	sor.u32 s8, s23;
	v7 =	vld [tilespmem:s13+$0x12000];
	v10 =	vadd.f32 v25, v19;
	v25 =	vmul.f32 $3.200000000e+01, v61;
	[tilespmem:s17+$0x12080] =	vst v60;
	v18 =	vadd.f32 v56, v19  }
0x2be: {  	s24 =	sor.u32 $0x380, s25;
	s25 =	sor.u32 $0x300, s11;
	s10 =	sor.u32 $0x380, s30;
	v19 =	vadd.f32 v62, v1;
	v8 =	vld [tilespmem:s26+$0xC000];
	[tilespmem:s17+$0xC100] =	vst v63;
	v26 =	vmul.f32 $3.200000000e+01, v21;
	v21 =	vadd.f32 v32, v1  }
.LBB2_5:
0x2bf: {  	s23 =	sadd.s32 $0x20, s23;
	[tilespmem:s17+$0xE100] =	vst v24;
	v24 =	vadd.f32 v3, v1;
	v27 =	vadd.f32 v4, v1;
	v1 =	vld [tilespmem:s26+$0xE000];
	s8 =	sadd.s32 $0x100, s8;
	v3 =	vmul.f32 $3.200000000e+01, v20  }
0x2c0: {  	v15 =	vadd.f32 v15, v2;
	v20 =	vadd.f32 v23, v2;
	s3 =	sand.u32 $0x60, s23;
	s4 =	sand.u32 $0x1C00, s8;
	s6 =	sor.u32 s8, s23;
	[tilespmem:s17+$0x10100] =	vst v22;
	v4 =	vld [tilespmem:s26+$0x10000];
	v6 =	vmul.f32 $3.200000000e+01, v6  }
0x2c1: {  	p1 =	slt.u32 s23, $0x3E0;
	s4 =	sor.u32 s3, s4;
	s3 =	sor.u32 $0x380, s6;
	[tilespmem:s17+$0x12100] =	vst v13;
	v13 =	vadd.f32 v25, v2;
	v2 =	vadd.f32 v26, v2;
	v22 =	vld [tilespmem:s13+$0xA000];
	v23 =	vmul.f32 $3.200000000e+01, v5  }
0x2c2: {  	v25 =	vld [tilespmem:s4+$0xA010];
	[tilespmem:s17+$0xC180] =	vst v14;
	v14 =	vmul.f32 $3.200000000e+01, v7  }
0x2c3: {  	v26 =	vld [tilespmem:s4+$0xA090];
	[tilespmem:s17+$0xE180] =	vst v9;
	v5 =	vmul.f32 $3.200000000e+01, v8  }
0x2c4: {  	v28 =	vld [tilespmem:s4+$0xA110];
	[tilespmem:s17+$0x10180] =	vst v16;
	v16 =	vmul.f32 $3.200000000e+01, v1  }
0x2c5: {  	v29 =	vld [tilespmem:s4+$0xA190];
	[tilespmem:s17+$0x12180] =	vst v11;
	v1 =	vadd.f32 v5, v0;
	v11 =	vmul.f32 $3.200000000e+01, v4  }
0x2c6: {  	v9 =	vld [tilespmem:s4+$0xA210];
	[tilespmem:s17+$0xC200] =	vst v17;
	v7 =	vadd.f32 v3, v22;
	v5 =	vadd.f32 v6, v22  }
0x2c7: {  	v6 =	vadd.f32 v23, v22;
	v4 =	vadd.f32 v14, v22;
	v8 =	vld [tilespmem:s4+$0xA290];
	[tilespmem:s17+$0xE200] =	vst v10  }
0x2c8: {  	v3 =	vadd.f32 v16, v0;
	v0 =	vadd.f32 v11, v0;
	v10 =	vld [tilespmem:s4+$0xC010];
	[tilespmem:s17+$0x10200] =	vst v18  }
0x2c9: {  	v11 =	vld [tilespmem:s4+$0xE010];
	[tilespmem:s17+$0x12200] =	vst v12  }
0x2ca: {  	v12 =	vld [tilespmem:s4+$0x10010];
	[tilespmem:s17+$0xC280] =	vst v21  }
0x2cb: {  	v14 =	vld [tilespmem:s4+$0x12010];
	[tilespmem:s17+$0xE280] =	vst v19  }
0x2cc: {  	v16 =	vld [tilespmem:s4+$0xC090];
	[tilespmem:s17+$0x10280] =	vst v24  }
0x2cd: {  	v10 =	vmul.f32 $3.200000000e+01, v10;
	v17 =	vld [tilespmem:s4+$0xE090];
	[tilespmem:s17+$0x12280] =	vst v27;
	s17 =	smov.u32 s4  }
0x2ce: {  	v11 =	vmul.f32 $3.200000000e+01, v11;
	v18 =	vld [tilespmem:s17+$0x10090];
	[tilespmem:s28+$0xC000] =	vst v15  }
0x2cf: {  	v10 =	vadd.f32 v10, v25;
	v12 =	vmul.f32 $3.200000000e+01, v12;
	v15 =	vld [tilespmem:s17+$0x12090];
	[tilespmem:s28+$0xE000] =	vst v20  }
0x2d0: {  	v11 =	vadd.f32 v11, v25;
	v14 =	vmul.f32 $3.200000000e+01, v14;
	v19 =	vld [tilespmem:s17+$0xC110];
	[tilespmem:s28+$0x10000] =	vst v13  }
0x2d1: {  	[tilespmem:s17+$0xC010] =	vst v10;
	v10 =	vadd.f32 v12, v25;
	v12 =	vmul.f32 $3.200000000e+01, v16;
	v13 =	vld [tilespmem:s17+$0xE110]  }
0x2d2: {  	[tilespmem:s17+$0xE010] =	vst v11;
	v11 =	vadd.f32 v14, v25;
	v14 =	vmul.f32 $3.200000000e+01, v17;
	v16 =	vld [tilespmem:s17+$0x10110]  }
0x2d3: {  	[tilespmem:s17+$0x10010] =	vst v10;
	v10 =	vadd.f32 v12, v26;
	v12 =	vmul.f32 $3.200000000e+01, v18;
	v17 =	vld [tilespmem:s17+$0x12110]  }
0x2d4: {  	[tilespmem:s17+$0x12010] =	vst v11;
	v11 =	vadd.f32 v14, v26;
	v14 =	vmul.f32 $3.200000000e+01, v15;
	v15 =	vld [tilespmem:s17+$0xC190]  }
0x2d5: {  	[tilespmem:s17+$0xC090] =	vst v10;
	v10 =	vadd.f32 v12, v26;
	v12 =	vmul.f32 $3.200000000e+01, v19;
	v18 =	vld [tilespmem:s17+$0xE190]  }
0x2d6: {  	[tilespmem:s17+$0xE090] =	vst v11;
	v11 =	vadd.f32 v14, v26;
	v13 =	vmul.f32 $3.200000000e+01, v13;
	v14 =	vld [tilespmem:s17+$0x10190]  }
0x2d7: {  	[tilespmem:s17+$0x10090] =	vst v10;
	v10 =	vadd.f32 v12, v28;
	v12 =	vmul.f32 $3.200000000e+01, v16;
	v16 =	vld [tilespmem:s17+$0x12190]  }
0x2d8: {  	[tilespmem:s17+$0x12090] =	vst v11;
	v11 =	vadd.f32 v13, v28;
	v13 =	vmul.f32 $3.200000000e+01, v17;
	v17 =	vld [tilespmem:s17+$0xC210]  }
0x2d9: {  	[tilespmem:s17+$0xC110] =	vst v10;
	v10 =	vadd.f32 v12, v28;
	v12 =	vmul.f32 $3.200000000e+01, v15;
	v15 =	vld [tilespmem:s17+$0xE210]  }
0x2da: {  	[tilespmem:s17+$0xE110] =	vst v11;
	v11 =	vadd.f32 v13, v28;
	v13 =	vmul.f32 $3.200000000e+01, v18;
	v18 =	vld [tilespmem:s17+$0x10210]  }
0x2db: {  	[tilespmem:s17+$0x10110] =	vst v10;
	v10 =	vadd.f32 v12, v29;
	v12 =	vmul.f32 $3.200000000e+01, v14;
	v14 =	vld [tilespmem:s17+$0x12210]  }
0x2dc: {  	[tilespmem:s17+$0x12110] =	vst v11;
	v11 =	vadd.f32 v13, v29;
	v13 =	vmul.f32 $3.200000000e+01, v16;
	v16 =	vld [tilespmem:s17+$0xC290]  }
0x2dd: {  	[tilespmem:s17+$0xC190] =	vst v10;
	v10 =	vadd.f32 v12, v29;
	v12 =	vmul.f32 $3.200000000e+01, v17;
	v17 =	vld [tilespmem:s17+$0xE290]  }
0x2de: {  	[tilespmem:s17+$0xE190] =	vst v11;
	v11 =	vadd.f32 v13, v29;
	v13 =	vmul.f32 $3.200000000e+01, v15;
	v15 =	vld [tilespmem:s17+$0x10290]  }
0x2df: {  	[tilespmem:s17+$0x10190] =	vst v10;
	v10 =	vadd.f32 v12, v9;
	v12 =	vmul.f32 $3.200000000e+01, v18;
	v18 =	vld [tilespmem:s17+$0x12290]  }
0x2e0: {  	v19 =	vld [tilespmem:s17+$0xC000];
	[tilespmem:s17+$0x12190] =	vst v11;
	v11 =	vadd.f32 v13, v9;
	v13 =	vmul.f32 $3.200000000e+01, v14  }
0x2e1: {  	v14 =	vld [tilespmem:s17+$0xE000];
	[tilespmem:s17+$0xC210] =	vst v10;
	v10 =	vadd.f32 v12, v9;
	v12 =	vmul.f32 $3.200000000e+01, v16  }
0x2e2: {  	v16 =	vld [tilespmem:s17+$0x10000];
	[tilespmem:s17+$0xE210] =	vst v11;
	v9 =	vadd.f32 v13, v9;
	v11 =	vmul.f32 $3.200000000e+01, v17  }
0x2e3: {  	s29 =	sadd.s32 $0x1, s29;
	v13 =	vld [tilespmem:s17+$0x12000];
	[tilespmem:s17+$0x10210] =	vst v10;
	v10 =	vadd.f32 v12, v8;
	v12 =	vmul.f32 $3.200000000e+01, v15  }
0x2e4: {  	s4 =	sand.u32 $0x3, s29;
	v15 =	vld [tilespmem:s17+$0xC080];
	[tilespmem:s17+$0x12210] =	vst v9;
	v9 =	vadd.f32 v11, v8;
	v11 =	vmul.f32 $3.200000000e+01, v18  }
0x2e5: {  	s4 =	sshll.u32 s4, $0x5;
	v17 =	vmul.f32 $3.200000000e+01, v19;
	v18 =	vld [tilespmem:s17+$0xE080];
	[tilespmem:s17+$0xC290] =	vst v10;
	v10 =	vadd.f32 v12, v8  }
0x2e6: {  	s4 =	sadd.s32 s4, s8;
	v12 =	vmul.f32 $3.200000000e+01, v14;
	v14 =	vld [tilespmem:s17+$0x10080];
	[tilespmem:s17+$0xE290] =	vst v9;
	v8 =	vadd.f32 v11, v8  }
0x2e7: {  	s6 =	sor.u32 $0x300, s4;
	s4 =	sadd.s32 $0x10, s4;
	v9 =	vmul.f32 $3.200000000e+01, v16;
	v11 =	vld [tilespmem:s17+$0x12080];
	[tilespmem:s17+$0x10290] =	vst v10  }
0x2e8: {  	s11 =	sor.u32 $0x300, s4;
	v10 =	vmul.f32 $3.200000000e+01, v13;
	v13 =	vld [tilespmem:s17+$0xC100];
	[tilespmem:s17+$0x12290] =	vst v8  }
0x2e9: {  	v8 =	vmul.f32 $3.200000000e+01, v15;
	v15 =	vld [tilespmem:s11+$0xA000];
	[tilespmem:s28+$0x12000] =	vst v2;
	s28 =	smov.u32 s25;
	s25 =	smov.u32 s6  }
0x2ea: {  	v2 =	vmul.f32 $3.200000000e+01, v18;
	v16 =	vld [tilespmem:s11+$0xC000];
	[tilespmem:s13+$0xC000] =	vst v7  }
0x2eb: {  	v7 =	vmul.f32 $3.200000000e+01, v14;
	v14 =	vld [tilespmem:s11+$0xE000];
	[tilespmem:s13+$0xE000] =	vst v5  }
0x2ec: {  	v5 =	vmul.f32 $3.200000000e+01, v11;
	v11 =	vld [tilespmem:s11+$0x10000];
	[tilespmem:s13+$0x10000] =	vst v6  }
0x2ed: {  	v6 =	vmul.f32 $3.200000000e+01, v13;
	v13 =	vld [tilespmem:s11+$0x12000];
	[tilespmem:s13+$0x12000] =	vst v4;
	s13 =	smov.u32 s24;
	s24 =	smov.u32 s10;
	s10 =	smov.u32 s3  }
0x2ee: {  	v4 =	vld [tilespmem:s17+$0xE100];
	[tilespmem:s26+$0xC000] =	vst v1  }
0x2ef: {  	v1 =	vld [tilespmem:s17+$0x10100];
	v16 =	vmul.f32 $3.200000000e+01, v16;
	[tilespmem:s26+$0xE000] =	vst v3  }
0x2f0: {  	v3 =	vld [tilespmem:s17+$0x12100];
	v14 =	vmul.f32 $3.200000000e+01, v14;
	[tilespmem:s26+$0x10000] =	vst v0  }
0x2f1: {  	v0 =	vld [tilespmem:s17+$0xC180];
	v16 =	vadd.f32 v16, v15;
	v11 =	vmul.f32 $3.200000000e+01, v11  }
0x2f2: {  	v18 =	vld [tilespmem:s17+$0xE180];
	v14 =	vadd.f32 v14, v15;
	v13 =	vmul.f32 $3.200000000e+01, v13  }
0x2f3: {  	v19 =	vmul.f32 $3.200000000e+01, v4;
	v4 =	vld [tilespmem:s17+$0x10180];
	[tilespmem:s11+$0xC000] =	vst v16;
	v11 =	vadd.f32 v11, v15  }
0x2f4: {  	v16 =	vmul.f32 $3.200000000e+01, v1;
	v1 =	vld [tilespmem:s17+$0x12180];
	[tilespmem:s11+$0xE000] =	vst v14;
	v13 =	vadd.f32 v13, v15  }
0x2f5: {  	v14 =	vmul.f32 $3.200000000e+01, v3;
	v3 =	vld [tilespmem:s17+$0xC200];
	[tilespmem:s11+$0x10000] =	vst v11  }
0x2f6: {  	s26 =	sor.u32 $0x380, s4;
	v11 =	vmul.f32 $3.200000000e+01, v0;
	v15 =	vld [tilespmem:s17+$0xE200];
	[tilespmem:s11+$0x12000] =	vst v13  }
0x2f7: {  	v18 =	vmul.f32 $3.200000000e+01, v18;
	v13 =	vld [tilespmem:s26+$0x12000]  }
0x2f8: {  	v21 =	vmul.f32 $3.200000000e+01, v4;
	v4 =	vld [tilespmem:s17+$0x10200]  }
0x2f9: {  	v23 =	vmul.f32 $3.200000000e+01, v1;
	v0 =	vld [tilespmem:s26+$0xA000]  }
0x2fa: {  	v25 =	vmul.f32 $3.200000000e+01, v3;
	v1 =	vld [tilespmem:s17+$0x12200]  }
0x2fb: {  	v26 =	vmul.f32 $3.200000000e+01, v15;
	v3 =	vld [tilespmem:s17+$0xC280]  }
0x2fc: {  	v15 =	vld [tilespmem:s17+$0xE280];
	v13 =	vmul.f32 $3.200000000e+01, v13  }
0x2fd: {  	v27 =	vmul.f32 $3.200000000e+01, v4;
	v4 =	vld [tilespmem:s17+$0x10280]  }
0x2fe: {  	v20 =	vld [tilespmem:s17+$0x12280];
	v13 =	vadd.f32 v13, v0  }
0x2ff: {  	v22 =	vld [tilespmem:s17+$0xA000];
	v28 =	vmul.f32 $3.200000000e+01, v1  }
0x300: {  	v24 =	vld [tilespmem:s17+$0xA080];
	v29 =	vmul.f32 $3.200000000e+01, v3;
	[tilespmem:s26+$0x12000] =	vst v13  }
0x301: {  	v13 =	vld [tilespmem:s17+$0xA100];
	v30 =	vmul.f32 $3.200000000e+01, v15  }
0x302: {  	v31 =	vld [tilespmem:s17+$0xA180];
	v3 =	vmul.f32 $3.200000000e+01, v4  }
0x303: {  	v32 =	vld [tilespmem:s17+$0xA200];
	v4 =	vmul.f32 $3.200000000e+01, v20  }
0x304: {  	v15 =	vadd.f32 v17, v22;
	v12 =	vadd.f32 v12, v22;
	v1 =	vld [tilespmem:s17+$0xA280]  }
0x305: {  	v9 =	vadd.f32 v9, v22;
	v10 =	vadd.f32 v10, v22;
	v17 =	vld [tilespmem:s28+$0xC000]  }
0x306: {  	v8 =	vadd.f32 v8, v24;
	v33 =	vadd.f32 v2, v24;
	[tilespmem:s17+$0xC000] =	vst v15;
	v34 =	vld [tilespmem:s28+$0xE000]  }
0x307: {  	v7 =	vadd.f32 v7, v24;
	[tilespmem:s17+$0xE000] =	vst v12;
	v12 =	vadd.f32 v5, v24;
	v5 =	vld [tilespmem:s28+$0x10000]  }
0x308: {  	v35 =	vadd.f32 v6, v13;
	v24 =	vadd.f32 v19, v13;
	[tilespmem:s17+$0x10000] =	vst v9;
	v19 =	vld [tilespmem:s28+$0x12000]  }
0x309: {  	v22 =	vadd.f32 v16, v13;
	v13 =	vadd.f32 v14, v13;
	[tilespmem:s17+$0x12000] =	vst v10;
	v2 =	vld [tilespmem:s28+$0xA000]  }
.Ltmp3:
0x30a: {  	v14 =	vadd.f32 v11, v31;
	v9 =	vadd.f32 v18, v31;
	[tilespmem:s17+$0xC080] =	vst v8;
	v15 =	vmul.f32 $3.200000000e+01, v17;
	v20 =	vld [tilespmem:s13+$0xC000];
	(pc) =	sbr.rel @p1 .LBB2_5-.Ltmp3, $4  }
0x30b: {  	v16 =	vadd.f32 v21, v31;
	v11 =	vadd.f32 v23, v31;
	[tilespmem:s17+$0xE080] =	vst v33;
	v23 =	vmul.f32 $3.200000000e+01, v34;
	v6 =	vld [tilespmem:s13+$0xE000]  }
0x30c: {  	v10 =	vadd.f32 v26, v32;
	v17 =	vadd.f32 v25, v32;
	[tilespmem:s17+$0x10080] =	vst v7;
	v25 =	vmul.f32 $3.200000000e+01, v5;
	v5 =	vld [tilespmem:s13+$0x10000]  }
0x30d: {  	v18 =	vadd.f32 v27, v32;
	[tilespmem:s17+$0x12080] =	vst v12;
	v12 =	vadd.f32 v28, v32;
	v26 =	vmul.f32 $3.200000000e+01, v19;
	v7 =	vld [tilespmem:s13+$0x12000]  }
0x30e: {  	v21 =	vadd.f32 v29, v1;
	v19 =	vadd.f32 v30, v1;
	[tilespmem:s17+$0xC100] =	vst v35;
	v8 =	vld [tilespmem:s26+$0xC000]  }
0x30f: {  	[tilespmem:s17+$0xE100] =	vst v24  }
0x310: {  	[tilespmem:s17+$0x10100] =	vst v22  }
0x311: {  	[tilespmem:s17+$0x12100] =	vst v13  }
0x312: {  	[tilespmem:s17+$0xC180] =	vst v14  }
0x313: {  	[tilespmem:s17+$0xE180] =	vst v9  }
0x314: {  	[tilespmem:s17+$0x10180] =	vst v16  }
0x315: {  	[tilespmem:s17+$0x12180] =	vst v11  }
0x316: {  	[tilespmem:s17+$0xC200] =	vst v17  }
0x317: {  	[tilespmem:s17+$0xE200] =	vst v10  }
0x318: {  	[tilespmem:s17+$0x10200] =	vst v18  }
0x319: {  	[tilespmem:s17+$0x12200] =	vst v12  }
0x31a: {  	v3 =	vadd.f32 v3, v1;
	[tilespmem:s17+$0xC280] =	vst v21  }
0x31b: {  	v30 =	vadd.f32 v4, v1;
	[tilespmem:s17+$0xE280] =	vst v19  }
0x31c: {  	[tilespmem:s17+$0x10280] =	vst v3  }
0x31d: {  	v31 =	vld [tilespmem:s13+$0xA000];
	[tilespmem:s17+$0x12280] =	vst v30  }
0x31e: {  	v1 =	vld [tilespmem:s25+$0xC000]  }
0x31f: {  	v32 =	vld [tilespmem:s25+$0xE000]  }
0x320: {  	v9 =	vld [tilespmem:s25+$0x10000]  }
0x321: {  	v33 =	vadd.f32 v15, v2;
	v11 =	vld [tilespmem:s25+$0xA000]  }
0x322: {  	v34 =	vadd.f32 v23, v2;
	v13 =	vld [tilespmem:s25+$0x12000]  }
0x323: {  	v35 =	vmul.f32 $3.200000000e+01, v20;
	v36 =	vadd.f32 v25, v2;
	[tilespmem:s28+$0xC000] =	vst v33  }
0x324: {  	v37 =	vadd.f32 v26, v2;
	[tilespmem:s28+$0xE000] =	vst v34;
	v1 =	vmul.f32 $3.200000000e+01, v1  }
0x325: {  	v38 =	vld [tilespmem:s26+$0xE000];
	[tilespmem:s28+$0x10000] =	vst v36;
	v39 =	vadd.f32 v35, v31;
	v4 =	vmul.f32 $3.200000000e+01, v32  }
0x326: {  	v40 =	vld [tilespmem:s26+$0x10000];
	[tilespmem:s28+$0x12000] =	vst v37;
	v41 =	vmul.f32 $3.200000000e+01, v9;
	v1 =	vadd.f32 v1, v11  }
0x327: {  	v42 =	vld [tilespmem:s24+$0xC000];
	[tilespmem:s13+$0xC000] =	vst v39;
	v43 =	vmul.f32 $3.200000000e+01, v13;
	v4 =	vadd.f32 v4, v11  }
0x328: {  	v6 =	vmul.f32 $3.200000000e+01, v6;
	v46 =	vld [tilespmem:s24+$0x10000];
	v2 =	vadd.f32 v41, v11;
	[tilespmem:s25+$0xC000] =	vst v1  }
0x329: {  	v47 =	vmul.f32 $3.200000000e+01, v7;
	v50 =	vld [tilespmem:s24+$0xA000];
	v11 =	vadd.f32 v43, v11;
	[tilespmem:s25+$0xE000] =	vst v4  }
0x32a: {  	v44 =	vld [tilespmem:s24+$0xE000];
	v6 =	vadd.f32 v6, v31;
	v10 =	vmul.f32 $3.200000000e+01, v38;
	[tilespmem:s25+$0x10000] =	vst v2  }
0x32b: {  	v48 =	vld [tilespmem:s24+$0x12000];
	v3 =	vadd.f32 v47, v31;
	v52 =	vmul.f32 $3.200000000e+01, v40;
	[tilespmem:s25+$0x12000] =	vst v11  }
0x32c: {  	[tilespmem:s13+$0xE000] =	vst v6;
	v10 =	vadd.f32 v10, v0;
	v54 =	vmul.f32 $3.200000000e+01, v42;
	v51 =	vld [tilespmem:s10+$0xC000]  }
0x32d: {  	v45 =	vmul.f32 $3.200000000e+01, v5;
	[tilespmem:s13+$0x12000] =	vst v3;
	v56 =	vadd.f32 v52, v0;
	v5 =	vmul.f32 $3.200000000e+01, v46;
	v53 =	vld [tilespmem:s10+$0xE000]  }
0x32e: {  	[tilespmem:s26+$0xE000] =	vst v10;
	v3 =	vadd.f32 v54, v50;
	v55 =	vld [tilespmem:s10+$0x10000]  }
0x32f: {  	v49 =	vmul.f32 $3.200000000e+01, v8;
	[tilespmem:s26+$0x10000] =	vst v56;
	v5 =	vadd.f32 v5, v50;
	v58 =	vld [tilespmem:s10+$0xA000]  }
0x330: {  	v60 =	vmul.f32 $3.200000000e+01, v48;
	v1 =	vadd.f32 v45, v31;
	[tilespmem:s24+$0xC000] =	vst v3;
	v59 =	vld [tilespmem:s10+$0x12000]  }
0x331: {  	v57 =	vmul.f32 $3.200000000e+01, v44;
	v2 =	vadd.f32 v49, v0;
	[tilespmem:s24+$0x10000] =	vst v5  }
0x332: {  	v0 =	vadd.f32 v60, v50;
	[tilespmem:s13+$0x10000] =	vst v1;
	v61 =	vmul.f32 $3.200000000e+01, v51  }
0x333: {  	[tilespmem:s26+$0xC000] =	vst v2;
	v2 =	vadd.f32 v57, v50;
	v1 =	vmul.f32 $3.200000000e+01, v53  }
0x334: {  	[tilespmem:s24+$0x12000] =	vst v0;
	v62 =	vmul.f32 $3.200000000e+01, v55;
	v3 =	vadd.f32 v61, v58  }
0x335: {  	[tilespmem:s24+$0xE000] =	vst v2;
	v63 =	vmul.f32 $3.200000000e+01, v59;
	v1 =	vadd.f32 v1, v58  }
0x336: {  	v2 =	vadd.f32 v62, v58;
	[tilespmem:s10+$0xC000] =	vst v3  }
0x337: {  	v0 =	vadd.f32 v63, v58;
	[tilespmem:s10+$0xE000] =	vst v1  }
0x338: {  	s3 =	sadd.s32 s2, s16;
	[tilespmem:s10+$0x10000] =	vst v2  }
0x339: {  	s8 =	simm.s32 $0xC000;
	s4 =	sadd.s32 s31, s3;
	[tilespmem:s10+$0x12000] =	vst v0  }
0x33a: {  	[hbm4b:s4+s5] =	stream.linear.scatter [tilespmem:s8], [sflag:$0x4], $0x2000, $0x38;
	[tilespmem:$0x14000] =	vst v63  }
0x33b: {  	s29 =	sadd.s32 s3, s18;
	s10 =	simm.s32 $0xE000  }
0x33c: {  	[hbm4b:s29+s5] =	stream.linear.scatter [tilespmem:s10], [sflag:$0x4], $0x2000, $0x38;
	[tilespmem:$0x14000] =	vst v63  }
.Ltmp4:
0x33d: {  	_ = 	snop;
	(pc) =	sbr.rel @p0 .LBB2_8-.Ltmp4, $4  }
0x33e: {  	s30 =	smov.u32 s31;
	s11 =	simm.s32 $0x10000;
	s31 =	sadd.s32 s3, s19  }
0x33f: {  	[hbm4b:s31+s5] =	stream.linear.scatter [tilespmem:s11], [sflag:$0x4], $0x2000, $0x38;
	[tilespmem:$0x14000] =	vst v63  }
0x340: {  	s3 =	sadd.s32 s3, s20;
	s13 =	simm.s32 $0x12000  }
0x341: {  	[hbm4b:s3+s5] =	stream.linear.scatter [tilespmem:s13], [sflag:$0x4], $0x2000, $0x38;
	[tilespmem:$0x14000] =	vst v63  }
0x342: {  	_ =	swait.ge [sflag:s12], $0x2000  }
0x343: {  	[sflag:s12] =	ssyncset.done $0x0  }
0x344: {  	[sflag:s12] =	ssyncadd.s32 $0xFFFFE000  }
0x345: {  	_ =	swait.ge [sflag:s12], $0x2000  }
0x346: {  	[sflag:s12] =	ssyncset.done $0x0  }
0x347: {  	[sflag:s12] =	ssyncadd.s32 $0xFFFFE000  }
0x348: {  	_ =	swait.ge [sflag:s12], $0x2000  }
0x349: {  	[sflag:s12] =	ssyncset.done $0x0  }
0x34a: {  	[sflag:s12] =	ssyncadd.s32 $0xFFFFE000  }
0x34b: {  	_ =	swait.ge [sflag:s12], $0x2000  }
0x34c: {  	s3 =	rddreg [dreg:$0xf];
	[sflag:s12] =	ssyncset.done $0x0  }
0x34d: {  	s3 =	sadd.s32 s15, s3;
	[sflag:s12] =	ssyncadd.s32 $0xFFFFE000  }
0x34e: {  	s3 =	sshll.u32 s3, $0xA;
	s4 =	rddreg [dreg:$0x1]  }
0x34f: {  	s6 =	simm.s32 $0xA000;
	s4 =	sadd.s32 s4, s3;
	s28 =	sand.u32 $0x1FFFFC00, s3  }
0x350: {  	[tilespmem:s6], [sflag:$0x2] =	stream.linear.gather [hbm4b:s4+s5], $0x2000, $0x38;
	[tilespmem:$0x14000] =	vst v63  }
0x351: {  	s26 =	sadd.s32 s1, s3;
	s4 =	sadd.s32 s1, s28  }
0x352: {  	[tilespmem:s8], [sflag:$0x2] =	stream.linear.gather [hbm4b:s26+s5], $0x2000, $0x38;
	[tilespmem:$0x14000] =	vst v63  }
0x353: {  	s29 =	sadd.s32 $0x80000, s4  }
0x354: {  	[tilespmem:s10], [sflag:$0x2] =	stream.linear.gather [hbm4b:s29+s5], $0x2000, $0x38;
	[tilespmem:$0x14000] =	vst v63  }
.Ltmp5:
0x355: {  	s3 =	sor.u32 $0x100000, s3;
	(pc) =	sbr.rel .LBB2_2-.Ltmp5, $4  }
0x356: {  	s3 =	sadd.s32 s1, s3  }
0x357: {  	[tilespmem:s11], [sflag:$0x2] =	stream.linear.gather [hbm4b:s3+s5], $0x2000, $0x38;
	[tilespmem:$0x14000] =	vst v63  }
0x358: {  	s14 =	sadd.s32 $0x1, s14;
	s31 =	sadd.s32 $0x180000, s4  }
0x359: {  	[tilespmem:s13], [sflag:$0x2] =	stream.linear.gather [hbm4b:s31+s5], $0x2000, $0x38;
	[tilespmem:$0x14000] =	vst v63  }
.LBB2_9:
0x35a: {  	_ =	sfence.sel $0x180000  }
0x35b: {  	[bflag:$0x0] =	sbarrier.arrive $0xFFFF  }
0x35c: {  	_ =	strace $0x90000047  }
0x35d: {  	s0 =	stileid.u32;
	[bflag:$0x2] =	sbarrier.arrive $0xFFFF  }
0x35e: {  	p0 =	sne.s32 s0, $0x0;
	s0 =	rddreg [dreg:$0x3]  }
0x35f: {  	s0 =	sadd.s32 @!p0 $0x100000, s0  }
0x360: {  	[sflag:s0] =	ssyncadd.tile.s32 @!p0 $0x1;
	_ =	shalt  }
.Lfunc_end2:
_tile_overlayer_lowered:
.L_overlay_start_2:
0x361: {  	(tag) =	ssettag $0x2  }
0x362: {  	s0 =	rddreg [dreg:$0x0];
	s2 =	stileid.u32  }
0x363: {  	s1 =	rddreg [dreg:$0x1];
	p0 =	sne.s32 s2, $0x0  }
0x364: {  	s3 =	rddreg [dreg:$0x2];
	[bflag:$0x3] =	sbarrier.arrive $0xFFFF;
	s2 =	simm.s32 @!p0 $0x1C05  }
0x365: {  	[timem:s3], [sflag:s2] =	dma.local @!p0 [hbm:s0], s1  }
0x366: {  	s0 =	simm.s32 @!p0 $0x5  }
0x367: {  	_ =	swait.ge @!p0 [sflag:s0], s1  }
0x368: {  	s1 =	ssub.s32 @!p0 $0x0, s1;
	[sflag:s0] =	ssyncset.done @!p0 $0x0  }
0x369: {  	[sflag:s0] =	ssyncadd.s32 @!p0 s1  }
0x36a: {  	[bflag:$0x3] =	sbarrier.arrive $0xFFFF  }
0x36b: {  	_ =	shalt  }

</sc_bundles>
